<compile_context>
chip_gen: v7x
topology: tpu7x:2x2x1
jax: 0.10.2.dev20260603
libtpu: 0.0.44.dev20260713+nightly
codegen_flags: <defaults>
</compile_context>

<pallas_src>
import functools

import jax
import jax.numpy as jnp
from jax import lax
from jax.experimental import pallas as pl
from jax.experimental.pallas import tpu as pltpu
from jax.experimental.pallas import tpu_sc as plsc

N = 10000
E = 320000
D = 128
NP = 10240
NCORE = 2
NSUB = 16
TILES = NCORE * NSUB
PER_TILE = 10240
EP = TILES * PER_TILE
PAD = EP - E
ER = EP // 128

@functools.cache
def _get_mesh():
    return plsc.VectorSubcoreMesh(
        core_axis_name="c", subcore_axis_name="s",
        num_cores=NCORE, num_subcores=NSUB)


@functools.cache
def _get_deg_kernel():
    return functools.partial(
        pl.kernel,
        out_type=jax.ShapeDtypeStruct((NCORE, 2, NP), jnp.float32),
        mesh=_get_mesh(),
        scratch_types=[
            pltpu.VMEM((PER_TILE // 128, 128), jnp.int32),
            pltpu.VMEM((PER_TILE // 128, 128), jnp.int32),
            pltpu.VMEM((128,), jnp.float32),
            pltpu.VMEM_SHARED((NP,), jnp.float32),
            pltpu.VMEM_SHARED((NP,), jnp.float32),
            pltpu.SemaphoreType.DMA,
            pltpu.SemaphoreType.DMA,
        ],
    )(_deg_body)


def _deg_body(src2_h, dst2_h, ones_h, zero1_h, out_h,
              iv_s, iv_d, ones_v, accs, accd, sem_s, sem_d):
    cid = lax.axis_index("c")
    sid = lax.axis_index("s")
    tid = cid * NSUB + sid
    pltpu.sync_copy(ones_h, ones_v)
    pltpu.sync_copy(src2_h.at[pl.ds(tid * (PER_TILE // 128),
                                    PER_TILE // 128), :], iv_s)
    pltpu.sync_copy(dst2_h.at[pl.ds(tid * (PER_TILE // 128),
                                    PER_TILE // 128), :], iv_d)

    @pl.when(sid == 0)
    def _():
        pltpu.sync_copy(zero1_h, accs)

    @pl.when(sid == 1)
    def _():
        pltpu.sync_copy(zero1_h, accd)

    plsc.subcore_barrier()

    _B = 8

    def body(i, carry):
        for j in range(_B):
            r = i * _B + j
            pltpu.async_copy(ones_v, accs.at[iv_s.at[r]], sem_s, add=True)
            pltpu.async_copy(ones_v, accd.at[iv_d.at[r]], sem_d, add=True)
        for j in range(_B):
            r = i * _B + j
            pltpu.make_async_copy(ones_v, accs.at[iv_s.at[r]], sem_s).wait()
            pltpu.make_async_copy(ones_v, accd.at[iv_d.at[r]], sem_d).wait()
        return carry

    lax.fori_loop(0, PER_TILE // 128 // _B, body, 0)
    plsc.subcore_barrier()
    pltpu.sync_copy(accs.at[pl.ds(sid * (NP // NSUB), NP // NSUB)],
                    out_h.at[cid, 0, pl.ds(sid * (NP // NSUB), NP // NSUB)])
    pltpu.sync_copy(accd.at[pl.ds(sid * (NP // NSUB), NP // NSUB)],
                    out_h.at[cid, 1, pl.ds(sid * (NP // NSUB), NP // NSUB)])


_CH = 128
_NCH = PER_TILE // _CH


@functools.cache
def _get_agg_kernel():
    return functools.partial(
        pl.kernel,
        out_type=jax.ShapeDtypeStruct((NCORE, NP, D), jnp.float32),
        mesh=_get_mesh(),
        scratch_types=[
            pltpu.VMEM((PER_TILE,), jnp.int32),
            pltpu.VMEM((_CH,), jnp.int32),
            pltpu.VMEM((_CH,), jnp.int32),
            pltpu.VMEM((1, _CH), jnp.int32),
            pltpu.VMEM((1, _CH), jnp.int32),
            pltpu.VMEM((_CH, D), jnp.float32),
            pltpu.VMEM((_CH, D), jnp.float32),
            pltpu.VMEM_SHARED((NP, D), jnp.float32),
            pltpu.SemaphoreType.DMA,
            pltpu.SemaphoreType.DMA,
        ],
    )(_agg_body)


def _agg_body(y_h, epk_h, zrow_h, out_h, epk_v, sv0, sv1, dv0, dv1,
              rows0, rows1, acc, gsem0, gsem1):
    cid = lax.axis_index("c")
    sid = lax.axis_index("s")
    tid = cid * NSUB + sid
    stripe = NP // NSUB
    pltpu.sync_copy(epk_h.at[pl.ds(tid * PER_TILE, PER_TILE)], epk_v)
    pltpu.sync_copy(zrow_h, acc.at[pl.ds(sid * stripe, stripe), :])
    plsc.subcore_barrier()

    def unpack(i, sv, dv):
        for k in range(_CH // 16):
            w = epk_v[pl.ds(i * _CH + k * 16, 16)]
            sv[pl.ds(k * 16, 16)] = lax.shift_right_logical(w, 16)
            dv[0, pl.ds(k * 16, 16)] = lax.bitwise_and(w, 0xFFFF)

    unpack(0, sv0, dv0)
    pltpu.async_copy(y_h.at[sv0], rows0, gsem0)
    nsteps = _NCH // 2

    def step(s, carry):
        i0 = s * 2
        unpack(i0 + 1, sv1, dv1)
        pltpu.make_async_copy(y_h.at[sv0], rows0, gsem0).wait()
        pltpu.async_copy(y_h.at[sv1], rows1, gsem1)
        pltpu.sync_copy(rows0, acc.at[dv0.at[0]], add=True)

        @pl.when(s + 1 < nsteps)
        def _():
            unpack(i0 + 2, sv0, dv0)

        pltpu.make_async_copy(y_h.at[sv1], rows1, gsem1).wait()

        @pl.when(s + 1 < nsteps)
        def _():
            pltpu.async_copy(y_h.at[sv0], rows0, gsem0)

        pltpu.sync_copy(rows1, acc.at[dv1.at[0]], add=True)
        return carry

    lax.fori_loop(0, nsteps, step, 0)
    plsc.subcore_barrier()
    pltpu.sync_copy(acc.at[pl.ds(sid * stripe, stripe), :],
                    out_h.at[cid, pl.ds(sid * stripe, stripe), :])


def _norms(degs, which):
    d = degs[0, which] + degs[1, which]
    return jnp.where(d > 0, lax.rsqrt(d), 0.0)


def _tc_a_body(h_ref, w1_ref, m1_ref, sumh_ref):
    h = h_ref[...]
    m1_ref[pl.ds(0, N), :] = jnp.dot(h, w1_ref[...],
                                     preferred_element_type=jnp.float32)
    m1_ref[pl.ds(N, NP - N), :] = jnp.zeros((NP - N, D), jnp.float32)
    sumh_ref[...] = jnp.sum(h, axis=0, keepdims=True)


def _tc_scale_body(m1_ref, degs_ref, y_ref):
    ns = _norms(degs_ref[...], 0)
    y_ref[...] = m1_ref[...] * ns[:, None]


def _bn_relu_masked(parts, nd, g, be):
    a = (parts[0] + parts[1]) * nd[:, None]
    m = jnp.sum(a, axis=0, keepdims=True) / N
    msq = jnp.sum(a * a, axis=0, keepdims=True) / N
    v = msq - m * m
    z = (a - m) * lax.rsqrt(v + 1e-5) * g + be
    z = jnp.maximum(z, 0.0)
    mask = lax.broadcasted_iota(jnp.int32, (NP, 1), 0) < N
    return jnp.where(mask, z, 0.0)


def _tc_b_body(parts_ref, degs_ref, w2_ref, g1_ref, be1_ref, y2_ref, sumz_ref):
    degs = degs_ref[...]
    nd = _norms(degs, 1)
    ns = _norms(degs, 0)
    z = _bn_relu_masked(parts_ref[...], nd, g1_ref[...], be1_ref[...])
    sumz_ref[...] = jnp.sum(z, axis=0, keepdims=True)
    y2_ref[...] = jnp.dot(z * ns[:, None], w2_ref[...],
                          preferred_element_type=jnp.float32)


def _tc_c_body(parts_ref, degs_ref, g2_ref, be2_ref, sumh_ref, sumz1_ref,
               pw0_ref, pb0_ref, pw1_ref, pb1_ref, pw2_ref, pb2_ref, out_ref):
    degs = degs_ref[...]
    nd = _norms(degs, 1)
    z2 = _bn_relu_masked(parts_ref[...], nd, g2_ref[...], be2_ref[...])
    s2 = jnp.sum(z2, axis=0, keepdims=True)
    out_ref[...] = (
        jnp.dot(sumh_ref[...], pw0_ref[...], preferred_element_type=jnp.float32)
        + pb0_ref[...]
        + jnp.dot(sumz1_ref[...], pw1_ref[...], preferred_element_type=jnp.float32)
        + pb1_ref[...]
        + jnp.dot(s2, pw2_ref[...], preferred_element_type=jnp.float32)
        + pb2_ref[...])


_tc_a = pl.pallas_call(
    _tc_a_body,
    out_shape=(jax.ShapeDtypeStruct((NP, D), jnp.float32),
               jax.ShapeDtypeStruct((1, D), jnp.float32)))

_tc_scale = pl.pallas_call(
    _tc_scale_body,
    out_shape=jax.ShapeDtypeStruct((NP, D), jnp.float32))

_tc_b = pl.pallas_call(
    _tc_b_body,
    out_shape=(jax.ShapeDtypeStruct((NP, D), jnp.float32),
               jax.ShapeDtypeStruct((1, D), jnp.float32)))

_tc_c = pl.pallas_call(
    _tc_c_body,
    out_shape=jax.ShapeDtypeStruct((1, D), jnp.float32))


def kernel(h, edge_index, W1, b1, W2, b2, g1, be1, g2, be2,
           PW0, PB0, PW1, PB1, PW2, PB2):
    pad_vals = (N + (jnp.arange(PAD, dtype=jnp.int32) % (NP - N))).astype(jnp.int32)
    srcp = jnp.concatenate([edge_index[0], pad_vals])
    dstp = jnp.concatenate([edge_index[1], pad_vals])
    src2 = srcp.reshape(ER, 128)
    dst2 = dstp.reshape(ER, 128)
    zrow = jnp.zeros((NP // NSUB, D), jnp.float32)
    zero1 = jnp.zeros((NP,), jnp.float32)
    ones128 = jnp.ones((128,), jnp.float32)

    epk = jnp.bitwise_or(jnp.left_shift(srcp, 16), dstp)

    degs = _get_deg_kernel()(src2, dst2, ones128, zero1)
    m1, sumh = _tc_a(h, W1)
    y1 = _tc_scale(m1, degs)
    parts1 = _get_agg_kernel()(y1, epk, zrow)
    y2, sumz1 = _tc_b(parts1, degs, W2, g1, be1)
    parts2 = _get_agg_kernel()(y2, epk, zrow)
    return _tc_c(parts2, degs, g2, be2, sumh, sumz1,
                 PW0, PB0, PW1, PB1, PW2, PB2)

# --- scband reference (transcript-rebuilt; emitter-appended) ---
"""Pipeline reference for scband-gcn-6665789243512 (READ-ONLY COPY).

The authoritative reference and input builder live on the scoring server;
editing this copy changes nothing except your own understanding.
"""

import jax, jax.numpy as jnp
import numpy as np

N = 10000
E = 320000
D = 128
H = 128
O = 128


def setup_inputs(seed: int = 0) -> dict:
    key = jax.random.key(seed)
    ks = jax.random.split(key, 20)
    h = jax.random.normal(ks[0], (N, D), dtype=jnp.float32)
    edge_index = jax.random.randint(ks[1], (2, E), 0, N, dtype=jnp.int32)
    W1 = jax.random.normal(ks[2], (D, H), dtype=jnp.float32) * 0.05
    b1 = jnp.zeros((H,), dtype=jnp.float32)
    W2 = jax.random.normal(ks[3], (H, H), dtype=jnp.float32) * 0.05
    b2 = jnp.zeros((H,), dtype=jnp.float32)
    g1 = jnp.ones((H,), dtype=jnp.float32)
    be1 = jnp.zeros((H,), dtype=jnp.float32)
    g2 = jnp.ones((H,), dtype=jnp.float32)
    be2 = jnp.zeros((H,), dtype=jnp.float32)
    PW0 = jax.random.normal(ks[4], (D, O), dtype=jnp.float32) * 0.05
    PB0 = jnp.zeros((O,), dtype=jnp.float32)
    PW1 = jax.random.normal(ks[5], (H, O), dtype=jnp.float32) * 0.05
    PB1 = jnp.zeros((O,), dtype=jnp.float32)
    PW2 = jax.random.normal(ks[6], (H, O), dtype=jnp.float32) * 0.05
    PB2 = jnp.zeros((O,), dtype=jnp.float32)
    return {"h": h, "edge_index": edge_index, "W1": W1, "b1": b1, "W2": W2, "b2": b2,
            "g1": g1, "be1": be1, "g2": g2, "be2": be2,
            "PW0": PW0, "PB0": PB0, "PW1": PW1, "PB1": PB1, "PW2": PW2, "PB2": PB2}


def _graph_conv(x, src, dst, W, b):
    # DGL GraphConv with norm='both': symmetric degree normalization, sum aggregation
    deg_out = jnp.bincount(src, length=N).astype(jnp.float32)
    deg_in = jnp.bincount(dst, length=N).astype(jnp.float32)
    norm_s = jnp.where(deg_out > 0, deg_out ** -0.5, 0.0)
    norm_d = jnp.where(deg_in > 0, deg_in ** -0.5, 0.0)
    x = x * norm_s[:, None]
    agg = jnp.zeros((N, x.shape[1]), dtype=x.dtype).at[dst].add(x[src])
    agg = agg * norm_d[:, None]
    return agg @ W + b


def _bn(x, gamma, beta):
    m = jnp.mean(x, axis=0)
    v = jnp.var(x, axis=0)
    return (x - m) / jnp.sqrt(v + 1e-5) * gamma + beta


def reference(h, edge_index, W1, b1, W2, b2, g1, be1, g2, be2, PW0, PB0, PW1, PB1, PW2, PB2):
    src = edge_index[0]
    dst = edge_index[1]
    h1 = jax.nn.relu(_bn(_graph_conv(h, src, dst, W1, b1), g1, be1))
    h2 = jax.nn.relu(_bn(_graph_conv(h1, src, dst, W2, b2), g2, be2))
    hidden = [h, h1, h2]
    PWs = [PW0, PW1, PW2]
    PBs = [PB0, PB1, PB2]
    score = jnp.zeros((1, O), dtype=jnp.float32)
    for i in range(3):
        pooled = jnp.sum(hidden[i], axis=0, keepdims=True)  # SumPooling over single graph
        score = score + pooled @ PWs[i] + PBs[i]  # dropout = identity in eval
    return score

if __name__ == "__main__":
    import jax
    _d = setup_inputs()
    print(jax.jit(kernel)(*tuple(_d.values())))

</pallas_src>

<mosaic_0001>
#map = affine_map<(d0, d1) -> (0, 0)>
#map1 = affine_map<(d0, d1) -> (0)>
#map2 = affine_map<(d0, d1) -> (0, 0, 0)>
module attributes {stable_mosaic.version = 14 : i64} {
  func.func @_agg_body(%arg0: i32, %arg1: i32, %arg2: memref<10240x128xf32, #tpu.memory_space<hbm>>, %arg3: memref<327680xi32, #tpu.memory_space<hbm>>, %arg4: memref<640x128xf32, #tpu.memory_space<hbm>>, %arg5: memref<2x10240x128xf32, #tpu.memory_space<hbm>>, %arg6: memref<10240xi32, #tpu.memory_space<vmem>>, %arg7: memref<128xi32, #tpu.memory_space<vmem>>, %arg8: memref<128xi32, #tpu.memory_space<vmem>>, %arg9: memref<1x128xi32, #tpu.memory_space<vmem>>, %arg10: memref<1x128xi32, #tpu.memory_space<vmem>>, %arg11: memref<128x128xf32, #tpu.memory_space<vmem>>, %arg12: memref<128x128xf32, #tpu.memory_space<vmem>>, %arg13: memref<10240x128xf32, #tpu.memory_space<vmem_shared>>, %arg14: memref<!tpu.dma_semaphore, #tpu.memory_space<semaphore_mem>>, %arg15: memref<!tpu.dma_semaphore, #tpu.memory_space<semaphore_mem>>) attributes {dimension_semantics = [#tpu.dimension_semantics<core_parallel>, #tpu.dimension_semantics<subcore_parallel>], iteration_bounds = array<i64: 2, 16>, scalar_prefetch = 0 : i64, scratch_operands = 10 : i64, tpu.core_type = #tpu.core_type<sc_vector_subcore>, window_params = [{transform_indices = #map}, {transform_indices = #map1}, {transform_indices = #map}, {transform_indices = #map2}]} {
    %mul3A = arith.constant 16 : i32
    %mul3A_0 = arith.muli %arg0, %mul3A : i32
    %add3A = arith.addi %mul3A_0, %arg1 : i32
    %mul3A_1 = arith.constant 10240 : i32
    %mul3A_2 = arith.muli %add3A, %mul3A_1 : i32
    "tpu.region"() ({
      %run_scoped3A = tpu.sem_alloc : memref<!tpu.dma_semaphore, #tpu.memory_space<semaphore_mem>>
      %dma_start3A_165 = tpu.memref_slice %arg3[%mul3A_2] : memref<327680xi32, #tpu.memory_space<hbm>> -> memref<10240xi32, #tpu.memory_space<hbm>>
      %dma_start3A_166 = tpu.memref_slice %arg3[%mul3A_2] : memref<327680xi32, #tpu.memory_space<hbm>> -> memref<10240xi32, #tpu.memory_space<hbm>>
      tpu.enqueue_dma source(%dma_start3A_166 : memref<10240xi32, #tpu.memory_space<hbm>>) target(%arg6 : memref<10240xi32, #tpu.memory_space<vmem>>) target_semaphore(%run_scoped3A : memref<!tpu.dma_semaphore, #tpu.memory_space<semaphore_mem>>)
      %dma_wait3A = tpu.memref_slice %arg3[%mul3A_2] : memref<327680xi32, #tpu.memory_space<hbm>> -> memref<10240xi32, #tpu.memory_space<hbm>>
      %dma_wait3A_167 = tpu.memref_slice %arg3[%mul3A_2] : memref<327680xi32, #tpu.memory_space<hbm>> -> memref<10240xi32, #tpu.memory_space<hbm>>
      tpu.wait_dma2 semaphore(%run_scoped3A : memref<!tpu.dma_semaphore, #tpu.memory_space<semaphore_mem>>) src(%dma_wait3A_167 : memref<10240xi32, #tpu.memory_space<hbm>>) dst(%arg6 : memref<10240xi32, #tpu.memory_space<vmem>>)
      tpu.yield
    }) : () -> ()
    %mul3A_3 = arith.constant 640 : i32
    %mul3A_4 = arith.muli %arg1, %mul3A_3 : i32
    "tpu.region"() ({
      %run_scoped3A = tpu.sem_alloc : memref<!tpu.dma_semaphore, #tpu.memory_space<semaphore_mem>>
      %dma_start3A_165 = arith.constant 0 : i32
      %dma_start3A_166 = tpu.memref_slice %arg13[%mul3A_4, %dma_start3A_165] : memref<10240x128xf32, #tpu.memory_space<vmem_shared>> -> memref<640x128xf32, #tpu.memory_space<vmem_shared>>
      tpu.enqueue_dma source(%arg4 : memref<640x128xf32, #tpu.memory_space<hbm>>) target(%dma_start3A_166 : memref<640x128xf32, #tpu.memory_space<vmem_shared>>) target_semaphore(%run_scoped3A : memref<!tpu.dma_semaphore, #tpu.memory_space<semaphore_mem>>)
      %dma_wait3A = arith.constant 0 : i32
      %dma_wait3A_167 = tpu.memref_slice %arg13[%mul3A_4, %dma_wait3A] : memref<10240x128xf32, #tpu.memory_space<vmem_shared>> -> memref<640x128xf32, #tpu.memory_space<vmem_shared>>
      tpu.wait_dma2 semaphore(%run_scoped3A : memref<!tpu.dma_semaphore, #tpu.memory_space<semaphore_mem>>) src(%arg4 : memref<640x128xf32, #tpu.memory_space<hbm>>) dst(%dma_wait3A_167 : memref<640x128xf32, #tpu.memory_space<vmem_shared>>)
      tpu.yield
    }) : () -> ()
    %barrier3A = arith.constant 0 : index
    tpu.barrier barrier_id(%barrier3A)
    %get3A = arith.constant 0 : index
    %get3A_5 = tpu.vector_load %arg6[%get3A] {strides = array<i32>} : memref<10240xi32, #tpu.memory_space<vmem>>, vector<16xi32>,
    %get3A_6 = vector.shape_cast %get3A_5 : vector<16xi32> to vector<16xi32>
    %shift_right_logical3A = arith.constant 16 : i32
    %shift_right_logical3A_7 = vector.broadcast %shift_right_logical3A : i32 to vector<16xi32>
    %shift_right_logical3A_8 = arith.shrui %get3A_6, %shift_right_logical3A_7 : vector<16xi32>
    %swap3A = arith.constant 0 : index
    %swap3A_9 = tpu.vector_load %arg7[%swap3A] {strides = array<i32>} : memref<128xi32, #tpu.memory_space<vmem>>, vector<16xi32>,
    %swap3A_10 = vector.shape_cast %swap3A_9 : vector<16xi32> to vector<16xi32>
    %swap3A_11 = vector.shape_cast %shift_right_logical3A_8 : vector<16xi32> to vector<16xi32>
    tpu.vector_store %arg7[%swap3A], %swap3A_11 {strides = array<i32>} : memref<128xi32, #tpu.memory_space<vmem>>, vector<16xi32>,
    %and3A = arith.constant 65535 : i32
    %and3A_12 = vector.broadcast %and3A : i32 to vector<16xi32>
    %and3A_13 = arith.andi %get3A_6, %and3A_12 : vector<16xi32>
    %swap3A_14 = arith.constant 0 : i32
    %swap3A_15 = arith.index_cast %swap3A_14 : i32 to index
    %swap3A_16 = arith.constant 0 : index
    %swap3A_17 = tpu.vector_load %arg9[%swap3A_15, %swap3A_16] {strides = array<i32>} : memref<1x128xi32, #tpu.memory_space<vmem>>, vector<1x16xi32>,
    %swap3A_18 = vector.shape_cast %swap3A_17 : vector<1x16xi32> to vector<16xi32>
    %swap3A_19 = vector.shape_cast %and3A_13 : vector<16xi32> to vector<1x16xi32>
    tpu.vector_store %arg9[%swap3A_15, %swap3A_16], %swap3A_19 {strides = array<i32>} : memref<1x128xi32, #tpu.memory_space<vmem>>, vector<1x16xi32>,
    %get3A_20 = arith.constant 16 : index
    %get3A_21 = tpu.vector_load %arg6[%get3A_20] {strides = array<i32>} : memref<10240xi32, #tpu.memory_space<vmem>>, vector<16xi32>,
    %get3A_22 = vector.shape_cast %get3A_21 : vector<16xi32> to vector<16xi32>
    %shift_right_logical3A_23 = arith.constant 16 : i32
    %shift_right_logical3A_24 = vector.broadcast %shift_right_logical3A_23 : i32 to vector<16xi32>
    %shift_right_logical3A_25 = arith.shrui %get3A_22, %shift_right_logical3A_24 : vector<16xi32>
    %swap3A_26 = arith.constant 16 : index
    %swap3A_27 = tpu.vector_load %arg7[%swap3A_26] {strides = array<i32>} : memref<128xi32, #tpu.memory_space<vmem>>, vector<16xi32>,
    %swap3A_28 = vector.shape_cast %swap3A_27 : vector<16xi32> to vector<16xi32>
    %swap3A_29 = vector.shape_cast %shift_right_logical3A_25 : vector<16xi32> to vector<16xi32>
    tpu.vector_store %arg7[%swap3A_26], %swap3A_29 {strides = array<i32>} : memref<128xi32, #tpu.memory_space<vmem>>, vector<16xi32>,
    %and3A_30 = arith.constant 65535 : i32
    %and3A_31 = vector.broadcast %and3A_30 : i32 to vector<16xi32>
    %and3A_32 = arith.andi %get3A_22, %and3A_31 : vector<16xi32>
    %swap3A_33 = arith.constant 0 : i32
    %swap3A_34 = arith.index_cast %swap3A_33 : i32 to index
    %swap3A_35 = arith.constant 16 : index
    %swap3A_36 = tpu.vector_load %arg9[%swap3A_34, %swap3A_35] {strides = array<i32>} : memref<1x128xi32, #tpu.memory_space<vmem>>, vector<1x16xi32>,
    %swap3A_37 = vector.shape_cast %swap3A_36 : vector<1x16xi32> to vector<16xi32>
    %swap3A_38 = vector.shape_cast %and3A_32 : vector<16xi32> to vector<1x16xi32>
    tpu.vector_store %arg9[%swap3A_34, %swap3A_35], %swap3A_38 {strides = array<i32>} : memref<1x128xi32, #tpu.memory_space<vmem>>, vector<1x16xi32>,
    %get3A_39 = arith.constant 32 : index
    %get3A_40 = tpu.vector_load %arg6[%get3A_39] {strides = array<i32>} : memref<10240xi32, #tpu.memory_space<vmem>>, vector<16xi32>,
    %get3A_41 = vector.shape_cast %get3A_40 : vector<16xi32> to vector<16xi32>
    %shift_right_logical3A_42 = arith.constant 16 : i32
    %shift_right_logical3A_43 = vector.broadcast %shift_right_logical3A_42 : i32 to vector<16xi32>
    %shift_right_logical3A_44 = arith.shrui %get3A_41, %shift_right_logical3A_43 : vector<16xi32>
    %swap3A_45 = arith.constant 32 : index
    %swap3A_46 = tpu.vector_load %arg7[%swap3A_45] {strides = array<i32>} : memref<128xi32, #tpu.memory_space<vmem>>, vector<16xi32>,
    %swap3A_47 = vector.shape_cast %swap3A_46 : vector<16xi32> to vector<16xi32>
    %swap3A_48 = vector.shape_cast %shift_right_logical3A_44 : vector<16xi32> to vector<16xi32>
    tpu.vector_store %arg7[%swap3A_45], %swap3A_48 {strides = array<i32>} : memref<128xi32, #tpu.memory_space<vmem>>, vector<16xi32>,
    %and3A_49 = arith.constant 65535 : i32
    %and3A_50 = vector.broadcast %and3A_49 : i32 to vector<16xi32>
    %and3A_51 = arith.andi %get3A_41, %and3A_50 : vector<16xi32>
    %swap3A_52 = arith.constant 0 : i32
    %swap3A_53 = arith.index_cast %swap3A_52 : i32 to index
    %swap3A_54 = arith.constant 32 : index
    %swap3A_55 = tpu.vector_load %arg9[%swap3A_53, %swap3A_54] {strides = array<i32>} : memref<1x128xi32, #tpu.memory_space<vmem>>, vector<1x16xi32>,
    %swap3A_56 = vector.shape_cast %swap3A_55 : vector<1x16xi32> to vector<16xi32>
    %swap3A_57 = vector.shape_cast %and3A_51 : vector<16xi32> to vector<1x16xi32>
    tpu.vector_store %arg9[%swap3A_53, %swap3A_54], %swap3A_57 {strides = array<i32>} : memref<1x128xi32, #tpu.memory_space<vmem>>, vector<1x16xi32>,
    %get3A_58 = arith.constant 48 : index
    %get3A_59 = tpu.vector_load %arg6[%get3A_58] {strides = array<i32>} : memref<10240xi32, #tpu.memory_space<vmem>>, vector<16xi32>,
    %get3A_60 = vector.shape_cast %get3A_59 : vector<16xi32> to vector<16xi32>
    %shift_right_logical3A_61 = arith.constant 16 : i32
    %shift_right_logical3A_62 = vector.broadcast %shift_right_logical3A_61 : i32 to vector<16xi32>
    %shift_right_logical3A_63 = arith.shrui %get3A_60, %shift_right_logical3A_62 : vector<16xi32>
    %swap3A_64 = arith.constant 48 : index
    %swap3A_65 = tpu.vector_load %arg7[%swap3A_64] {strides = array<i32>} : memref<128xi32, #tpu.memory_space<vmem>>, vector<16xi32>,
    %swap3A_66 = vector.shape_cast %swap3A_65 : vector<16xi32> to vector<16xi32>
    %swap3A_67 = vector.shape_cast %shift_right_logical3A_63 : vector<16xi32> to vector<16xi32>
    tpu.vector_store %arg7[%swap3A_64], %swap3A_67 {strides = array<i32>} : memref<128xi32, #tpu.memory_space<vmem>>, vector<16xi32>,
    %and3A_68 = arith.constant 65535 : i32
    %and3A_69 = vector.broadcast %and3A_68 : i32 to vector<16xi32>
    %and3A_70 = arith.andi %get3A_60, %and3A_69 : vector<16xi32>
    %swap3A_71 = arith.constant 0 : i32
    %swap3A_72 = arith.index_cast %swap3A_71 : i32 to index
    %swap3A_73 = arith.constant 48 : index
    %swap3A_74 = tpu.vector_load %arg9[%swap3A_72, %swap3A_73] {strides = array<i32>} : memref<1x128xi32, #tpu.memory_space<vmem>>, vector<1x16xi32>,
    %swap3A_75 = vector.shape_cast %swap3A_74 : vector<1x16xi32> to vector<16xi32>
    %swap3A_76 = vector.shape_cast %and3A_70 : vector<16xi32> to vector<1x16xi32>
    tpu.vector_store %arg9[%swap3A_72, %swap3A_73], %swap3A_76 {strides = array<i32>} : memref<1x128xi32, #tpu.memory_space<vmem>>, vector<1x16xi32>,
    %get3A_77 = arith.constant 64 : index
    %get3A_78 = tpu.vector_load %arg6[%get3A_77] {strides = array<i32>} : memref<10240xi32, #tpu.memory_space<vmem>>, vector<16xi32>,
    %get3A_79 = vector.shape_cast %get3A_78 : vector<16xi32> to vector<16xi32>
    %shift_right_logical3A_80 = arith.constant 16 : i32
    %shift_right_logical3A_81 = vector.broadcast %shift_right_logical3A_80 : i32 to vector<16xi32>
    %shift_right_logical3A_82 = arith.shrui %get3A_79, %shift_right_logical3A_81 : vector<16xi32>
    %swap3A_83 = arith.constant 64 : index
    %swap3A_84 = tpu.vector_load %arg7[%swap3A_83] {strides = array<i32>} : memref<128xi32, #tpu.memory_space<vmem>>, vector<16xi32>,
    %swap3A_85 = vector.shape_cast %swap3A_84 : vector<16xi32> to vector<16xi32>
    %swap3A_86 = vector.shape_cast %shift_right_logical3A_82 : vector<16xi32> to vector<16xi32>
    tpu.vector_store %arg7[%swap3A_83], %swap3A_86 {strides = array<i32>} : memref<128xi32, #tpu.memory_space<vmem>>, vector<16xi32>,
    %and3A_87 = arith.constant 65535 : i32
    %and3A_88 = vector.broadcast %and3A_87 : i32 to vector<16xi32>
    %and3A_89 = arith.andi %get3A_79, %and3A_88 : vector<16xi32>
    %swap3A_90 = arith.constant 0 : i32
    %swap3A_91 = arith.index_cast %swap3A_90 : i32 to index
    %swap3A_92 = arith.constant 64 : index
    %swap3A_93 = tpu.vector_load %arg9[%swap3A_91, %swap3A_92] {strides = array<i32>} : memref<1x128xi32, #tpu.memory_space<vmem>>, vector<1x16xi32>,
    %swap3A_94 = vector.shape_cast %swap3A_93 : vector<1x16xi32> to vector<16xi32>
    %swap3A_95 = vector.shape_cast %and3A_89 : vector<16xi32> to vector<1x16xi32>
    tpu.vector_store %arg9[%swap3A_91, %swap3A_92], %swap3A_95 {strides = array<i32>} : memref<1x128xi32, #tpu.memory_space<vmem>>, vector<1x16xi32>,
    %get3A_96 = arith.constant 80 : index
    %get3A_97 = tpu.vector_load %arg6[%get3A_96] {strides = array<i32>} : memref<10240xi32, #tpu.memory_space<vmem>>, vector<16xi32>,
    %get3A_98 = vector.shape_cast %get3A_97 : vector<16xi32> to vector<16xi32>
    %shift_right_logical3A_99 = arith.constant 16 : i32
    %shift_right_logical3A_100 = vector.broadcast %shift_right_logical3A_99 : i32 to vector<16xi32>
    %shift_right_logical3A_101 = arith.shrui %get3A_98, %shift_right_logical3A_100 : vector<16xi32>
    %swap3A_102 = arith.constant 80 : index
    %swap3A_103 = tpu.vector_load %arg7[%swap3A_102] {strides = array<i32>} : memref<128xi32, #tpu.memory_space<vmem>>, vector<16xi32>,
    %swap3A_104 = vector.shape_cast %swap3A_103 : vector<16xi32> to vector<16xi32>
    %swap3A_105 = vector.shape_cast %shift_right_logical3A_101 : vector<16xi32> to vector<16xi32>
    tpu.vector_store %arg7[%swap3A_102], %swap3A_105 {strides = array<i32>} : memref<128xi32, #tpu.memory_space<vmem>>, vector<16xi32>,
    %and3A_106 = arith.constant 65535 : i32
    %and3A_107 = vector.broadcast %and3A_106 : i32 to vector<16xi32>
    %and3A_108 = arith.andi %get3A_98, %and3A_107 : vector<16xi32>
    %swap3A_109 = arith.constant 0 : i32
    %swap3A_110 = arith.index_cast %swap3A_109 : i32 to index
    %swap3A_111 = arith.constant 80 : index
    %swap3A_112 = tpu.vector_load %arg9[%swap3A_110, %swap3A_111] {strides = array<i32>} : memref<1x128xi32, #tpu.memory_space<vmem>>, vector<1x16xi32>,
    %swap3A_113 = vector.shape_cast %swap3A_112 : vector<1x16xi32> to vector<16xi32>
    %swap3A_114 = vector.shape_cast %and3A_108 : vector<16xi32> to vector<1x16xi32>
    tpu.vector_store %arg9[%swap3A_110, %swap3A_111], %swap3A_114 {strides = array<i32>} : memref<1x128xi32, #tpu.memory_space<vmem>>, vector<1x16xi32>,
    %get3A_115 = arith.constant 96 : index
    %get3A_116 = tpu.vector_load %arg6[%get3A_115] {strides = array<i32>} : memref<10240xi32, #tpu.memory_space<vmem>>, vector<16xi32>,
    %get3A_117 = vector.shape_cast %get3A_116 : vector<16xi32> to vector<16xi32>
    %shift_right_logical3A_118 = arith.constant 16 : i32
    %shift_right_logical3A_119 = vector.broadcast %shift_right_logical3A_118 : i32 to vector<16xi32>
    %shift_right_logical3A_120 = arith.shrui %get3A_117, %shift_right_logical3A_119 : vector<16xi32>
    %swap3A_121 = arith.constant 96 : index
    %swap3A_122 = tpu.vector_load %arg7[%swap3A_121] {strides = array<i32>} : memref<128xi32, #tpu.memory_space<vmem>>, vector<16xi32>,
    %swap3A_123 = vector.shape_cast %swap3A_122 : vector<16xi32> to vector<16xi32>
    %swap3A_124 = vector.shape_cast %shift_right_logical3A_120 : vector<16xi32> to vector<16xi32>
    tpu.vector_store %arg7[%swap3A_121], %swap3A_124 {strides = array<i32>} : memref<128xi32, #tpu.memory_space<vmem>>, vector<16xi32>,
    %and3A_125 = arith.constant 65535 : i32
    %and3A_126 = vector.broadcast %and3A_125 : i32 to vector<16xi32>
    %and3A_127 = arith.andi %get3A_117, %and3A_126 : vector<16xi32>
    %swap3A_128 = arith.constant 0 : i32
    %swap3A_129 = arith.index_cast %swap3A_128 : i32 to index
    %swap3A_130 = arith.constant 96 : index
    %swap3A_131 = tpu.vector_load %arg9[%swap3A_129, %swap3A_130] {strides = array<i32>} : memref<1x128xi32, #tpu.memory_space<vmem>>, vector<1x16xi32>,
    %swap3A_132 = vector.shape_cast %swap3A_131 : vector<1x16xi32> to vector<16xi32>
    %swap3A_133 = vector.shape_cast %and3A_127 : vector<16xi32> to vector<1x16xi32>
    tpu.vector_store %arg9[%swap3A_129, %swap3A_130], %swap3A_133 {strides = array<i32>} : memref<1x128xi32, #tpu.memory_space<vmem>>, vector<1x16xi32>,
    %get3A_134 = arith.constant 112 : index
    %get3A_135 = tpu.vector_load %arg6[%get3A_134] {strides = array<i32>} : memref<10240xi32, #tpu.memory_space<vmem>>, vector<16xi32>,
    %get3A_136 = vector.shape_cast %get3A_135 : vector<16xi32> to vector<16xi32>
    %shift_right_logical3A_137 = arith.constant 16 : i32
    %shift_right_logical3A_138 = vector.broadcast %shift_right_logical3A_137 : i32 to vector<16xi32>
    %shift_right_logical3A_139 = arith.shrui %get3A_136, %shift_right_logical3A_138 : vector<16xi32>
    %swap3A_140 = arith.constant 112 : index
    %swap3A_141 = tpu.vector_load %arg7[%swap3A_140] {strides = array<i32>} : memref<128xi32, #tpu.memory_space<vmem>>, vector<16xi32>,
    %swap3A_142 = vector.shape_cast %swap3A_141 : vector<16xi32> to vector<16xi32>
    %swap3A_143 = vector.shape_cast %shift_right_logical3A_139 : vector<16xi32> to vector<16xi32>
    tpu.vector_store %arg7[%swap3A_140], %swap3A_143 {strides = array<i32>} : memref<128xi32, #tpu.memory_space<vmem>>, vector<16xi32>,
    %and3A_144 = arith.constant 65535 : i32
    %and3A_145 = vector.broadcast %and3A_144 : i32 to vector<16xi32>
    %and3A_146 = arith.andi %get3A_136, %and3A_145 : vector<16xi32>
    %swap3A_147 = arith.constant 0 : i32
    %swap3A_148 = arith.index_cast %swap3A_147 : i32 to index
    %swap3A_149 = arith.constant 112 : index
    %swap3A_150 = tpu.vector_load %arg9[%swap3A_148, %swap3A_149] {strides = array<i32>} : memref<1x128xi32, #tpu.memory_space<vmem>>, vector<1x16xi32>,
    %swap3A_151 = vector.shape_cast %swap3A_150 : vector<1x16xi32> to vector<16xi32>
    %swap3A_152 = vector.shape_cast %and3A_146 : vector<16xi32> to vector<1x16xi32>
    tpu.vector_store %arg9[%swap3A_148, %swap3A_149], %swap3A_152 {strides = array<i32>} : memref<1x128xi32, #tpu.memory_space<vmem>>, vector<1x16xi32>,
    %dma_start3A = arith.constant 0 : i32
    %dma_start3A_153 = arith.constant 0 : i32
    %dma_start3A_154 = tpu.memref_slice %arg2[%dma_start3A, %dma_start3A_153] : memref<10240x128xf32, #tpu.memory_space<hbm>> -> memref<10240x128xf32, #tpu.memory_space<hbm>>
    tpu.enqueue_indirect_dma source(%dma_start3A_154 : memref<10240x128xf32, #tpu.memory_space<hbm>>) target(%arg11 : memref<128x128xf32, #tpu.memory_space<vmem>>) offsets(%arg7 : memref<128xi32, #tpu.memory_space<vmem>>) semaphore(%arg14 : memref<!tpu.dma_semaphore, #tpu.memory_space<semaphore_mem>>)
    %scan3A = arith.constant 0 : i32
    %scan3A_155 = arith.constant 0 : i32
    %scan3A_156 = arith.constant 40 : i32
    %scan3A_157 = arith.addi %scan3A_155, %scan3A_156 : i32
    %scan3A_158 = arith.constant 1 : i32
    scf.for %scan3A_165 = %scan3A_155 to %scan3A_157 step %scan3A_158  : i32 {
      %mul3A_166 = arith.constant 2 : i32
      %mul3A_167 = arith.muli %scan3A_165, %mul3A_166 : i32
      %add3A_168 = arith.constant 1 : i32
      %add3A_169 = arith.addi %mul3A_167, %add3A_168 : i32
      %mul3A_170 = arith.constant 128 : i32
      %mul3A_171 = arith.muli %add3A_169, %mul3A_170 : i32
      %add3A_172 = arith.constant 0 : i32
      %add3A_173 = arith.addi %mul3A_171, %add3A_172 : i32
      %get3A_174 = arith.index_cast %add3A_173 : i32 to index
      %get3A_175 = tpu.vector_load %arg6[%get3A_174] {strides = array<i32>} : memref<10240xi32, #tpu.memory_space<vmem>>, vector<16xi32>,
      %get3A_176 = vector.shape_cast %get3A_175 : vector<16xi32> to vector<16xi32>
      %shift_right_logical3A_177 = arith.constant 16 : i32
      %shift_right_logical3A_178 = vector.broadcast %shift_right_logical3A_177 : i32 to vector<16xi32>
      %shift_right_logical3A_179 = arith.shrui %get3A_176, %shift_right_logical3A_178 : vector<16xi32>
      %swap3A_180 = arith.constant 0 : index
      %swap3A_181 = tpu.vector_load %arg8[%swap3A_180] {strides = array<i32>} : memref<128xi32, #tpu.memory_space<vmem>>, vector<16xi32>,
      %swap3A_182 = vector.shape_cast %swap3A_181 : vector<16xi32> to vector<16xi32>
      %swap3A_183 = vector.shape_cast %shift_right_logical3A_179 : vector<16xi32> to vector<16xi32>
      tpu.vector_store %arg8[%swap3A_180], %swap3A_183 {strides = array<i32>} : memref<128xi32, #tpu.memory_space<vmem>>, vector<16xi32>,
      %and3A_184 = arith.constant 65535 : i32
      %and3A_185 = vector.broadcast %and3A_184 : i32 to vector<16xi32>
      %and3A_186 = arith.andi %get3A_176, %and3A_185 : vector<16xi32>
      %swap3A_187 = arith.constant 0 : i32
      %swap3A_188 = arith.index_cast %swap3A_187 : i32 to index
      %swap3A_189 = arith.constant 0 : index
      %swap3A_190 = tpu.vector_load %arg10[%swap3A_188, %swap3A_189] {strides = array<i32>} : memref<1x128xi32, #tpu.memory_space<vmem>>, vector<1x16xi32>,
      %swap3A_191 = vector.shape_cast %swap3A_190 : vector<1x16xi32> to vector<16xi32>
      %swap3A_192 = vector.shape_cast %and3A_186 : vector<16xi32> to vector<1x16xi32>
      tpu.vector_store %arg10[%swap3A_188, %swap3A_189], %swap3A_192 {strides = array<i32>} : memref<1x128xi32, #tpu.memory_space<vmem>>, vector<1x16xi32>,
      %mul3A_193 = arith.constant 128 : i32
      %mul3A_194 = arith.muli %add3A_169, %mul3A_193 : i32
      %add3A_195 = arith.constant 16 : i32
      %add3A_196 = arith.addi %mul3A_194, %add3A_195 : i32
      %get3A_197 = arith.index_cast %add3A_196 : i32 to index
      %get3A_198 = tpu.vector_load %arg6[%get3A_197] {strides = array<i32>} : memref<10240xi32, #tpu.memory_space<vmem>>, vector<16xi32>,
      %get3A_199 = vector.shape_cast %get3A_198 : vector<16xi32> to vector<16xi32>
      %shift_right_logical3A_200 = arith.constant 16 : i32
      %shift_right_logical3A_201 = vector.broadcast %shift_right_logical3A_200 : i32 to vector<16xi32>
      %shift_right_logical3A_202 = arith.shrui %get3A_199, %shift_right_logical3A_201 : vector<16xi32>
      %swap3A_203 = arith.constant 16 : index
      %swap3A_204 = tpu.vector_load %arg8[%swap3A_203] {strides = array<i32>} : memref<128xi32, #tpu.memory_space<vmem>>, vector<16xi32>,
      %swap3A_205 = vector.shape_cast %swap3A_204 : vector<16xi32> to vector<16xi32>
      %swap3A_206 = vector.shape_cast %shift_right_logical3A_202 : vector<16xi32> to vector<16xi32>
      tpu.vector_store %arg8[%swap3A_203], %swap3A_206 {strides = array<i32>} : memref<128xi32, #tpu.memory_space<vmem>>, vector<16xi32>,
      %and3A_207 = arith.constant 65535 : i32
      %and3A_208 = vector.broadcast %and3A_207 : i32 to vector<16xi32>
      %and3A_209 = arith.andi %get3A_199, %and3A_208 : vector<16xi32>
      %swap3A_210 = arith.constant 0 : i32
      %swap3A_211 = arith.index_cast %swap3A_210 : i32 to index
      %swap3A_212 = arith.constant 16 : index
      %swap3A_213 = tpu.vector_load %arg10[%swap3A_211, %swap3A_212] {strides = array<i32>} : memref<1x128xi32, #tpu.memory_space<vmem>>, vector<1x16xi32>,
      %swap3A_214 = vector.shape_cast %swap3A_213 : vector<1x16xi32> to vector<16xi32>
      %swap3A_215 = vector.shape_cast %and3A_209 : vector<16xi32> to vector<1x16xi32>
      tpu.vector_store %arg10[%swap3A_211, %swap3A_212], %swap3A_215 {strides = array<i32>} : memref<1x128xi32, #tpu.memory_space<vmem>>, vector<1x16xi32>,
      %mul3A_216 = arith.constant 128 : i32
      %mul3A_217 = arith.muli %add3A_169, %mul3A_216 : i32
      %add3A_218 = arith.constant 32 : i32
      %add3A_219 = arith.addi %mul3A_217, %add3A_218 : i32
      %get3A_220 = arith.index_cast %add3A_219 : i32 to index
      %get3A_221 = tpu.vector_load %arg6[%get3A_220] {strides = array<i32>} : memref<10240xi32, #tpu.memory_space<vmem>>, vector<16xi32>,
      %get3A_222 = vector.shape_cast %get3A_221 : vector<16xi32> to vector<16xi32>
      %shift_right_logical3A_223 = arith.constant 16 : i32
      %shift_right_logical3A_224 = vector.broadcast %shift_right_logical3A_223 : i32 to vector<16xi32>
      %shift_right_logical3A_225 = arith.shrui %get3A_222, %shift_right_logical3A_224 : vector<16xi32>
      %swap3A_226 = arith.constant 32 : index
      %swap3A_227 = tpu.vector_load %arg8[%swap3A_226] {strides = array<i32>} : memref<128xi32, #tpu.memory_space<vmem>>, vector<16xi32>,
      %swap3A_228 = vector.shape_cast %swap3A_227 : vector<16xi32> to vector<16xi32>
      %swap3A_229 = vector.shape_cast %shift_right_logical3A_225 : vector<16xi32> to vector<16xi32>
      tpu.vector_store %arg8[%swap3A_226], %swap3A_229 {strides = array<i32>} : memref<128xi32, #tpu.memory_space<vmem>>, vector<16xi32>,
      %and3A_230 = arith.constant 65535 : i32
      %and3A_231 = vector.broadcast %and3A_230 : i32 to vector<16xi32>
      %and3A_232 = arith.andi %get3A_222, %and3A_231 : vector<16xi32>
      %swap3A_233 = arith.constant 0 : i32
      %swap3A_234 = arith.index_cast %swap3A_233 : i32 to index
      %swap3A_235 = arith.constant 32 : index
      %swap3A_236 = tpu.vector_load %arg10[%swap3A_234, %swap3A_235] {strides = array<i32>} : memref<1x128xi32, #tpu.memory_space<vmem>>, vector<1x16xi32>,
      %swap3A_237 = vector.shape_cast %swap3A_236 : vector<1x16xi32> to vector<16xi32>
      %swap3A_238 = vector.shape_cast %and3A_232 : vector<16xi32> to vector<1x16xi32>
      tpu.vector_store %arg10[%swap3A_234, %swap3A_235], %swap3A_238 {strides = array<i32>} : memref<1x128xi32, #tpu.memory_space<vmem>>, vector<1x16xi32>,
      %mul3A_239 = arith.constant 128 : i32
      %mul3A_240 = arith.muli %add3A_169, %mul3A_239 : i32
      %add3A_241 = arith.constant 48 : i32
      %add3A_242 = arith.addi %mul3A_240, %add3A_241 : i32
      %get3A_243 = arith.index_cast %add3A_242 : i32 to index
      %get3A_244 = tpu.vector_load %arg6[%get3A_243] {strides = array<i32>} : memref<10240xi32, #tpu.memory_space<vmem>>, vector<16xi32>,
      %get3A_245 = vector.shape_cast %get3A_244 : vector<16xi32> to vector<16xi32>
      %shift_right_logical3A_246 = arith.constant 16 : i32
      %shift_right_logical3A_247 = vector.broadcast %shift_right_logical3A_246 : i32 to vector<16xi32>
      %shift_right_logical3A_248 = arith.shrui %get3A_245, %shift_right_logical3A_247 : vector<16xi32>
      %swap3A_249 = arith.constant 48 : index
      %swap3A_250 = tpu.vector_load %arg8[%swap3A_249] {strides = array<i32>} : memref<128xi32, #tpu.memory_space<vmem>>, vector<16xi32>,
      %swap3A_251 = vector.shape_cast %swap3A_250 : vector<16xi32> to vector<16xi32>
      %swap3A_252 = vector.shape_cast %shift_right_logical3A_248 : vector<16xi32> to vector<16xi32>
      tpu.vector_store %arg8[%swap3A_249], %swap3A_252 {strides = array<i32>} : memref<128xi32, #tpu.memory_space<vmem>>, vector<16xi32>,
      %and3A_253 = arith.constant 65535 : i32
      %and3A_254 = vector.broadcast %and3A_253 : i32 to vector<16xi32>
      %and3A_255 = arith.andi %get3A_245, %and3A_254 : vector<16xi32>
      %swap3A_256 = arith.constant 0 : i32
      %swap3A_257 = arith.index_cast %swap3A_256 : i32 to index
      %swap3A_258 = arith.constant 48 : index
      %swap3A_259 = tpu.vector_load %arg10[%swap3A_257, %swap3A_258] {strides = array<i32>} : memref<1x128xi32, #tpu.memory_space<vmem>>, vector<1x16xi32>,
      %swap3A_260 = vector.shape_cast %swap3A_259 : vector<1x16xi32> to vector<16xi32>
      %swap3A_261 = vector.shape_cast %and3A_255 : vector<16xi32> to vector<1x16xi32>
      tpu.vector_store %arg10[%swap3A_257, %swap3A_258], %swap3A_261 {strides = array<i32>} : memref<1x128xi32, #tpu.memory_space<vmem>>, vector<1x16xi32>,
      %mul3A_262 = arith.constant 128 : i32
      %mul3A_263 = arith.muli %add3A_169, %mul3A_262 : i32
      %add3A_264 = arith.constant 64 : i32
      %add3A_265 = arith.addi %mul3A_263, %add3A_264 : i32
      %get3A_266 = arith.index_cast %add3A_265 : i32 to index
      %get3A_267 = tpu.vector_load %arg6[%get3A_266] {strides = array<i32>} : memref<10240xi32, #tpu.memory_space<vmem>>, vector<16xi32>,
      %get3A_268 = vector.shape_cast %get3A_267 : vector<16xi32> to vector<16xi32>
      %shift_right_logical3A_269 = arith.constant 16 : i32
      %shift_right_logical3A_270 = vector.broadcast %shift_right_logical3A_269 : i32 to vector<16xi32>
      %shift_right_logical3A_271 = arith.shrui %get3A_268, %shift_right_logical3A_270 : vector<16xi32>
      %swap3A_272 = arith.constant 64 : index
      %swap3A_273 = tpu.vector_load %arg8[%swap3A_272] {strides = array<i32>} : memref<128xi32, #tpu.memory_space<vmem>>, vector<16xi32>,
      %swap3A_274 = vector.shape_cast %swap3A_273 : vector<16xi32> to vector<16xi32>
      %swap3A_275 = vector.shape_cast %shift_right_logical3A_271 : vector<16xi32> to vector<16xi32>
      tpu.vector_store %arg8[%swap3A_272], %swap3A_275 {strides = array<i32>} : memref<128xi32, #tpu.memory_space<vmem>>, vector<16xi32>,
      %and3A_276 = arith.constant 65535 : i32
      %and3A_277 = vector.broadcast %and3A_276 : i32 to vector<16xi32>
      %and3A_278 = arith.andi %get3A_268, %and3A_277 : vector<16xi32>
      %swap3A_279 = arith.constant 0 : i32
      %swap3A_280 = arith.index_cast %swap3A_279 : i32 to index
      %swap3A_281 = arith.constant 64 : index
      %swap3A_282 = tpu.vector_load %arg10[%swap3A_280, %swap3A_281] {strides = array<i32>} : memref<1x128xi32, #tpu.memory_space<vmem>>, vector<1x16xi32>,
      %swap3A_283 = vector.shape_cast %swap3A_282 : vector<1x16xi32> to vector<16xi32>
      %swap3A_284 = vector.shape_cast %and3A_278 : vector<16xi32> to vector<1x16xi32>
      tpu.vector_store %arg10[%swap3A_280, %swap3A_281], %swap3A_284 {strides = array<i32>} : memref<1x128xi32, #tpu.memory_space<vmem>>, vector<1x16xi32>,
      %mul3A_285 = arith.constant 128 : i32
      %mul3A_286 = arith.muli %add3A_169, %mul3A_285 : i32
      %add3A_287 = arith.constant 80 : i32
      %add3A_288 = arith.addi %mul3A_286, %add3A_287 : i32
      %get3A_289 = arith.index_cast %add3A_288 : i32 to index
      %get3A_290 = tpu.vector_load %arg6[%get3A_289] {strides = array<i32>} : memref<10240xi32, #tpu.memory_space<vmem>>, vector<16xi32>,
      %get3A_291 = vector.shape_cast %get3A_290 : vector<16xi32> to vector<16xi32>
      %shift_right_logical3A_292 = arith.constant 16 : i32
      %shift_right_logical3A_293 = vector.broadcast %shift_right_logical3A_292 : i32 to vector<16xi32>
      %shift_right_logical3A_294 = arith.shrui %get3A_291, %shift_right_logical3A_293 : vector<16xi32>
      %swap3A_295 = arith.constant 80 : index
      %swap3A_296 = tpu.vector_load %arg8[%swap3A_295] {strides = array<i32>} : memref<128xi32, #tpu.memory_space<vmem>>, vector<16xi32>,
      %swap3A_297 = vector.shape_cast %swap3A_296 : vector<16xi32> to vector<16xi32>
      %swap3A_298 = vector.shape_cast %shift_right_logical3A_294 : vector<16xi32> to vector<16xi32>
      tpu.vector_store %arg8[%swap3A_295], %swap3A_298 {strides = array<i32>} : memref<128xi32, #tpu.memory_space<vmem>>, vector<16xi32>,
      %and3A_299 = arith.constant 65535 : i32
      %and3A_300 = vector.broadcast %and3A_299 : i32 to vector<16xi32>
      %and3A_301 = arith.andi %get3A_291, %and3A_300 : vector<16xi32>
      %swap3A_302 = arith.constant 0 : i32
      %swap3A_303 = arith.index_cast %swap3A_302 : i32 to index
      %swap3A_304 = arith.constant 80 : index
      %swap3A_305 = tpu.vector_load %arg10[%swap3A_303, %swap3A_304] {strides = array<i32>} : memref<1x128xi32, #tpu.memory_space<vmem>>, vector<1x16xi32>,
      %swap3A_306 = vector.shape_cast %swap3A_305 : vector<1x16xi32> to vector<16xi32>
      %swap3A_307 = vector.shape_cast %and3A_301 : vector<16xi32> to vector<1x16xi32>
      tpu.vector_store %arg10[%swap3A_303, %swap3A_304], %swap3A_307 {strides = array<i32>} : memref<1x128xi32, #tpu.memory_space<vmem>>, vector<1x16xi32>,
      %mul3A_308 = arith.constant 128 : i32
      %mul3A_309 = arith.muli %add3A_169, %mul3A_308 : i32
      %add3A_310 = arith.constant 96 : i32
      %add3A_311 = arith.addi %mul3A_309, %add3A_310 : i32
      %get3A_312 = arith.index_cast %add3A_311 : i32 to index
      %get3A_313 = tpu.vector_load %arg6[%get3A_312] {strides = array<i32>} : memref<10240xi32, #tpu.memory_space<vmem>>, vector<16xi32>,
      %get3A_314 = vector.shape_cast %get3A_313 : vector<16xi32> to vector<16xi32>
      %shift_right_logical3A_315 = arith.constant 16 : i32
      %shift_right_logical3A_316 = vector.broadcast %shift_right_logical3A_315 : i32 to vector<16xi32>
      %shift_right_logical3A_317 = arith.shrui %get3A_314, %shift_right_logical3A_316 : vector<16xi32>
      %swap3A_318 = arith.constant 96 : index
      %swap3A_319 = tpu.vector_load %arg8[%swap3A_318] {strides = array<i32>} : memref<128xi32, #tpu.memory_space<vmem>>, vector<16xi32>,
      %swap3A_320 = vector.shape_cast %swap3A_319 : vector<16xi32> to vector<16xi32>
      %swap3A_321 = vector.shape_cast %shift_right_logical3A_317 : vector<16xi32> to vector<16xi32>
      tpu.vector_store %arg8[%swap3A_318], %swap3A_321 {strides = array<i32>} : memref<128xi32, #tpu.memory_space<vmem>>, vector<16xi32>,
      %and3A_322 = arith.constant 65535 : i32
      %and3A_323 = vector.broadcast %and3A_322 : i32 to vector<16xi32>
      %and3A_324 = arith.andi %get3A_314, %and3A_323 : vector<16xi32>
      %swap3A_325 = arith.constant 0 : i32
      %swap3A_326 = arith.index_cast %swap3A_325 : i32 to index
      %swap3A_327 = arith.constant 96 : index
      %swap3A_328 = tpu.vector_load %arg10[%swap3A_326, %swap3A_327] {strides = array<i32>} : memref<1x128xi32, #tpu.memory_space<vmem>>, vector<1x16xi32>,
      %swap3A_329 = vector.shape_cast %swap3A_328 : vector<1x16xi32> to vector<16xi32>
      %swap3A_330 = vector.shape_cast %and3A_324 : vector<16xi32> to vector<1x16xi32>
      tpu.vector_store %arg10[%swap3A_326, %swap3A_327], %swap3A_330 {strides = array<i32>} : memref<1x128xi32, #tpu.memory_space<vmem>>, vector<1x16xi32>,
      %mul3A_331 = arith.constant 128 : i32
      %mul3A_332 = arith.muli %add3A_169, %mul3A_331 : i32
      %add3A_333 = arith.constant 112 : i32
      %add3A_334 = arith.addi %mul3A_332, %add3A_333 : i32
      %get3A_335 = arith.index_cast %add3A_334 : i32 to index
      %get3A_336 = tpu.vector_load %arg6[%get3A_335] {strides = array<i32>} : memref<10240xi32, #tpu.memory_space<vmem>>, vector<16xi32>,
      %get3A_337 = vector.shape_cast %get3A_336 : vector<16xi32> to vector<16xi32>
      %shift_right_logical3A_338 = arith.constant 16 : i32
      %shift_right_logical3A_339 = vector.broadcast %shift_right_logical3A_338 : i32 to vector<16xi32>
      %shift_right_logical3A_340 = arith.shrui %get3A_337, %shift_right_logical3A_339 : vector<16xi32>
      %swap3A_341 = arith.constant 112 : index
      %swap3A_342 = tpu.vector_load %arg8[%swap3A_341] {strides = array<i32>} : memref<128xi32, #tpu.memory_space<vmem>>, vector<16xi32>,
      %swap3A_343 = vector.shape_cast %swap3A_342 : vector<16xi32> to vector<16xi32>
      %swap3A_344 = vector.shape_cast %shift_right_logical3A_340 : vector<16xi32> to vector<16xi32>
      tpu.vector_store %arg8[%swap3A_341], %swap3A_344 {strides = array<i32>} : memref<128xi32, #tpu.memory_space<vmem>>, vector<16xi32>,
      %and3A_345 = arith.constant 65535 : i32
      %and3A_346 = vector.broadcast %and3A_345 : i32 to vector<16xi32>
      %and3A_347 = arith.andi %get3A_337, %and3A_346 : vector<16xi32>
      %swap3A_348 = arith.constant 0 : i32
      %swap3A_349 = arith.index_cast %swap3A_348 : i32 to index
      %swap3A_350 = arith.constant 112 : index
      %swap3A_351 = tpu.vector_load %arg10[%swap3A_349, %swap3A_350] {strides = array<i32>} : memref<1x128xi32, #tpu.memory_space<vmem>>, vector<1x16xi32>,
      %swap3A_352 = vector.shape_cast %swap3A_351 : vector<1x16xi32> to vector<16xi32>
      %swap3A_353 = vector.shape_cast %and3A_347 : vector<16xi32> to vector<1x16xi32>
      tpu.vector_store %arg10[%swap3A_349, %swap3A_350], %swap3A_353 {strides = array<i32>} : memref<1x128xi32, #tpu.memory_space<vmem>>, vector<1x16xi32>,
      %dma_wait3A = arith.constant 0 : i32
      %dma_wait3A_354 = arith.constant 0 : i32
      %dma_wait3A_355 = tpu.memref_slice %arg2[%dma_wait3A, %dma_wait3A_354] : memref<10240x128xf32, #tpu.memory_space<hbm>> -> memref<10240x128xf32, #tpu.memory_space<hbm>>
      tpu.wait_indirect_dma semaphore(%arg14 : memref<!tpu.dma_semaphore, #tpu.memory_space<semaphore_mem>>) src(%dma_wait3A_355 : memref<10240x128xf32, #tpu.memory_space<hbm>>) dst(%arg11 : memref<128x128xf32, #tpu.memory_space<vmem>>)
      %dma_start3A_356 = arith.constant 0 : i32
      %dma_start3A_357 = arith.constant 0 : i32
      %dma_start3A_358 = tpu.memref_slice %arg2[%dma_start3A_356, %dma_start3A_357] : memref<10240x128xf32, #tpu.memory_space<hbm>> -> memref<10240x128xf32, #tpu.memory_space<hbm>>
      tpu.enqueue_indirect_dma source(%dma_start3A_358 : memref<10240x128xf32, #tpu.memory_space<hbm>>) target(%arg12 : memref<128x128xf32, #tpu.memory_space<vmem>>) offsets(%arg8 : memref<128xi32, #tpu.memory_space<vmem>>) semaphore(%arg15 : memref<!tpu.dma_semaphore, #tpu.memory_space<semaphore_mem>>)
      %run_scoped3A = arith.constant 0 : i32
      "tpu.region"() ({
        %run_scoped3A_374 = tpu.sem_alloc : memref<!tpu.dma_semaphore, #tpu.memory_space<semaphore_mem>>
        %dma_start3A_375 = arith.constant 0 : i32
        %dma_start3A_376 = tpu.memref_slice %arg9[%run_scoped3A, %dma_start3A_375] : memref<1x128xi32, #tpu.memory_space<vmem>> -> memref<1x128xi32, #tpu.memory_space<vmem>>
        %dma_start3A_377 = tpu.memref_squeeze %dma_start3A_376 : memref<1x128xi32, #tpu.memory_space<vmem>> -> memref<128xi32, #tpu.memory_space<vmem>>
        %dma_start3A_378 = arith.constant 0 : i32
        %dma_start3A_379 = arith.constant 0 : i32
        %dma_start3A_380 = tpu.memref_slice %arg13[%dma_start3A_378, %dma_start3A_379] : memref<10240x128xf32, #tpu.memory_space<vmem_shared>> -> memref<10240x128xf32, #tpu.memory_space<vmem_shared>>
        tpu.enqueue_indirect_dma source(%arg11 : memref<128x128xf32, #tpu.memory_space<vmem>>) target(%dma_start3A_380 : memref<10240x128xf32, #tpu.memory_space<vmem_shared>>) offsets(%dma_start3A_377 : memref<128xi32, #tpu.memory_space<vmem>>) semaphore(%run_scoped3A_374 : memref<!tpu.dma_semaphore, #tpu.memory_space<semaphore_mem>>) {add = true}
        %dma_wait3A_381 = arith.constant 0 : i32
        %dma_wait3A_382 = tpu.memref_slice %arg9[%run_scoped3A, %dma_wait3A_381] : memref<1x128xi32, #tpu.memory_space<vmem>> -> memref<1x128xi32, #tpu.memory_space<vmem>>
        %dma_wait3A_383 = tpu.memref_squeeze %dma_wait3A_382 : memref<1x128xi32, #tpu.memory_space<vmem>> -> memref<128xi32, #tpu.memory_space<vmem>>
        %dma_wait3A_384 = arith.constant 0 : i32
        %dma_wait3A_385 = arith.constant 0 : i32
        %dma_wait3A_386 = tpu.memref_slice %arg13[%dma_wait3A_384, %dma_wait3A_385] : memref<10240x128xf32, #tpu.memory_space<vmem_shared>> -> memref<10240x128xf32, #tpu.memory_space<vmem_shared>>
        tpu.wait_indirect_dma semaphore(%run_scoped3A_374 : memref<!tpu.dma_semaphore, #tpu.memory_space<semaphore_mem>>) src(%arg11 : memref<128x128xf32, #tpu.memory_space<vmem>>) dst(%dma_wait3A_386 : memref<10240x128xf32, #tpu.memory_space<vmem_shared>>)
        tpu.yield
      }) : () -> ()
      %add3A_359 = arith.constant 1 : i32
      %add3A_360 = arith.addi %scan3A_165, %add3A_359 : i32
      %lt3A = arith.constant 40 : i32
      %lt3A_361 = arith.cmpi slt, %add3A_360, %lt3A : i32
      %convert_element_type3A = arith.extui %lt3A_361 : i1 to i32
      %cond3A = arith.constant 0 : i32
      %cond3A_362 = arith.cmpi ne, %convert_element_type3A, %cond3A : i32
      scf.if %cond3A_362 {
        %add3A_374 = arith.constant 2 : i32
        %add3A_375 = arith.addi %mul3A_167, %add3A_374 : i32
        %mul3A_376 = arith.constant 128 : i32
        %mul3A_377 = arith.muli %add3A_375, %mul3A_376 : i32
        %add3A_378 = arith.constant 0 : i32
        %add3A_379 = arith.addi %mul3A_377, %add3A_378 : i32
        %get3A_380 = arith.index_cast %add3A_379 : i32 to index
        %get3A_381 = tpu.vector_load %arg6[%get3A_380] {strides = array<i32>} : memref<10240xi32, #tpu.memory_space<vmem>>, vector<16xi32>,
        %get3A_382 = vector.shape_cast %get3A_381 : vector<16xi32> to vector<16xi32>
        %shift_right_logical3A_383 = arith.constant 16 : i32
        %shift_right_logical3A_384 = vector.broadcast %shift_right_logical3A_383 : i32 to vector<16xi32>
        %shift_right_logical3A_385 = arith.shrui %get3A_382, %shift_right_logical3A_384 : vector<16xi32>
        %swap3A_386 = arith.constant 0 : index
        %swap3A_387 = tpu.vector_load %arg7[%swap3A_386] {strides = array<i32>} : memref<128xi32, #tpu.memory_space<vmem>>, vector<16xi32>,
        %swap3A_388 = vector.shape_cast %swap3A_387 : vector<16xi32> to vector<16xi32>
        %swap3A_389 = vector.shape_cast %shift_right_logical3A_385 : vector<16xi32> to vector<16xi32>
        tpu.vector_store %arg7[%swap3A_386], %swap3A_389 {strides = array<i32>} : memref<128xi32, #tpu.memory_space<vmem>>, vector<16xi32>,
        %and3A_390 = arith.constant 65535 : i32
        %and3A_391 = vector.broadcast %and3A_390 : i32 to vector<16xi32>
        %and3A_392 = arith.andi %get3A_382, %and3A_391 : vector<16xi32>
        %swap3A_393 = arith.constant 0 : i32
        %swap3A_394 = arith.index_cast %swap3A_393 : i32 to index
        %swap3A_395 = arith.constant 0 : index
        %swap3A_396 = tpu.vector_load %arg9[%swap3A_394, %swap3A_395] {strides = array<i32>} : memref<1x128xi32, #tpu.memory_space<vmem>>, vector<1x16xi32>,
        %swap3A_397 = vector.shape_cast %swap3A_396 : vector<1x16xi32> to vector<16xi32>
        %swap3A_398 = vector.shape_cast %and3A_392 : vector<16xi32> to vector<1x16xi32>
        tpu.vector_store %arg9[%swap3A_394, %swap3A_395], %swap3A_398 {strides = array<i32>} : memref<1x128xi32, #tpu.memory_space<vmem>>, vector<1x16xi32>,
        %mul3A_399 = arith.constant 128 : i32
        %mul3A_400 = arith.muli %add3A_375, %mul3A_399 : i32
        %add3A_401 = arith.constant 16 : i32
        %add3A_402 = arith.addi %mul3A_400, %add3A_401 : i32
        %get3A_403 = arith.index_cast %add3A_402 : i32 to index
        %get3A_404 = tpu.vector_load %arg6[%get3A_403] {strides = array<i32>} : memref<10240xi32, #tpu.memory_space<vmem>>, vector<16xi32>,
        %get3A_405 = vector.shape_cast %get3A_404 : vector<16xi32> to vector<16xi32>
        %shift_right_logical3A_406 = arith.constant 16 : i32
        %shift_right_logical3A_407 = vector.broadcast %shift_right_logical3A_406 : i32 to vector<16xi32>
        %shift_right_logical3A_408 = arith.shrui %get3A_405, %shift_right_logical3A_407 : vector<16xi32>
        %swap3A_409 = arith.constant 16 : index
        %swap3A_410 = tpu.vector_load %arg7[%swap3A_409] {strides = array<i32>} : memref<128xi32, #tpu.memory_space<vmem>>, vector<16xi32>,
        %swap3A_411 = vector.shape_cast %swap3A_410 : vector<16xi32> to vector<16xi32>
        %swap3A_412 = vector.shape_cast %shift_right_logical3A_408 : vector<16xi32> to vector<16xi32>
        tpu.vector_store %arg7[%swap3A_409], %swap3A_412 {strides = array<i32>} : memref<128xi32, #tpu.memory_space<vmem>>, vector<16xi32>,
        %and3A_413 = arith.constant 65535 : i32
        %and3A_414 = vector.broadcast %and3A_413 : i32 to vector<16xi32>
        %and3A_415 = arith.andi %get3A_405, %and3A_414 : vector<16xi32>
        %swap3A_416 = arith.constant 0 : i32
        %swap3A_417 = arith.index_cast %swap3A_416 : i32 to index
        %swap3A_418 = arith.constant 16 : index
        %swap3A_419 = tpu.vector_load %arg9[%swap3A_417, %swap3A_418] {strides = array<i32>} : memref<1x128xi32, #tpu.memory_space<vmem>>, vector<1x16xi32>,
        %swap3A_420 = vector.shape_cast %swap3A_419 : vector<1x16xi32> to vector<16xi32>
        %swap3A_421 = vector.shape_cast %and3A_415 : vector<16xi32> to vector<1x16xi32>
        tpu.vector_store %arg9[%swap3A_417, %swap3A_418], %swap3A_421 {strides = array<i32>} : memref<1x128xi32, #tpu.memory_space<vmem>>, vector<1x16xi32>,
        %mul3A_422 = arith.constant 128 : i32
        %mul3A_423 = arith.muli %add3A_375, %mul3A_422 : i32
        %add3A_424 = arith.constant 32 : i32
        %add3A_425 = arith.addi %mul3A_423, %add3A_424 : i32
        %get3A_426 = arith.index_cast %add3A_425 : i32 to index
        %get3A_427 = tpu.vector_load %arg6[%get3A_426] {strides = array<i32>} : memref<10240xi32, #tpu.memory_space<vmem>>, vector<16xi32>,
        %get3A_428 = vector.shape_cast %get3A_427 : vector<16xi32> to vector<16xi32>
        %shift_right_logical3A_429 = arith.constant 16 : i32
        %shift_right_logical3A_430 = vector.broadcast %shift_right_logical3A_429 : i32 to vector<16xi32>
        %shift_right_logical3A_431 = arith.shrui %get3A_428, %shift_right_logical3A_430 : vector<16xi32>
        %swap3A_432 = arith.constant 32 : index
        %swap3A_433 = tpu.vector_load %arg7[%swap3A_432] {strides = array<i32>} : memref<128xi32, #tpu.memory_space<vmem>>, vector<16xi32>,
        %swap3A_434 = vector.shape_cast %swap3A_433 : vector<16xi32> to vector<16xi32>
        %swap3A_435 = vector.shape_cast %shift_right_logical3A_431 : vector<16xi32> to vector<16xi32>
        tpu.vector_store %arg7[%swap3A_432], %swap3A_435 {strides = array<i32>} : memref<128xi32, #tpu.memory_space<vmem>>, vector<16xi32>,
        %and3A_436 = arith.constant 65535 : i32
        %and3A_437 = vector.broadcast %and3A_436 : i32 to vector<16xi32>
        %and3A_438 = arith.andi %get3A_428, %and3A_437 : vector<16xi32>
        %swap3A_439 = arith.constant 0 : i32
        %swap3A_440 = arith.index_cast %swap3A_439 : i32 to index
        %swap3A_441 = arith.constant 32 : index
        %swap3A_442 = tpu.vector_load %arg9[%swap3A_440, %swap3A_441] {strides = array<i32>} : memref<1x128xi32, #tpu.memory_space<vmem>>, vector<1x16xi32>,
        %swap3A_443 = vector.shape_cast %swap3A_442 : vector<1x16xi32> to vector<16xi32>
        %swap3A_444 = vector.shape_cast %and3A_438 : vector<16xi32> to vector<1x16xi32>
        tpu.vector_store %arg9[%swap3A_440, %swap3A_441], %swap3A_444 {strides = array<i32>} : memref<1x128xi32, #tpu.memory_space<vmem>>, vector<1x16xi32>,
        %mul3A_445 = arith.constant 128 : i32
        %mul3A_446 = arith.muli %add3A_375, %mul3A_445 : i32
        %add3A_447 = arith.constant 48 : i32
        %add3A_448 = arith.addi %mul3A_446, %add3A_447 : i32
        %get3A_449 = arith.index_cast %add3A_448 : i32 to index
        %get3A_450 = tpu.vector_load %arg6[%get3A_449] {strides = array<i32>} : memref<10240xi32, #tpu.memory_space<vmem>>, vector<16xi32>,
        %get3A_451 = vector.shape_cast %get3A_450 : vector<16xi32> to vector<16xi32>
        %shift_right_logical3A_452 = arith.constant 16 : i32
        %shift_right_logical3A_453 = vector.broadcast %shift_right_logical3A_452 : i32 to vector<16xi32>
        %shift_right_logical3A_454 = arith.shrui %get3A_451, %shift_right_logical3A_453 : vector<16xi32>
        %swap3A_455 = arith.constant 48 : index
        %swap3A_456 = tpu.vector_load %arg7[%swap3A_455] {strides = array<i32>} : memref<128xi32, #tpu.memory_space<vmem>>, vector<16xi32>,
        %swap3A_457 = vector.shape_cast %swap3A_456 : vector<16xi32> to vector<16xi32>
        %swap3A_458 = vector.shape_cast %shift_right_logical3A_454 : vector<16xi32> to vector<16xi32>
        tpu.vector_store %arg7[%swap3A_455], %swap3A_458 {strides = array<i32>} : memref<128xi32, #tpu.memory_space<vmem>>, vector<16xi32>,
        %and3A_459 = arith.constant 65535 : i32
        %and3A_460 = vector.broadcast %and3A_459 : i32 to vector<16xi32>
        %and3A_461 = arith.andi %get3A_451, %and3A_460 : vector<16xi32>
        %swap3A_462 = arith.constant 0 : i32
        %swap3A_463 = arith.index_cast %swap3A_462 : i32 to index
        %swap3A_464 = arith.constant 48 : index
        %swap3A_465 = tpu.vector_load %arg9[%swap3A_463, %swap3A_464] {strides = array<i32>} : memref<1x128xi32, #tpu.memory_space<vmem>>, vector<1x16xi32>,
        %swap3A_466 = vector.shape_cast %swap3A_465 : vector<1x16xi32> to vector<16xi32>
        %swap3A_467 = vector.shape_cast %and3A_461 : vector<16xi32> to vector<1x16xi32>
        tpu.vector_store %arg9[%swap3A_463, %swap3A_464], %swap3A_467 {strides = array<i32>} : memref<1x128xi32, #tpu.memory_space<vmem>>, vector<1x16xi32>,
        %mul3A_468 = arith.constant 128 : i32
        %mul3A_469 = arith.muli %add3A_375, %mul3A_468 : i32
        %add3A_470 = arith.constant 64 : i32
        %add3A_471 = arith.addi %mul3A_469, %add3A_470 : i32
        %get3A_472 = arith.index_cast %add3A_471 : i32 to index
        %get3A_473 = tpu.vector_load %arg6[%get3A_472] {strides = array<i32>} : memref<10240xi32, #tpu.memory_space<vmem>>, vector<16xi32>,
        %get3A_474 = vector.shape_cast %get3A_473 : vector<16xi32> to vector<16xi32>
        %shift_right_logical3A_475 = arith.constant 16 : i32
        %shift_right_logical3A_476 = vector.broadcast %shift_right_logical3A_475 : i32 to vector<16xi32>
        %shift_right_logical3A_477 = arith.shrui %get3A_474, %shift_right_logical3A_476 : vector<16xi32>
        %swap3A_478 = arith.constant 64 : index
        %swap3A_479 = tpu.vector_load %arg7[%swap3A_478] {strides = array<i32>} : memref<128xi32, #tpu.memory_space<vmem>>, vector<16xi32>,
        %swap3A_480 = vector.shape_cast %swap3A_479 : vector<16xi32> to vector<16xi32>
        %swap3A_481 = vector.shape_cast %shift_right_logical3A_477 : vector<16xi32> to vector<16xi32>
        tpu.vector_store %arg7[%swap3A_478], %swap3A_481 {strides = array<i32>} : memref<128xi32, #tpu.memory_space<vmem>>, vector<16xi32>,
        %and3A_482 = arith.constant 65535 : i32
        %and3A_483 = vector.broadcast %and3A_482 : i32 to vector<16xi32>
        %and3A_484 = arith.andi %get3A_474, %and3A_483 : vector<16xi32>
        %swap3A_485 = arith.constant 0 : i32
        %swap3A_486 = arith.index_cast %swap3A_485 : i32 to index
        %swap3A_487 = arith.constant 64 : index
        %swap3A_488 = tpu.vector_load %arg9[%swap3A_486, %swap3A_487] {strides = array<i32>} : memref<1x128xi32, #tpu.memory_space<vmem>>, vector<1x16xi32>,
        %swap3A_489 = vector.shape_cast %swap3A_488 : vector<1x16xi32> to vector<16xi32>
        %swap3A_490 = vector.shape_cast %and3A_484 : vector<16xi32> to vector<1x16xi32>
        tpu.vector_store %arg9[%swap3A_486, %swap3A_487], %swap3A_490 {strides = array<i32>} : memref<1x128xi32, #tpu.memory_space<vmem>>, vector<1x16xi32>,
        %mul3A_491 = arith.constant 128 : i32
        %mul3A_492 = arith.muli %add3A_375, %mul3A_491 : i32
        %add3A_493 = arith.constant 80 : i32
        %add3A_494 = arith.addi %mul3A_492, %add3A_493 : i32
        %get3A_495 = arith.index_cast %add3A_494 : i32 to index
        %get3A_496 = tpu.vector_load %arg6[%get3A_495] {strides = array<i32>} : memref<10240xi32, #tpu.memory_space<vmem>>, vector<16xi32>,
        %get3A_497 = vector.shape_cast %get3A_496 : vector<16xi32> to vector<16xi32>
        %shift_right_logical3A_498 = arith.constant 16 : i32
        %shift_right_logical3A_499 = vector.broadcast %shift_right_logical3A_498 : i32 to vector<16xi32>
        %shift_right_logical3A_500 = arith.shrui %get3A_497, %shift_right_logical3A_499 : vector<16xi32>
        %swap3A_501 = arith.constant 80 : index
        %swap3A_502 = tpu.vector_load %arg7[%swap3A_501] {strides = array<i32>} : memref<128xi32, #tpu.memory_space<vmem>>, vector<16xi32>,
        %swap3A_503 = vector.shape_cast %swap3A_502 : vector<16xi32> to vector<16xi32>
        %swap3A_504 = vector.shape_cast %shift_right_logical3A_500 : vector<16xi32> to vector<16xi32>
        tpu.vector_store %arg7[%swap3A_501], %swap3A_504 {strides = array<i32>} : memref<128xi32, #tpu.memory_space<vmem>>, vector<16xi32>,
        %and3A_505 = arith.constant 65535 : i32
        %and3A_506 = vector.broadcast %and3A_505 : i32 to vector<16xi32>
        %and3A_507 = arith.andi %get3A_497, %and3A_506 : vector<16xi32>
        %swap3A_508 = arith.constant 0 : i32
        %swap3A_509 = arith.index_cast %swap3A_508 : i32 to index
        %swap3A_510 = arith.constant 80 : index
        %swap3A_511 = tpu.vector_load %arg9[%swap3A_509, %swap3A_510] {strides = array<i32>} : memref<1x128xi32, #tpu.memory_space<vmem>>, vector<1x16xi32>,
        %swap3A_512 = vector.shape_cast %swap3A_511 : vector<1x16xi32> to vector<16xi32>
        %swap3A_513 = vector.shape_cast %and3A_507 : vector<16xi32> to vector<1x16xi32>
        tpu.vector_store %arg9[%swap3A_509, %swap3A_510], %swap3A_513 {strides = array<i32>} : memref<1x128xi32, #tpu.memory_space<vmem>>, vector<1x16xi32>,
        %mul3A_514 = arith.constant 128 : i32
        %mul3A_515 = arith.muli %add3A_375, %mul3A_514 : i32
        %add3A_516 = arith.constant 96 : i32
        %add3A_517 = arith.addi %mul3A_515, %add3A_516 : i32
        %get3A_518 = arith.index_cast %add3A_517 : i32 to index
        %get3A_519 = tpu.vector_load %arg6[%get3A_518] {strides = array<i32>} : memref<10240xi32, #tpu.memory_space<vmem>>, vector<16xi32>,
        %get3A_520 = vector.shape_cast %get3A_519 : vector<16xi32> to vector<16xi32>
        %shift_right_logical3A_521 = arith.constant 16 : i32
        %shift_right_logical3A_522 = vector.broadcast %shift_right_logical3A_521 : i32 to vector<16xi32>
        %shift_right_logical3A_523 = arith.shrui %get3A_520, %shift_right_logical3A_522 : vector<16xi32>
        %swap3A_524 = arith.constant 96 : index
        %swap3A_525 = tpu.vector_load %arg7[%swap3A_524] {strides = array<i32>} : memref<128xi32, #tpu.memory_space<vmem>>, vector<16xi32>,
        %swap3A_526 = vector.shape_cast %swap3A_525 : vector<16xi32> to vector<16xi32>
        %swap3A_527 = vector.shape_cast %shift_right_logical3A_523 : vector<16xi32> to vector<16xi32>
        tpu.vector_store %arg7[%swap3A_524], %swap3A_527 {strides = array<i32>} : memref<128xi32, #tpu.memory_space<vmem>>, vector<16xi32>,
        %and3A_528 = arith.constant 65535 : i32
        %and3A_529 = vector.broadcast %and3A_528 : i32 to vector<16xi32>
        %and3A_530 = arith.andi %get3A_520, %and3A_529 : vector<16xi32>
        %swap3A_531 = arith.constant 0 : i32
        %swap3A_532 = arith.index_cast %swap3A_531 : i32 to index
        %swap3A_533 = arith.constant 96 : index
        %swap3A_534 = tpu.vector_load %arg9[%swap3A_532, %swap3A_533] {strides = array<i32>} : memref<1x128xi32, #tpu.memory_space<vmem>>, vector<1x16xi32>,
        %swap3A_535 = vector.shape_cast %swap3A_534 : vector<1x16xi32> to vector<16xi32>
        %swap3A_536 = vector.shape_cast %and3A_530 : vector<16xi32> to vector<1x16xi32>
        tpu.vector_store %arg9[%swap3A_532, %swap3A_533], %swap3A_536 {strides = array<i32>} : memref<1x128xi32, #tpu.memory_space<vmem>>, vector<1x16xi32>,
        %mul3A_537 = arith.constant 128 : i32
        %mul3A_538 = arith.muli %add3A_375, %mul3A_537 : i32
        %add3A_539 = arith.constant 112 : i32
        %add3A_540 = arith.addi %mul3A_538, %add3A_539 : i32
        %get3A_541 = arith.index_cast %add3A_540 : i32 to index
        %get3A_542 = tpu.vector_load %arg6[%get3A_541] {strides = array<i32>} : memref<10240xi32, #tpu.memory_space<vmem>>, vector<16xi32>,
        %get3A_543 = vector.shape_cast %get3A_542 : vector<16xi32> to vector<16xi32>
        %shift_right_logical3A_544 = arith.constant 16 : i32
        %shift_right_logical3A_545 = vector.broadcast %shift_right_logical3A_544 : i32 to vector<16xi32>
        %shift_right_logical3A_546 = arith.shrui %get3A_543, %shift_right_logical3A_545 : vector<16xi32>
        %swap3A_547 = arith.constant 112 : index
        %swap3A_548 = tpu.vector_load %arg7[%swap3A_547] {strides = array<i32>} : memref<128xi32, #tpu.memory_space<vmem>>, vector<16xi32>,
        %swap3A_549 = vector.shape_cast %swap3A_548 : vector<16xi32> to vector<16xi32>
        %swap3A_550 = vector.shape_cast %shift_right_logical3A_546 : vector<16xi32> to vector<16xi32>
        tpu.vector_store %arg7[%swap3A_547], %swap3A_550 {strides = array<i32>} : memref<128xi32, #tpu.memory_space<vmem>>, vector<16xi32>,
        %and3A_551 = arith.constant 65535 : i32
        %and3A_552 = vector.broadcast %and3A_551 : i32 to vector<16xi32>
        %and3A_553 = arith.andi %get3A_543, %and3A_552 : vector<16xi32>
        %swap3A_554 = arith.constant 0 : i32
        %swap3A_555 = arith.index_cast %swap3A_554 : i32 to index
        %swap3A_556 = arith.constant 112 : index
        %swap3A_557 = tpu.vector_load %arg9[%swap3A_555, %swap3A_556] {strides = array<i32>} : memref<1x128xi32, #tpu.memory_space<vmem>>, vector<1x16xi32>,
        %swap3A_558 = vector.shape_cast %swap3A_557 : vector<1x16xi32> to vector<16xi32>
        %swap3A_559 = vector.shape_cast %and3A_553 : vector<16xi32> to vector<1x16xi32>
        tpu.vector_store %arg9[%swap3A_555, %swap3A_556], %swap3A_559 {strides = array<i32>} : memref<1x128xi32, #tpu.memory_space<vmem>>, vector<1x16xi32>,
      } else {
      }
      %dma_wait3A_363 = arith.constant 0 : i32
      %dma_wait3A_364 = arith.constant 0 : i32
      %dma_wait3A_365 = tpu.memref_slice %arg2[%dma_wait3A_363, %dma_wait3A_364] : memref<10240x128xf32, #tpu.memory_space<hbm>> -> memref<10240x128xf32, #tpu.memory_space<hbm>>
      tpu.wait_indirect_dma semaphore(%arg15 : memref<!tpu.dma_semaphore, #tpu.memory_space<semaphore_mem>>) src(%dma_wait3A_365 : memref<10240x128xf32, #tpu.memory_space<hbm>>) dst(%arg12 : memref<128x128xf32, #tpu.memory_space<vmem>>)
      %add3A_366 = arith.constant 1 : i32
      %add3A_367 = arith.addi %scan3A_165, %add3A_366 : i32
      %lt3A_368 = arith.constant 40 : i32
      %lt3A_369 = arith.cmpi slt, %add3A_367, %lt3A_368 : i32
      %convert_element_type3A_370 = arith.extui %lt3A_369 : i1 to i32
      %cond3A_371 = arith.constant 0 : i32
      %cond3A_372 = arith.cmpi ne, %convert_element_type3A_370, %cond3A_371 : i32
      scf.if %cond3A_372 {
        %dma_start3A_374 = arith.constant 0 : i32
        %dma_start3A_375 = arith.constant 0 : i32
        %dma_start3A_376 = tpu.memref_slice %arg2[%dma_start3A_374, %dma_start3A_375] : memref<10240x128xf32, #tpu.memory_space<hbm>> -> memref<10240x128xf32, #tpu.memory_space<hbm>>
        tpu.enqueue_indirect_dma source(%dma_start3A_376 : memref<10240x128xf32, #tpu.memory_space<hbm>>) target(%arg11 : memref<128x128xf32, #tpu.memory_space<vmem>>) offsets(%arg7 : memref<128xi32, #tpu.memory_space<vmem>>) semaphore(%arg14 : memref<!tpu.dma_semaphore, #tpu.memory_space<semaphore_mem>>)
      } else {
      }
      %run_scoped3A_373 = arith.constant 0 : i32
      "tpu.region"() ({
        %run_scoped3A_374 = tpu.sem_alloc : memref<!tpu.dma_semaphore, #tpu.memory_space<semaphore_mem>>
        %dma_start3A_375 = arith.constant 0 : i32
        %dma_start3A_376 = tpu.memref_slice %arg10[%run_scoped3A_373, %dma_start3A_375] : memref<1x128xi32, #tpu.memory_space<vmem>> -> memref<1x128xi32, #tpu.memory_space<vmem>>
        %dma_start3A_377 = tpu.memref_squeeze %dma_start3A_376 : memref<1x128xi32, #tpu.memory_space<vmem>> -> memref<128xi32, #tpu.memory_space<vmem>>
        %dma_start3A_378 = arith.constant 0 : i32
        %dma_start3A_379 = arith.constant 0 : i32
        %dma_start3A_380 = tpu.memref_slice %arg13[%dma_start3A_378, %dma_start3A_379] : memref<10240x128xf32, #tpu.memory_space<vmem_shared>> -> memref<10240x128xf32, #tpu.memory_space<vmem_shared>>
        tpu.enqueue_indirect_dma source(%arg12 : memref<128x128xf32, #tpu.memory_space<vmem>>) target(%dma_start3A_380 : memref<10240x128xf32, #tpu.memory_space<vmem_shared>>) offsets(%dma_start3A_377 : memref<128xi32, #tpu.memory_space<vmem>>) semaphore(%run_scoped3A_374 : memref<!tpu.dma_semaphore, #tpu.memory_space<semaphore_mem>>) {add = true}
        %dma_wait3A_381 = arith.constant 0 : i32
        %dma_wait3A_382 = tpu.memref_slice %arg10[%run_scoped3A_373, %dma_wait3A_381] : memref<1x128xi32, #tpu.memory_space<vmem>> -> memref<1x128xi32, #tpu.memory_space<vmem>>
        %dma_wait3A_383 = tpu.memref_squeeze %dma_wait3A_382 : memref<1x128xi32, #tpu.memory_space<vmem>> -> memref<128xi32, #tpu.memory_space<vmem>>
        %dma_wait3A_384 = arith.constant 0 : i32
        %dma_wait3A_385 = arith.constant 0 : i32
        %dma_wait3A_386 = tpu.memref_slice %arg13[%dma_wait3A_384, %dma_wait3A_385] : memref<10240x128xf32, #tpu.memory_space<vmem_shared>> -> memref<10240x128xf32, #tpu.memory_space<vmem_shared>>
        tpu.wait_indirect_dma semaphore(%run_scoped3A_374 : memref<!tpu.dma_semaphore, #tpu.memory_space<semaphore_mem>>) src(%arg12 : memref<128x128xf32, #tpu.memory_space<vmem>>) dst(%dma_wait3A_386 : memref<10240x128xf32, #tpu.memory_space<vmem_shared>>)
        tpu.yield
      }) : () -> ()
    }
    %scan3A_159 = arith.constant 40 : i32
    %barrier3A_160 = arith.constant 0 : index
    tpu.barrier barrier_id(%barrier3A_160)
    %mul3A_161 = arith.constant 640 : i32
    %mul3A_162 = arith.muli %arg1, %mul3A_161 : i32
    %mul3A_163 = arith.constant 640 : i32
    %mul3A_164 = arith.muli %arg1, %mul3A_163 : i32
    "tpu.region"() ({
      %run_scoped3A = tpu.sem_alloc : memref<!tpu.dma_semaphore, #tpu.memory_space<semaphore_mem>>
      %dma_start3A_165 = arith.constant 0 : i32
      %dma_start3A_166 = tpu.memref_slice %arg5[%arg0, %mul3A_164, %dma_start3A_165] : memref<2x10240x128xf32, #tpu.memory_space<hbm>> -> memref<1x640x128xf32, #tpu.memory_space<hbm>>
      %dma_start3A_167 = tpu.memref_squeeze %dma_start3A_166 : memref<1x640x128xf32, #tpu.memory_space<hbm>> -> memref<640x128xf32, #tpu.memory_space<hbm>>
      %dma_start3A_168 = arith.constant 0 : i32
      %dma_start3A_169 = tpu.memref_slice %arg13[%mul3A_162, %dma_start3A_168] : memref<10240x128xf32, #tpu.memory_space<vmem_shared>> -> memref<640x128xf32, #tpu.memory_space<vmem_shared>>
      tpu.enqueue_dma source(%dma_start3A_169 : memref<640x128xf32, #tpu.memory_space<vmem_shared>>) target(%dma_start3A_167 : memref<640x128xf32, #tpu.memory_space<hbm>>) target_semaphore(%run_scoped3A : memref<!tpu.dma_semaphore, #tpu.memory_space<semaphore_mem>>)
      %dma_wait3A = arith.constant 0 : i32
      %dma_wait3A_170 = tpu.memref_slice %arg5[%arg0, %mul3A_164, %dma_wait3A] : memref<2x10240x128xf32, #tpu.memory_space<hbm>> -> memref<1x640x128xf32, #tpu.memory_space<hbm>>
      %dma_wait3A_171 = tpu.memref_squeeze %dma_wait3A_170 : memref<1x640x128xf32, #tpu.memory_space<hbm>> -> memref<640x128xf32, #tpu.memory_space<hbm>>
      %dma_wait3A_172 = arith.constant 0 : i32
      %dma_wait3A_173 = tpu.memref_slice %arg13[%mul3A_162, %dma_wait3A_172] : memref<10240x128xf32, #tpu.memory_space<vmem_shared>> -> memref<640x128xf32, #tpu.memory_space<vmem_shared>>
      tpu.wait_dma2 semaphore(%run_scoped3A : memref<!tpu.dma_semaphore, #tpu.memory_space<semaphore_mem>>) src(%dma_wait3A_173 : memref<640x128xf32, #tpu.memory_space<vmem_shared>>) dst(%dma_wait3A_171 : memref<640x128xf32, #tpu.memory_space<hbm>>)
      tpu.yield
    }) : () -> ()
    return
  }
}

#map = affine_map<(d0, d1) -> (0, 0)>
#map1 = affine_map<(d0, d1) -> (0)>
#map2 = affine_map<(d0, d1) -> (0, 0, 0)>
module attributes {stable_mosaic.version = 14 : i64} {
  func.func @_deg_body(%arg0: i32, %arg1: i32, %arg2: memref<2560x128xi32, #tpu.memory_space<hbm>>, %arg3: memref<2560x128xi32, #tpu.memory_space<hbm>>, %arg4: memref<128xf32, #tpu.memory_space<hbm>>, %arg5: memref<10240xf32, #tpu.memory_space<hbm>>, %arg6: memref<2x2x10240xf32, #tpu.memory_space<hbm>>, %arg7: memref<80x128xi32, #tpu.memory_space<vmem>>, %arg8: memref<80x128xi32, #tpu.memory_space<vmem>>, %arg9: memref<128xf32, #tpu.memory_space<vmem>>, %arg10: memref<10240xf32, #tpu.memory_space<vmem_shared>>, %arg11: memref<10240xf32, #tpu.memory_space<vmem_shared>>, %arg12: memref<!tpu.dma_semaphore, #tpu.memory_space<semaphore_mem>>, %arg13: memref<!tpu.dma_semaphore, #tpu.memory_space<semaphore_mem>>) attributes {dimension_semantics = [#tpu.dimension_semantics<core_parallel>, #tpu.dimension_semantics<subcore_parallel>], iteration_bounds = array<i64: 2, 16>, scalar_prefetch = 0 : i64, scratch_operands = 7 : i64, tpu.core_type = #tpu.core_type<sc_vector_subcore>, window_params = [{transform_indices = #map}, {transform_indices = #map}, {transform_indices = #map1}, {transform_indices = #map1}, {transform_indices = #map2}]} {
    %mul3A = arith.constant 16 : i32
    %mul3A_0 = arith.muli %arg0, %mul3A : i32
    %add3A = arith.addi %mul3A_0, %arg1 : i32
    "tpu.region"() ({
      %run_scoped3A_27 = tpu.sem_alloc : memref<!tpu.dma_semaphore, #tpu.memory_space<semaphore_mem>>
      tpu.enqueue_dma source(%arg4 : memref<128xf32, #tpu.memory_space<hbm>>) target(%arg9 : memref<128xf32, #tpu.memory_space<vmem>>) target_semaphore(%run_scoped3A_27 : memref<!tpu.dma_semaphore, #tpu.memory_space<semaphore_mem>>)
      tpu.wait_dma2 semaphore(%run_scoped3A_27 : memref<!tpu.dma_semaphore, #tpu.memory_space<semaphore_mem>>) src(%arg4 : memref<128xf32, #tpu.memory_space<hbm>>) dst(%arg9 : memref<128xf32, #tpu.memory_space<vmem>>)
      tpu.yield
    }) : () -> ()
    %mul3A_1 = arith.constant 80 : i32
    %mul3A_2 = arith.muli %add3A, %mul3A_1 : i32
    "tpu.region"() ({
      %run_scoped3A_27 = tpu.sem_alloc : memref<!tpu.dma_semaphore, #tpu.memory_space<semaphore_mem>>
      %dma_start3A = arith.constant 0 : i32
      %dma_start3A_28 = tpu.memref_slice %arg2[%mul3A_2, %dma_start3A] : memref<2560x128xi32, #tpu.memory_space<hbm>> -> memref<80x128xi32, #tpu.memory_space<hbm>>
      %dma_start3A_29 = arith.constant 0 : i32
      %dma_start3A_30 = tpu.memref_slice %arg2[%mul3A_2, %dma_start3A_29] : memref<2560x128xi32, #tpu.memory_space<hbm>> -> memref<80x128xi32, #tpu.memory_space<hbm>>
      tpu.enqueue_dma source(%dma_start3A_30 : memref<80x128xi32, #tpu.memory_space<hbm>>) target(%arg7 : memref<80x128xi32, #tpu.memory_space<vmem>>) target_semaphore(%run_scoped3A_27 : memref<!tpu.dma_semaphore, #tpu.memory_space<semaphore_mem>>)
      %dma_wait3A = arith.constant 0 : i32
      %dma_wait3A_31 = tpu.memref_slice %arg2[%mul3A_2, %dma_wait3A] : memref<2560x128xi32, #tpu.memory_space<hbm>> -> memref<80x128xi32, #tpu.memory_space<hbm>>
      %dma_wait3A_32 = arith.constant 0 : i32
      %dma_wait3A_33 = tpu.memref_slice %arg2[%mul3A_2, %dma_wait3A_32] : memref<2560x128xi32, #tpu.memory_space<hbm>> -> memref<80x128xi32, #tpu.memory_space<hbm>>
      tpu.wait_dma2 semaphore(%run_scoped3A_27 : memref<!tpu.dma_semaphore, #tpu.memory_space<semaphore_mem>>) src(%dma_wait3A_33 : memref<80x128xi32, #tpu.memory_space<hbm>>) dst(%arg7 : memref<80x128xi32, #tpu.memory_space<vmem>>)
      tpu.yield
    }) : () -> ()
    %mul3A_3 = arith.constant 80 : i32
    %mul3A_4 = arith.muli %add3A, %mul3A_3 : i32
    "tpu.region"() ({
      %run_scoped3A_27 = tpu.sem_alloc : memref<!tpu.dma_semaphore, #tpu.memory_space<semaphore_mem>>
      %dma_start3A = arith.constant 0 : i32
      %dma_start3A_28 = tpu.memref_slice %arg3[%mul3A_4, %dma_start3A] : memref<2560x128xi32, #tpu.memory_space<hbm>> -> memref<80x128xi32, #tpu.memory_space<hbm>>
      %dma_start3A_29 = arith.constant 0 : i32
      %dma_start3A_30 = tpu.memref_slice %arg3[%mul3A_4, %dma_start3A_29] : memref<2560x128xi32, #tpu.memory_space<hbm>> -> memref<80x128xi32, #tpu.memory_space<hbm>>
      tpu.enqueue_dma source(%dma_start3A_30 : memref<80x128xi32, #tpu.memory_space<hbm>>) target(%arg8 : memref<80x128xi32, #tpu.memory_space<vmem>>) target_semaphore(%run_scoped3A_27 : memref<!tpu.dma_semaphore, #tpu.memory_space<semaphore_mem>>)
      %dma_wait3A = arith.constant 0 : i32
      %dma_wait3A_31 = tpu.memref_slice %arg3[%mul3A_4, %dma_wait3A] : memref<2560x128xi32, #tpu.memory_space<hbm>> -> memref<80x128xi32, #tpu.memory_space<hbm>>
      %dma_wait3A_32 = arith.constant 0 : i32
      %dma_wait3A_33 = tpu.memref_slice %arg3[%mul3A_4, %dma_wait3A_32] : memref<2560x128xi32, #tpu.memory_space<hbm>> -> memref<80x128xi32, #tpu.memory_space<hbm>>
      tpu.wait_dma2 semaphore(%run_scoped3A_27 : memref<!tpu.dma_semaphore, #tpu.memory_space<semaphore_mem>>) src(%dma_wait3A_33 : memref<80x128xi32, #tpu.memory_space<hbm>>) dst(%arg8 : memref<80x128xi32, #tpu.memory_space<vmem>>)
      tpu.yield
    }) : () -> ()
    %eq3A = arith.constant 0 : i32
    %eq3A_5 = arith.cmpi eq, %arg1, %eq3A : i32
    %convert_element_type3A = arith.extui %eq3A_5 : i1 to i32
    %cond3A = arith.constant 0 : i32
    %cond3A_6 = arith.cmpi ne, %convert_element_type3A, %cond3A : i32
    scf.if %cond3A_6 {
      "tpu.region"() ({
        %run_scoped3A_27 = tpu.sem_alloc : memref<!tpu.dma_semaphore, #tpu.memory_space<semaphore_mem>>
        tpu.enqueue_dma source(%arg5 : memref<10240xf32, #tpu.memory_space<hbm>>) target(%arg10 : memref<10240xf32, #tpu.memory_space<vmem_shared>>) target_semaphore(%run_scoped3A_27 : memref<!tpu.dma_semaphore, #tpu.memory_space<semaphore_mem>>)
        tpu.wait_dma2 semaphore(%run_scoped3A_27 : memref<!tpu.dma_semaphore, #tpu.memory_space<semaphore_mem>>) src(%arg5 : memref<10240xf32, #tpu.memory_space<hbm>>) dst(%arg10 : memref<10240xf32, #tpu.memory_space<vmem_shared>>)
        tpu.yield
      }) : () -> ()
    } else {
    }
    %eq3A_7 = arith.constant 1 : i32
    %eq3A_8 = arith.cmpi eq, %arg1, %eq3A_7 : i32
    %convert_element_type3A_9 = arith.extui %eq3A_8 : i1 to i32
    %cond3A_10 = arith.constant 0 : i32
    %cond3A_11 = arith.cmpi ne, %convert_element_type3A_9, %cond3A_10 : i32
    scf.if %cond3A_11 {
      "tpu.region"() ({
        %run_scoped3A_27 = tpu.sem_alloc : memref<!tpu.dma_semaphore, #tpu.memory_space<semaphore_mem>>
        tpu.enqueue_dma source(%arg5 : memref<10240xf32, #tpu.memory_space<hbm>>) target(%arg11 : memref<10240xf32, #tpu.memory_space<vmem_shared>>) target_semaphore(%run_scoped3A_27 : memref<!tpu.dma_semaphore, #tpu.memory_space<semaphore_mem>>)
        tpu.wait_dma2 semaphore(%run_scoped3A_27 : memref<!tpu.dma_semaphore, #tpu.memory_space<semaphore_mem>>) src(%arg5 : memref<10240xf32, #tpu.memory_space<hbm>>) dst(%arg11 : memref<10240xf32, #tpu.memory_space<vmem_shared>>)
        tpu.yield
      }) : () -> ()
    } else {
    }
    %barrier3A = arith.constant 0 : index
    tpu.barrier barrier_id(%barrier3A)
    %scan3A = arith.constant 0 : i32
    %scan3A_12 = arith.constant 0 : i32
    %scan3A_13 = arith.constant 10 : i32
    %scan3A_14 = arith.addi %scan3A_12, %scan3A_13 : i32
    %scan3A_15 = arith.constant 1 : i32
    scf.for %scan3A_27 = %scan3A_12 to %scan3A_14 step %scan3A_15  : i32 {
      %mul3A_28 = arith.constant 8 : i32
      %mul3A_29 = arith.muli %scan3A_27, %mul3A_28 : i32
      %add3A_30 = arith.constant 0 : i32
      %add3A_31 = arith.addi %mul3A_29, %add3A_30 : i32
      %dma_start3A = arith.constant 0 : i32
      %dma_start3A_32 = tpu.memref_slice %arg7[%add3A_31, %dma_start3A] : memref<80x128xi32, #tpu.memory_space<vmem>> -> memref<1x128xi32, #tpu.memory_space<vmem>>
      %dma_start3A_33 = tpu.memref_squeeze %dma_start3A_32 : memref<1x128xi32, #tpu.memory_space<vmem>> -> memref<128xi32, #tpu.memory_space<vmem>>
      %dma_start3A_34 = arith.constant 0 : i32
      %dma_start3A_35 = tpu.memref_slice %arg10[%dma_start3A_34] : memref<10240xf32, #tpu.memory_space<vmem_shared>> -> memref<10240xf32, #tpu.memory_space<vmem_shared>>
      tpu.enqueue_indirect_dma source(%arg9 : memref<128xf32, #tpu.memory_space<vmem>>) target(%dma_start3A_35 : memref<10240xf32, #tpu.memory_space<vmem_shared>>) offsets(%dma_start3A_33 : memref<128xi32, #tpu.memory_space<vmem>>) semaphore(%arg12 : memref<!tpu.dma_semaphore, #tpu.memory_space<semaphore_mem>>) {add = true}
      %dma_start3A_36 = arith.constant 0 : i32
      %dma_start3A_37 = tpu.memref_slice %arg8[%add3A_31, %dma_start3A_36] : memref<80x128xi32, #tpu.memory_space<vmem>> -> memref<1x128xi32, #tpu.memory_space<vmem>>
      %dma_start3A_38 = tpu.memref_squeeze %dma_start3A_37 : memref<1x128xi32, #tpu.memory_space<vmem>> -> memref<128xi32, #tpu.memory_space<vmem>>
      %dma_start3A_39 = arith.constant 0 : i32
      %dma_start3A_40 = tpu.memref_slice %arg11[%dma_start3A_39] : memref<10240xf32, #tpu.memory_space<vmem_shared>> -> memref<10240xf32, #tpu.memory_space<vmem_shared>>
      tpu.enqueue_indirect_dma source(%arg9 : memref<128xf32, #tpu.memory_space<vmem>>) target(%dma_start3A_40 : memref<10240xf32, #tpu.memory_space<vmem_shared>>) offsets(%dma_start3A_38 : memref<128xi32, #tpu.memory_space<vmem>>) semaphore(%arg13 : memref<!tpu.dma_semaphore, #tpu.memory_space<semaphore_mem>>) {add = true}
      %mul3A_41 = arith.constant 8 : i32
      %mul3A_42 = arith.muli %scan3A_27, %mul3A_41 : i32
      %add3A_43 = arith.constant 1 : i32
      %add3A_44 = arith.addi %mul3A_42, %add3A_43 : i32
      %dma_start3A_45 = arith.constant 0 : i32
      %dma_start3A_46 = tpu.memref_slice %arg7[%add3A_44, %dma_start3A_45] : memref<80x128xi32, #tpu.memory_space<vmem>> -> memref<1x128xi32, #tpu.memory_space<vmem>>
      %dma_start3A_47 = tpu.memref_squeeze %dma_start3A_46 : memref<1x128xi32, #tpu.memory_space<vmem>> -> memref<128xi32, #tpu.memory_space<vmem>>
      %dma_start3A_48 = arith.constant 0 : i32
      %dma_start3A_49 = tpu.memref_slice %arg10[%dma_start3A_48] : memref<10240xf32, #tpu.memory_space<vmem_shared>> -> memref<10240xf32, #tpu.memory_space<vmem_shared>>
      tpu.enqueue_indirect_dma source(%arg9 : memref<128xf32, #tpu.memory_space<vmem>>) target(%dma_start3A_49 : memref<10240xf32, #tpu.memory_space<vmem_shared>>) offsets(%dma_start3A_47 : memref<128xi32, #tpu.memory_space<vmem>>) semaphore(%arg12 : memref<!tpu.dma_semaphore, #tpu.memory_space<semaphore_mem>>) {add = true}
      %dma_start3A_50 = arith.constant 0 : i32
      %dma_start3A_51 = tpu.memref_slice %arg8[%add3A_44, %dma_start3A_50] : memref<80x128xi32, #tpu.memory_space<vmem>> -> memref<1x128xi32, #tpu.memory_space<vmem>>
      %dma_start3A_52 = tpu.memref_squeeze %dma_start3A_51 : memref<1x128xi32, #tpu.memory_space<vmem>> -> memref<128xi32, #tpu.memory_space<vmem>>
      %dma_start3A_53 = arith.constant 0 : i32
      %dma_start3A_54 = tpu.memref_slice %arg11[%dma_start3A_53] : memref<10240xf32, #tpu.memory_space<vmem_shared>> -> memref<10240xf32, #tpu.memory_space<vmem_shared>>
      tpu.enqueue_indirect_dma source(%arg9 : memref<128xf32, #tpu.memory_space<vmem>>) target(%dma_start3A_54 : memref<10240xf32, #tpu.memory_space<vmem_shared>>) offsets(%dma_start3A_52 : memref<128xi32, #tpu.memory_space<vmem>>) semaphore(%arg13 : memref<!tpu.dma_semaphore, #tpu.memory_space<semaphore_mem>>) {add = true}
      %mul3A_55 = arith.constant 8 : i32
      %mul3A_56 = arith.muli %scan3A_27, %mul3A_55 : i32
      %add3A_57 = arith.constant 2 : i32
      %add3A_58 = arith.addi %mul3A_56, %add3A_57 : i32
      %dma_start3A_59 = arith.constant 0 : i32
      %dma_start3A_60 = tpu.memref_slice %arg7[%add3A_58, %dma_start3A_59] : memref<80x128xi32, #tpu.memory_space<vmem>> -> memref<1x128xi32, #tpu.memory_space<vmem>>
      %dma_start3A_61 = tpu.memref_squeeze %dma_start3A_60 : memref<1x128xi32, #tpu.memory_space<vmem>> -> memref<128xi32, #tpu.memory_space<vmem>>
      %dma_start3A_62 = arith.constant 0 : i32
      %dma_start3A_63 = tpu.memref_slice %arg10[%dma_start3A_62] : memref<10240xf32, #tpu.memory_space<vmem_shared>> -> memref<10240xf32, #tpu.memory_space<vmem_shared>>
      tpu.enqueue_indirect_dma source(%arg9 : memref<128xf32, #tpu.memory_space<vmem>>) target(%dma_start3A_63 : memref<10240xf32, #tpu.memory_space<vmem_shared>>) offsets(%dma_start3A_61 : memref<128xi32, #tpu.memory_space<vmem>>) semaphore(%arg12 : memref<!tpu.dma_semaphore, #tpu.memory_space<semaphore_mem>>) {add = true}
      %dma_start3A_64 = arith.constant 0 : i32
      %dma_start3A_65 = tpu.memref_slice %arg8[%add3A_58, %dma_start3A_64] : memref<80x128xi32, #tpu.memory_space<vmem>> -> memref<1x128xi32, #tpu.memory_space<vmem>>
      %dma_start3A_66 = tpu.memref_squeeze %dma_start3A_65 : memref<1x128xi32, #tpu.memory_space<vmem>> -> memref<128xi32, #tpu.memory_space<vmem>>
      %dma_start3A_67 = arith.constant 0 : i32
      %dma_start3A_68 = tpu.memref_slice %arg11[%dma_start3A_67] : memref<10240xf32, #tpu.memory_space<vmem_shared>> -> memref<10240xf32, #tpu.memory_space<vmem_shared>>
      tpu.enqueue_indirect_dma source(%arg9 : memref<128xf32, #tpu.memory_space<vmem>>) target(%dma_start3A_68 : memref<10240xf32, #tpu.memory_space<vmem_shared>>) offsets(%dma_start3A_66 : memref<128xi32, #tpu.memory_space<vmem>>) semaphore(%arg13 : memref<!tpu.dma_semaphore, #tpu.memory_space<semaphore_mem>>) {add = true}
      %mul3A_69 = arith.constant 8 : i32
      %mul3A_70 = arith.muli %scan3A_27, %mul3A_69 : i32
      %add3A_71 = arith.constant 3 : i32
      %add3A_72 = arith.addi %mul3A_70, %add3A_71 : i32
      %dma_start3A_73 = arith.constant 0 : i32
      %dma_start3A_74 = tpu.memref_slice %arg7[%add3A_72, %dma_start3A_73] : memref<80x128xi32, #tpu.memory_space<vmem>> -> memref<1x128xi32, #tpu.memory_space<vmem>>
      %dma_start3A_75 = tpu.memref_squeeze %dma_start3A_74 : memref<1x128xi32, #tpu.memory_space<vmem>> -> memref<128xi32, #tpu.memory_space<vmem>>
      %dma_start3A_76 = arith.constant 0 : i32
      %dma_start3A_77 = tpu.memref_slice %arg10[%dma_start3A_76] : memref<10240xf32, #tpu.memory_space<vmem_shared>> -> memref<10240xf32, #tpu.memory_space<vmem_shared>>
      tpu.enqueue_indirect_dma source(%arg9 : memref<128xf32, #tpu.memory_space<vmem>>) target(%dma_start3A_77 : memref<10240xf32, #tpu.memory_space<vmem_shared>>) offsets(%dma_start3A_75 : memref<128xi32, #tpu.memory_space<vmem>>) semaphore(%arg12 : memref<!tpu.dma_semaphore, #tpu.memory_space<semaphore_mem>>) {add = true}
      %dma_start3A_78 = arith.constant 0 : i32
      %dma_start3A_79 = tpu.memref_slice %arg8[%add3A_72, %dma_start3A_78] : memref<80x128xi32, #tpu.memory_space<vmem>> -> memref<1x128xi32, #tpu.memory_space<vmem>>
      %dma_start3A_80 = tpu.memref_squeeze %dma_start3A_79 : memref<1x128xi32, #tpu.memory_space<vmem>> -> memref<128xi32, #tpu.memory_space<vmem>>
      %dma_start3A_81 = arith.constant 0 : i32
      %dma_start3A_82 = tpu.memref_slice %arg11[%dma_start3A_81] : memref<10240xf32, #tpu.memory_space<vmem_shared>> -> memref<10240xf32, #tpu.memory_space<vmem_shared>>
      tpu.enqueue_indirect_dma source(%arg9 : memref<128xf32, #tpu.memory_space<vmem>>) target(%dma_start3A_82 : memref<10240xf32, #tpu.memory_space<vmem_shared>>) offsets(%dma_start3A_80 : memref<128xi32, #tpu.memory_space<vmem>>) semaphore(%arg13 : memref<!tpu.dma_semaphore, #tpu.memory_space<semaphore_mem>>) {add = true}
      %mul3A_83 = arith.constant 8 : i32
      %mul3A_84 = arith.muli %scan3A_27, %mul3A_83 : i32
      %add3A_85 = arith.constant 4 : i32
      %add3A_86 = arith.addi %mul3A_84, %add3A_85 : i32
      %dma_start3A_87 = arith.constant 0 : i32
      %dma_start3A_88 = tpu.memref_slice %arg7[%add3A_86, %dma_start3A_87] : memref<80x128xi32, #tpu.memory_space<vmem>> -> memref<1x128xi32, #tpu.memory_space<vmem>>
      %dma_start3A_89 = tpu.memref_squeeze %dma_start3A_88 : memref<1x128xi32, #tpu.memory_space<vmem>> -> memref<128xi32, #tpu.memory_space<vmem>>
      %dma_start3A_90 = arith.constant 0 : i32
      %dma_start3A_91 = tpu.memref_slice %arg10[%dma_start3A_90] : memref<10240xf32, #tpu.memory_space<vmem_shared>> -> memref<10240xf32, #tpu.memory_space<vmem_shared>>
      tpu.enqueue_indirect_dma source(%arg9 : memref<128xf32, #tpu.memory_space<vmem>>) target(%dma_start3A_91 : memref<10240xf32, #tpu.memory_space<vmem_shared>>) offsets(%dma_start3A_89 : memref<128xi32, #tpu.memory_space<vmem>>) semaphore(%arg12 : memref<!tpu.dma_semaphore, #tpu.memory_space<semaphore_mem>>) {add = true}
      %dma_start3A_92 = arith.constant 0 : i32
      %dma_start3A_93 = tpu.memref_slice %arg8[%add3A_86, %dma_start3A_92] : memref<80x128xi32, #tpu.memory_space<vmem>> -> memref<1x128xi32, #tpu.memory_space<vmem>>
      %dma_start3A_94 = tpu.memref_squeeze %dma_start3A_93 : memref<1x128xi32, #tpu.memory_space<vmem>> -> memref<128xi32, #tpu.memory_space<vmem>>
      %dma_start3A_95 = arith.constant 0 : i32
      %dma_start3A_96 = tpu.memref_slice %arg11[%dma_start3A_95] : memref<10240xf32, #tpu.memory_space<vmem_shared>> -> memref<10240xf32, #tpu.memory_space<vmem_shared>>
      tpu.enqueue_indirect_dma source(%arg9 : memref<128xf32, #tpu.memory_space<vmem>>) target(%dma_start3A_96 : memref<10240xf32, #tpu.memory_space<vmem_shared>>) offsets(%dma_start3A_94 : memref<128xi32, #tpu.memory_space<vmem>>) semaphore(%arg13 : memref<!tpu.dma_semaphore, #tpu.memory_space<semaphore_mem>>) {add = true}
      %mul3A_97 = arith.constant 8 : i32
      %mul3A_98 = arith.muli %scan3A_27, %mul3A_97 : i32
      %add3A_99 = arith.constant 5 : i32
      %add3A_100 = arith.addi %mul3A_98, %add3A_99 : i32
      %dma_start3A_101 = arith.constant 0 : i32
      %dma_start3A_102 = tpu.memref_slice %arg7[%add3A_100, %dma_start3A_101] : memref<80x128xi32, #tpu.memory_space<vmem>> -> memref<1x128xi32, #tpu.memory_space<vmem>>
      %dma_start3A_103 = tpu.memref_squeeze %dma_start3A_102 : memref<1x128xi32, #tpu.memory_space<vmem>> -> memref<128xi32, #tpu.memory_space<vmem>>
      %dma_start3A_104 = arith.constant 0 : i32
      %dma_start3A_105 = tpu.memref_slice %arg10[%dma_start3A_104] : memref<10240xf32, #tpu.memory_space<vmem_shared>> -> memref<10240xf32, #tpu.memory_space<vmem_shared>>
      tpu.enqueue_indirect_dma source(%arg9 : memref<128xf32, #tpu.memory_space<vmem>>) target(%dma_start3A_105 : memref<10240xf32, #tpu.memory_space<vmem_shared>>) offsets(%dma_start3A_103 : memref<128xi32, #tpu.memory_space<vmem>>) semaphore(%arg12 : memref<!tpu.dma_semaphore, #tpu.memory_space<semaphore_mem>>) {add = true}
      %dma_start3A_106 = arith.constant 0 : i32
      %dma_start3A_107 = tpu.memref_slice %arg8[%add3A_100, %dma_start3A_106] : memref<80x128xi32, #tpu.memory_space<vmem>> -> memref<1x128xi32, #tpu.memory_space<vmem>>
      %dma_start3A_108 = tpu.memref_squeeze %dma_start3A_107 : memref<1x128xi32, #tpu.memory_space<vmem>> -> memref<128xi32, #tpu.memory_space<vmem>>
      %dma_start3A_109 = arith.constant 0 : i32
      %dma_start3A_110 = tpu.memref_slice %arg11[%dma_start3A_109] : memref<10240xf32, #tpu.memory_space<vmem_shared>> -> memref<10240xf32, #tpu.memory_space<vmem_shared>>
      tpu.enqueue_indirect_dma source(%arg9 : memref<128xf32, #tpu.memory_space<vmem>>) target(%dma_start3A_110 : memref<10240xf32, #tpu.memory_space<vmem_shared>>) offsets(%dma_start3A_108 : memref<128xi32, #tpu.memory_space<vmem>>) semaphore(%arg13 : memref<!tpu.dma_semaphore, #tpu.memory_space<semaphore_mem>>) {add = true}
      %mul3A_111 = arith.constant 8 : i32
      %mul3A_112 = arith.muli %scan3A_27, %mul3A_111 : i32
      %add3A_113 = arith.constant 6 : i32
      %add3A_114 = arith.addi %mul3A_112, %add3A_113 : i32
      %dma_start3A_115 = arith.constant 0 : i32
      %dma_start3A_116 = tpu.memref_slice %arg7[%add3A_114, %dma_start3A_115] : memref<80x128xi32, #tpu.memory_space<vmem>> -> memref<1x128xi32, #tpu.memory_space<vmem>>
      %dma_start3A_117 = tpu.memref_squeeze %dma_start3A_116 : memref<1x128xi32, #tpu.memory_space<vmem>> -> memref<128xi32, #tpu.memory_space<vmem>>
      %dma_start3A_118 = arith.constant 0 : i32
      %dma_start3A_119 = tpu.memref_slice %arg10[%dma_start3A_118] : memref<10240xf32, #tpu.memory_space<vmem_shared>> -> memref<10240xf32, #tpu.memory_space<vmem_shared>>
      tpu.enqueue_indirect_dma source(%arg9 : memref<128xf32, #tpu.memory_space<vmem>>) target(%dma_start3A_119 : memref<10240xf32, #tpu.memory_space<vmem_shared>>) offsets(%dma_start3A_117 : memref<128xi32, #tpu.memory_space<vmem>>) semaphore(%arg12 : memref<!tpu.dma_semaphore, #tpu.memory_space<semaphore_mem>>) {add = true}
      %dma_start3A_120 = arith.constant 0 : i32
      %dma_start3A_121 = tpu.memref_slice %arg8[%add3A_114, %dma_start3A_120] : memref<80x128xi32, #tpu.memory_space<vmem>> -> memref<1x128xi32, #tpu.memory_space<vmem>>
      %dma_start3A_122 = tpu.memref_squeeze %dma_start3A_121 : memref<1x128xi32, #tpu.memory_space<vmem>> -> memref<128xi32, #tpu.memory_space<vmem>>
      %dma_start3A_123 = arith.constant 0 : i32
      %dma_start3A_124 = tpu.memref_slice %arg11[%dma_start3A_123] : memref<10240xf32, #tpu.memory_space<vmem_shared>> -> memref<10240xf32, #tpu.memory_space<vmem_shared>>
      tpu.enqueue_indirect_dma source(%arg9 : memref<128xf32, #tpu.memory_space<vmem>>) target(%dma_start3A_124 : memref<10240xf32, #tpu.memory_space<vmem_shared>>) offsets(%dma_start3A_122 : memref<128xi32, #tpu.memory_space<vmem>>) semaphore(%arg13 : memref<!tpu.dma_semaphore, #tpu.memory_space<semaphore_mem>>) {add = true}
      %mul3A_125 = arith.constant 8 : i32
      %mul3A_126 = arith.muli %scan3A_27, %mul3A_125 : i32
      %add3A_127 = arith.constant 7 : i32
      %add3A_128 = arith.addi %mul3A_126, %add3A_127 : i32
      %dma_start3A_129 = arith.constant 0 : i32
      %dma_start3A_130 = tpu.memref_slice %arg7[%add3A_128, %dma_start3A_129] : memref<80x128xi32, #tpu.memory_space<vmem>> -> memref<1x128xi32, #tpu.memory_space<vmem>>
      %dma_start3A_131 = tpu.memref_squeeze %dma_start3A_130 : memref<1x128xi32, #tpu.memory_space<vmem>> -> memref<128xi32, #tpu.memory_space<vmem>>
      %dma_start3A_132 = arith.constant 0 : i32
      %dma_start3A_133 = tpu.memref_slice %arg10[%dma_start3A_132] : memref<10240xf32, #tpu.memory_space<vmem_shared>> -> memref<10240xf32, #tpu.memory_space<vmem_shared>>
      tpu.enqueue_indirect_dma source(%arg9 : memref<128xf32, #tpu.memory_space<vmem>>) target(%dma_start3A_133 : memref<10240xf32, #tpu.memory_space<vmem_shared>>) offsets(%dma_start3A_131 : memref<128xi32, #tpu.memory_space<vmem>>) semaphore(%arg12 : memref<!tpu.dma_semaphore, #tpu.memory_space<semaphore_mem>>) {add = true}
      %dma_start3A_134 = arith.constant 0 : i32
      %dma_start3A_135 = tpu.memref_slice %arg8[%add3A_128, %dma_start3A_134] : memref<80x128xi32, #tpu.memory_space<vmem>> -> memref<1x128xi32, #tpu.memory_space<vmem>>
      %dma_start3A_136 = tpu.memref_squeeze %dma_start3A_135 : memref<1x128xi32, #tpu.memory_space<vmem>> -> memref<128xi32, #tpu.memory_space<vmem>>
      %dma_start3A_137 = arith.constant 0 : i32
      %dma_start3A_138 = tpu.memref_slice %arg11[%dma_start3A_137] : memref<10240xf32, #tpu.memory_space<vmem_shared>> -> memref<10240xf32, #tpu.memory_space<vmem_shared>>
      tpu.enqueue_indirect_dma source(%arg9 : memref<128xf32, #tpu.memory_space<vmem>>) target(%dma_start3A_138 : memref<10240xf32, #tpu.memory_space<vmem_shared>>) offsets(%dma_start3A_136 : memref<128xi32, #tpu.memory_space<vmem>>) semaphore(%arg13 : memref<!tpu.dma_semaphore, #tpu.memory_space<semaphore_mem>>) {add = true}
      %mul3A_139 = arith.constant 8 : i32
      %mul3A_140 = arith.muli %scan3A_27, %mul3A_139 : i32
      %add3A_141 = arith.constant 0 : i32
      %add3A_142 = arith.addi %mul3A_140, %add3A_141 : i32
      %dma_wait3A = arith.constant 0 : i32
      %dma_wait3A_143 = tpu.memref_slice %arg7[%add3A_142, %dma_wait3A] : memref<80x128xi32, #tpu.memory_space<vmem>> -> memref<1x128xi32, #tpu.memory_space<vmem>>
      %dma_wait3A_144 = tpu.memref_squeeze %dma_wait3A_143 : memref<1x128xi32, #tpu.memory_space<vmem>> -> memref<128xi32, #tpu.memory_space<vmem>>
      %dma_wait3A_145 = arith.constant 0 : i32
      %dma_wait3A_146 = tpu.memref_slice %arg10[%dma_wait3A_145] : memref<10240xf32, #tpu.memory_space<vmem_shared>> -> memref<10240xf32, #tpu.memory_space<vmem_shared>>
      tpu.wait_indirect_dma semaphore(%arg12 : memref<!tpu.dma_semaphore, #tpu.memory_space<semaphore_mem>>) src(%arg9 : memref<128xf32, #tpu.memory_space<vmem>>) dst(%dma_wait3A_146 : memref<10240xf32, #tpu.memory_space<vmem_shared>>)
      %dma_wait3A_147 = arith.constant 0 : i32
      %dma_wait3A_148 = tpu.memref_slice %arg8[%add3A_142, %dma_wait3A_147] : memref<80x128xi32, #tpu.memory_space<vmem>> -> memref<1x128xi32, #tpu.memory_space<vmem>>
      %dma_wait3A_149 = tpu.memref_squeeze %dma_wait3A_148 : memref<1x128xi32, #tpu.memory_space<vmem>> -> memref<128xi32, #tpu.memory_space<vmem>>
      %dma_wait3A_150 = arith.constant 0 : i32
      %dma_wait3A_151 = tpu.memref_slice %arg11[%dma_wait3A_150] : memref<10240xf32, #tpu.memory_space<vmem_shared>> -> memref<10240xf32, #tpu.memory_space<vmem_shared>>
      tpu.wait_indirect_dma semaphore(%arg13 : memref<!tpu.dma_semaphore, #tpu.memory_space<semaphore_mem>>) src(%arg9 : memref<128xf32, #tpu.memory_space<vmem>>) dst(%dma_wait3A_151 : memref<10240xf32, #tpu.memory_space<vmem_shared>>)
      %mul3A_152 = arith.constant 8 : i32
      %mul3A_153 = arith.muli %scan3A_27, %mul3A_152 : i32
      %add3A_154 = arith.constant 1 : i32
      %add3A_155 = arith.addi %mul3A_153, %add3A_154 : i32
      %dma_wait3A_156 = arith.constant 0 : i32
      %dma_wait3A_157 = tpu.memref_slice %arg7[%add3A_155, %dma_wait3A_156] : memref<80x128xi32, #tpu.memory_space<vmem>> -> memref<1x128xi32, #tpu.memory_space<vmem>>
      %dma_wait3A_158 = tpu.memref_squeeze %dma_wait3A_157 : memref<1x128xi32, #tpu.memory_space<vmem>> -> memref<128xi32, #tpu.memory_space<vmem>>
      %dma_wait3A_159 = arith.constant 0 : i32
      %dma_wait3A_160 = tpu.memref_slice %arg10[%dma_wait3A_159] : memref<10240xf32, #tpu.memory_space<vmem_shared>> -> memref<10240xf32, #tpu.memory_space<vmem_shared>>
      tpu.wait_indirect_dma semaphore(%arg12 : memref<!tpu.dma_semaphore, #tpu.memory_space<semaphore_mem>>) src(%arg9 : memref<128xf32, #tpu.memory_space<vmem>>) dst(%dma_wait3A_160 : memref<10240xf32, #tpu.memory_space<vmem_shared>>)
      %dma_wait3A_161 = arith.constant 0 : i32
      %dma_wait3A_162 = tpu.memref_slice %arg8[%add3A_155, %dma_wait3A_161] : memref<80x128xi32, #tpu.memory_space<vmem>> -> memref<1x128xi32, #tpu.memory_space<vmem>>
      %dma_wait3A_163 = tpu.memref_squeeze %dma_wait3A_162 : memref<1x128xi32, #tpu.memory_space<vmem>> -> memref<128xi32, #tpu.memory_space<vmem>>
      %dma_wait3A_164 = arith.constant 0 : i32
      %dma_wait3A_165 = tpu.memref_slice %arg11[%dma_wait3A_164] : memref<10240xf32, #tpu.memory_space<vmem_shared>> -> memref<10240xf32, #tpu.memory_space<vmem_shared>>
      tpu.wait_indirect_dma semaphore(%arg13 : memref<!tpu.dma_semaphore, #tpu.memory_space<semaphore_mem>>) src(%arg9 : memref<128xf32, #tpu.memory_space<vmem>>) dst(%dma_wait3A_165 : memref<10240xf32, #tpu.memory_space<vmem_shared>>)
      %mul3A_166 = arith.constant 8 : i32
      %mul3A_167 = arith.muli %scan3A_27, %mul3A_166 : i32
      %add3A_168 = arith.constant 2 : i32
      %add3A_169 = arith.addi %mul3A_167, %add3A_168 : i32
      %dma_wait3A_170 = arith.constant 0 : i32
      %dma_wait3A_171 = tpu.memref_slice %arg7[%add3A_169, %dma_wait3A_170] : memref<80x128xi32, #tpu.memory_space<vmem>> -> memref<1x128xi32, #tpu.memory_space<vmem>>
      %dma_wait3A_172 = tpu.memref_squeeze %dma_wait3A_171 : memref<1x128xi32, #tpu.memory_space<vmem>> -> memref<128xi32, #tpu.memory_space<vmem>>
      %dma_wait3A_173 = arith.constant 0 : i32
      %dma_wait3A_174 = tpu.memref_slice %arg10[%dma_wait3A_173] : memref<10240xf32, #tpu.memory_space<vmem_shared>> -> memref<10240xf32, #tpu.memory_space<vmem_shared>>
      tpu.wait_indirect_dma semaphore(%arg12 : memref<!tpu.dma_semaphore, #tpu.memory_space<semaphore_mem>>) src(%arg9 : memref<128xf32, #tpu.memory_space<vmem>>) dst(%dma_wait3A_174 : memref<10240xf32, #tpu.memory_space<vmem_shared>>)
      %dma_wait3A_175 = arith.constant 0 : i32
      %dma_wait3A_176 = tpu.memref_slice %arg8[%add3A_169, %dma_wait3A_175] : memref<80x128xi32, #tpu.memory_space<vmem>> -> memref<1x128xi32, #tpu.memory_space<vmem>>
      %dma_wait3A_177 = tpu.memref_squeeze %dma_wait3A_176 : memref<1x128xi32, #tpu.memory_space<vmem>> -> memref<128xi32, #tpu.memory_space<vmem>>
      %dma_wait3A_178 = arith.constant 0 : i32
      %dma_wait3A_179 = tpu.memref_slice %arg11[%dma_wait3A_178] : memref<10240xf32, #tpu.memory_space<vmem_shared>> -> memref<10240xf32, #tpu.memory_space<vmem_shared>>
      tpu.wait_indirect_dma semaphore(%arg13 : memref<!tpu.dma_semaphore, #tpu.memory_space<semaphore_mem>>) src(%arg9 : memref<128xf32, #tpu.memory_space<vmem>>) dst(%dma_wait3A_179 : memref<10240xf32, #tpu.memory_space<vmem_shared>>)
      %mul3A_180 = arith.constant 8 : i32
      %mul3A_181 = arith.muli %scan3A_27, %mul3A_180 : i32
      %add3A_182 = arith.constant 3 : i32
      %add3A_183 = arith.addi %mul3A_181, %add3A_182 : i32
      %dma_wait3A_184 = arith.constant 0 : i32
      %dma_wait3A_185 = tpu.memref_slice %arg7[%add3A_183, %dma_wait3A_184] : memref<80x128xi32, #tpu.memory_space<vmem>> -> memref<1x128xi32, #tpu.memory_space<vmem>>
      %dma_wait3A_186 = tpu.memref_squeeze %dma_wait3A_185 : memref<1x128xi32, #tpu.memory_space<vmem>> -> memref<128xi32, #tpu.memory_space<vmem>>
      %dma_wait3A_187 = arith.constant 0 : i32
      %dma_wait3A_188 = tpu.memref_slice %arg10[%dma_wait3A_187] : memref<10240xf32, #tpu.memory_space<vmem_shared>> -> memref<10240xf32, #tpu.memory_space<vmem_shared>>
      tpu.wait_indirect_dma semaphore(%arg12 : memref<!tpu.dma_semaphore, #tpu.memory_space<semaphore_mem>>) src(%arg9 : memref<128xf32, #tpu.memory_space<vmem>>) dst(%dma_wait3A_188 : memref<10240xf32, #tpu.memory_space<vmem_shared>>)
      %dma_wait3A_189 = arith.constant 0 : i32
      %dma_wait3A_190 = tpu.memref_slice %arg8[%add3A_183, %dma_wait3A_189] : memref<80x128xi32, #tpu.memory_space<vmem>> -> memref<1x128xi32, #tpu.memory_space<vmem>>
      %dma_wait3A_191 = tpu.memref_squeeze %dma_wait3A_190 : memref<1x128xi32, #tpu.memory_space<vmem>> -> memref<128xi32, #tpu.memory_space<vmem>>
      %dma_wait3A_192 = arith.constant 0 : i32
      %dma_wait3A_193 = tpu.memref_slice %arg11[%dma_wait3A_192] : memref<10240xf32, #tpu.memory_space<vmem_shared>> -> memref<10240xf32, #tpu.memory_space<vmem_shared>>
      tpu.wait_indirect_dma semaphore(%arg13 : memref<!tpu.dma_semaphore, #tpu.memory_space<semaphore_mem>>) src(%arg9 : memref<128xf32, #tpu.memory_space<vmem>>) dst(%dma_wait3A_193 : memref<10240xf32, #tpu.memory_space<vmem_shared>>)
      %mul3A_194 = arith.constant 8 : i32
      %mul3A_195 = arith.muli %scan3A_27, %mul3A_194 : i32
      %add3A_196 = arith.constant 4 : i32
      %add3A_197 = arith.addi %mul3A_195, %add3A_196 : i32
      %dma_wait3A_198 = arith.constant 0 : i32
      %dma_wait3A_199 = tpu.memref_slice %arg7[%add3A_197, %dma_wait3A_198] : memref<80x128xi32, #tpu.memory_space<vmem>> -> memref<1x128xi32, #tpu.memory_space<vmem>>
      %dma_wait3A_200 = tpu.memref_squeeze %dma_wait3A_199 : memref<1x128xi32, #tpu.memory_space<vmem>> -> memref<128xi32, #tpu.memory_space<vmem>>
      %dma_wait3A_201 = arith.constant 0 : i32
      %dma_wait3A_202 = tpu.memref_slice %arg10[%dma_wait3A_201] : memref<10240xf32, #tpu.memory_space<vmem_shared>> -> memref<10240xf32, #tpu.memory_space<vmem_shared>>
      tpu.wait_indirect_dma semaphore(%arg12 : memref<!tpu.dma_semaphore, #tpu.memory_space<semaphore_mem>>) src(%arg9 : memref<128xf32, #tpu.memory_space<vmem>>) dst(%dma_wait3A_202 : memref<10240xf32, #tpu.memory_space<vmem_shared>>)
      %dma_wait3A_203 = arith.constant 0 : i32
      %dma_wait3A_204 = tpu.memref_slice %arg8[%add3A_197, %dma_wait3A_203] : memref<80x128xi32, #tpu.memory_space<vmem>> -> memref<1x128xi32, #tpu.memory_space<vmem>>
      %dma_wait3A_205 = tpu.memref_squeeze %dma_wait3A_204 : memref<1x128xi32, #tpu.memory_space<vmem>> -> memref<128xi32, #tpu.memory_space<vmem>>
      %dma_wait3A_206 = arith.constant 0 : i32
      %dma_wait3A_207 = tpu.memref_slice %arg11[%dma_wait3A_206] : memref<10240xf32, #tpu.memory_space<vmem_shared>> -> memref<10240xf32, #tpu.memory_space<vmem_shared>>
      tpu.wait_indirect_dma semaphore(%arg13 : memref<!tpu.dma_semaphore, #tpu.memory_space<semaphore_mem>>) src(%arg9 : memref<128xf32, #tpu.memory_space<vmem>>) dst(%dma_wait3A_207 : memref<10240xf32, #tpu.memory_space<vmem_shared>>)
      %mul3A_208 = arith.constant 8 : i32
      %mul3A_209 = arith.muli %scan3A_27, %mul3A_208 : i32
      %add3A_210 = arith.constant 5 : i32
      %add3A_211 = arith.addi %mul3A_209, %add3A_210 : i32
      %dma_wait3A_212 = arith.constant 0 : i32
      %dma_wait3A_213 = tpu.memref_slice %arg7[%add3A_211, %dma_wait3A_212] : memref<80x128xi32, #tpu.memory_space<vmem>> -> memref<1x128xi32, #tpu.memory_space<vmem>>
      %dma_wait3A_214 = tpu.memref_squeeze %dma_wait3A_213 : memref<1x128xi32, #tpu.memory_space<vmem>> -> memref<128xi32, #tpu.memory_space<vmem>>
      %dma_wait3A_215 = arith.constant 0 : i32
      %dma_wait3A_216 = tpu.memref_slice %arg10[%dma_wait3A_215] : memref<10240xf32, #tpu.memory_space<vmem_shared>> -> memref<10240xf32, #tpu.memory_space<vmem_shared>>
      tpu.wait_indirect_dma semaphore(%arg12 : memref<!tpu.dma_semaphore, #tpu.memory_space<semaphore_mem>>) src(%arg9 : memref<128xf32, #tpu.memory_space<vmem>>) dst(%dma_wait3A_216 : memref<10240xf32, #tpu.memory_space<vmem_shared>>)
      %dma_wait3A_217 = arith.constant 0 : i32
      %dma_wait3A_218 = tpu.memref_slice %arg8[%add3A_211, %dma_wait3A_217] : memref<80x128xi32, #tpu.memory_space<vmem>> -> memref<1x128xi32, #tpu.memory_space<vmem>>
      %dma_wait3A_219 = tpu.memref_squeeze %dma_wait3A_218 : memref<1x128xi32, #tpu.memory_space<vmem>> -> memref<128xi32, #tpu.memory_space<vmem>>
      %dma_wait3A_220 = arith.constant 0 : i32
      %dma_wait3A_221 = tpu.memref_slice %arg11[%dma_wait3A_220] : memref<10240xf32, #tpu.memory_space<vmem_shared>> -> memref<10240xf32, #tpu.memory_space<vmem_shared>>
      tpu.wait_indirect_dma semaphore(%arg13 : memref<!tpu.dma_semaphore, #tpu.memory_space<semaphore_mem>>) src(%arg9 : memref<128xf32, #tpu.memory_space<vmem>>) dst(%dma_wait3A_221 : memref<10240xf32, #tpu.memory_space<vmem_shared>>)
      %mul3A_222 = arith.constant 8 : i32
      %mul3A_223 = arith.muli %scan3A_27, %mul3A_222 : i32
      %add3A_224 = arith.constant 6 : i32
      %add3A_225 = arith.addi %mul3A_223, %add3A_224 : i32
      %dma_wait3A_226 = arith.constant 0 : i32
      %dma_wait3A_227 = tpu.memref_slice %arg7[%add3A_225, %dma_wait3A_226] : memref<80x128xi32, #tpu.memory_space<vmem>> -> memref<1x128xi32, #tpu.memory_space<vmem>>
      %dma_wait3A_228 = tpu.memref_squeeze %dma_wait3A_227 : memref<1x128xi32, #tpu.memory_space<vmem>> -> memref<128xi32, #tpu.memory_space<vmem>>
      %dma_wait3A_229 = arith.constant 0 : i32
      %dma_wait3A_230 = tpu.memref_slice %arg10[%dma_wait3A_229] : memref<10240xf32, #tpu.memory_space<vmem_shared>> -> memref<10240xf32, #tpu.memory_space<vmem_shared>>
      tpu.wait_indirect_dma semaphore(%arg12 : memref<!tpu.dma_semaphore, #tpu.memory_space<semaphore_mem>>) src(%arg9 : memref<128xf32, #tpu.memory_space<vmem>>) dst(%dma_wait3A_230 : memref<10240xf32, #tpu.memory_space<vmem_shared>>)
      %dma_wait3A_231 = arith.constant 0 : i32
      %dma_wait3A_232 = tpu.memref_slice %arg8[%add3A_225, %dma_wait3A_231] : memref<80x128xi32, #tpu.memory_space<vmem>> -> memref<1x128xi32, #tpu.memory_space<vmem>>
      %dma_wait3A_233 = tpu.memref_squeeze %dma_wait3A_232 : memref<1x128xi32, #tpu.memory_space<vmem>> -> memref<128xi32, #tpu.memory_space<vmem>>
      %dma_wait3A_234 = arith.constant 0 : i32
      %dma_wait3A_235 = tpu.memref_slice %arg11[%dma_wait3A_234] : memref<10240xf32, #tpu.memory_space<vmem_shared>> -> memref<10240xf32, #tpu.memory_space<vmem_shared>>
      tpu.wait_indirect_dma semaphore(%arg13 : memref<!tpu.dma_semaphore, #tpu.memory_space<semaphore_mem>>) src(%arg9 : memref<128xf32, #tpu.memory_space<vmem>>) dst(%dma_wait3A_235 : memref<10240xf32, #tpu.memory_space<vmem_shared>>)
      %mul3A_236 = arith.constant 8 : i32
      %mul3A_237 = arith.muli %scan3A_27, %mul3A_236 : i32
      %add3A_238 = arith.constant 7 : i32
      %add3A_239 = arith.addi %mul3A_237, %add3A_238 : i32
      %dma_wait3A_240 = arith.constant 0 : i32
      %dma_wait3A_241 = tpu.memref_slice %arg7[%add3A_239, %dma_wait3A_240] : memref<80x128xi32, #tpu.memory_space<vmem>> -> memref<1x128xi32, #tpu.memory_space<vmem>>
      %dma_wait3A_242 = tpu.memref_squeeze %dma_wait3A_241 : memref<1x128xi32, #tpu.memory_space<vmem>> -> memref<128xi32, #tpu.memory_space<vmem>>
      %dma_wait3A_243 = arith.constant 0 : i32
      %dma_wait3A_244 = tpu.memref_slice %arg10[%dma_wait3A_243] : memref<10240xf32, #tpu.memory_space<vmem_shared>> -> memref<10240xf32, #tpu.memory_space<vmem_shared>>
      tpu.wait_indirect_dma semaphore(%arg12 : memref<!tpu.dma_semaphore, #tpu.memory_space<semaphore_mem>>) src(%arg9 : memref<128xf32, #tpu.memory_space<vmem>>) dst(%dma_wait3A_244 : memref<10240xf32, #tpu.memory_space<vmem_shared>>)
      %dma_wait3A_245 = arith.constant 0 : i32
      %dma_wait3A_246 = tpu.memref_slice %arg8[%add3A_239, %dma_wait3A_245] : memref<80x128xi32, #tpu.memory_space<vmem>> -> memref<1x128xi32, #tpu.memory_space<vmem>>
      %dma_wait3A_247 = tpu.memref_squeeze %dma_wait3A_246 : memref<1x128xi32, #tpu.memory_space<vmem>> -> memref<128xi32, #tpu.memory_space<vmem>>
      %dma_wait3A_248 = arith.constant 0 : i32
      %dma_wait3A_249 = tpu.memref_slice %arg11[%dma_wait3A_248] : memref<10240xf32, #tpu.memory_space<vmem_shared>> -> memref<10240xf32, #tpu.memory_space<vmem_shared>>
      tpu.wait_indirect_dma semaphore(%arg13 : memref<!tpu.dma_semaphore, #tpu.memory_space<semaphore_mem>>) src(%arg9 : memref<128xf32, #tpu.memory_space<vmem>>) dst(%dma_wait3A_249 : memref<10240xf32, #tpu.memory_space<vmem_shared>>)
    }
    %scan3A_16 = arith.constant 10 : i32
    %barrier3A_17 = arith.constant 0 : index
    tpu.barrier barrier_id(%barrier3A_17)
    %mul3A_18 = arith.constant 640 : i32
    %mul3A_19 = arith.muli %arg1, %mul3A_18 : i32
    %mul3A_20 = arith.constant 640 : i32
    %mul3A_21 = arith.muli %arg1, %mul3A_20 : i32
    %run_scoped3A = arith.constant 0 : i32
    "tpu.region"() ({
      %run_scoped3A_27 = tpu.sem_alloc : memref<!tpu.dma_semaphore, #tpu.memory_space<semaphore_mem>>
      %dma_start3A = tpu.memref_slice %arg6[%arg0, %run_scoped3A, %mul3A_21] : memref<2x2x10240xf32, #tpu.memory_space<hbm>> -> memref<1x1x640xf32, #tpu.memory_space<hbm>>
      %dma_start3A_28 = tpu.memref_squeeze %dma_start3A : memref<1x1x640xf32, #tpu.memory_space<hbm>> -> memref<640xf32, #tpu.memory_space<hbm>>
      %dma_start3A_29 = tpu.memref_slice %arg10[%mul3A_19] : memref<10240xf32, #tpu.memory_space<vmem_shared>> -> memref<640xf32, #tpu.memory_space<vmem_shared>>
      tpu.enqueue_dma source(%dma_start3A_29 : memref<640xf32, #tpu.memory_space<vmem_shared>>) target(%dma_start3A_28 : memref<640xf32, #tpu.memory_space<hbm>>) target_semaphore(%run_scoped3A_27 : memref<!tpu.dma_semaphore, #tpu.memory_space<semaphore_mem>>)
      %dma_wait3A = tpu.memref_slice %arg6[%arg0, %run_scoped3A, %mul3A_21] : memref<2x2x10240xf32, #tpu.memory_space<hbm>> -> memref<1x1x640xf32, #tpu.memory_space<hbm>>
      %dma_wait3A_30 = tpu.memref_squeeze %dma_wait3A : memref<1x1x640xf32, #tpu.memory_space<hbm>> -> memref<640xf32, #tpu.memory_space<hbm>>
      %dma_wait3A_31 = tpu.memref_slice %arg10[%mul3A_19] : memref<10240xf32, #tpu.memory_space<vmem_shared>> -> memref<640xf32, #tpu.memory_space<vmem_shared>>
      tpu.wait_dma2 semaphore(%run_scoped3A_27 : memref<!tpu.dma_semaphore, #tpu.memory_space<semaphore_mem>>) src(%dma_wait3A_31 : memref<640xf32, #tpu.memory_space<vmem_shared>>) dst(%dma_wait3A_30 : memref<640xf32, #tpu.memory_space<hbm>>)
      tpu.yield
    }) : () -> ()
    %mul3A_22 = arith.constant 640 : i32
    %mul3A_23 = arith.muli %arg1, %mul3A_22 : i32
    %mul3A_24 = arith.constant 640 : i32
    %mul3A_25 = arith.muli %arg1, %mul3A_24 : i32
    %run_scoped3A_26 = arith.constant 1 : i32
    "tpu.region"() ({
      %run_scoped3A_27 = tpu.sem_alloc : memref<!tpu.dma_semaphore, #tpu.memory_space<semaphore_mem>>
      %dma_start3A = tpu.memref_slice %arg6[%arg0, %run_scoped3A_26, %mul3A_25] : memref<2x2x10240xf32, #tpu.memory_space<hbm>> -> memref<1x1x640xf32, #tpu.memory_space<hbm>>
      %dma_start3A_28 = tpu.memref_squeeze %dma_start3A : memref<1x1x640xf32, #tpu.memory_space<hbm>> -> memref<640xf32, #tpu.memory_space<hbm>>
      %dma_start3A_29 = tpu.memref_slice %arg11[%mul3A_23] : memref<10240xf32, #tpu.memory_space<vmem_shared>> -> memref<640xf32, #tpu.memory_space<vmem_shared>>
      tpu.enqueue_dma source(%dma_start3A_29 : memref<640xf32, #tpu.memory_space<vmem_shared>>) target(%dma_start3A_28 : memref<640xf32, #tpu.memory_space<hbm>>) target_semaphore(%run_scoped3A_27 : memref<!tpu.dma_semaphore, #tpu.memory_space<semaphore_mem>>)
      %dma_wait3A = tpu.memref_slice %arg6[%arg0, %run_scoped3A_26, %mul3A_25] : memref<2x2x10240xf32, #tpu.memory_space<hbm>> -> memref<1x1x640xf32, #tpu.memory_space<hbm>>
      %dma_wait3A_30 = tpu.memref_squeeze %dma_wait3A : memref<1x1x640xf32, #tpu.memory_space<hbm>> -> memref<640xf32, #tpu.memory_space<hbm>>
      %dma_wait3A_31 = tpu.memref_slice %arg11[%mul3A_23] : memref<10240xf32, #tpu.memory_space<vmem_shared>> -> memref<640xf32, #tpu.memory_space<vmem_shared>>
      tpu.wait_dma2 semaphore(%run_scoped3A_27 : memref<!tpu.dma_semaphore, #tpu.memory_space<semaphore_mem>>) src(%dma_wait3A_31 : memref<640xf32, #tpu.memory_space<vmem_shared>>) dst(%dma_wait3A_30 : memref<640xf32, #tpu.memory_space<hbm>>)
      tpu.yield
    }) : () -> ()
    return
  }
}

#map = affine_map<(d0, d1) -> (0, 0)>
#map1 = affine_map<(d0, d1) -> (0)>
#map2 = affine_map<(d0, d1) -> (0, 0, 0)>
module attributes {stable_mosaic.version = 14 : i64} {
  func.func @_agg_body(%arg0: i32, %arg1: i32, %arg2: memref<10240x128xf32, #tpu.memory_space<hbm>>, %arg3: memref<327680xi32, #tpu.memory_space<hbm>>, %arg4: memref<640x128xf32, #tpu.memory_space<hbm>>, %arg5: memref<2x10240x128xf32, #tpu.memory_space<hbm>>, %arg6: memref<10240xi32, #tpu.memory_space<vmem>>, %arg7: memref<128xi32, #tpu.memory_space<vmem>>, %arg8: memref<128xi32, #tpu.memory_space<vmem>>, %arg9: memref<1x128xi32, #tpu.memory_space<vmem>>, %arg10: memref<1x128xi32, #tpu.memory_space<vmem>>, %arg11: memref<128x128xf32, #tpu.memory_space<vmem>>, %arg12: memref<128x128xf32, #tpu.memory_space<vmem>>, %arg13: memref<10240x128xf32, #tpu.memory_space<vmem_shared>>, %arg14: memref<!tpu.dma_semaphore, #tpu.memory_space<semaphore_mem>>, %arg15: memref<!tpu.dma_semaphore, #tpu.memory_space<semaphore_mem>>) attributes {dimension_semantics = [#tpu.dimension_semantics<core_parallel>, #tpu.dimension_semantics<subcore_parallel>], iteration_bounds = array<i64: 2, 16>, scalar_prefetch = 0 : i64, scratch_operands = 10 : i64, tpu.core_type = #tpu.core_type<sc_vector_subcore>, window_params = [{transform_indices = #map}, {transform_indices = #map1}, {transform_indices = #map}, {transform_indices = #map2}]} {
    %mul3A = arith.constant 16 : i32
    %mul3A_0 = arith.muli %arg0, %mul3A : i32
    %add3A = arith.addi %mul3A_0, %arg1 : i32
    %mul3A_1 = arith.constant 10240 : i32
    %mul3A_2 = arith.muli %add3A, %mul3A_1 : i32
    "tpu.region"() ({
      %run_scoped3A = tpu.sem_alloc : memref<!tpu.dma_semaphore, #tpu.memory_space<semaphore_mem>>
      %dma_start3A_165 = tpu.memref_slice %arg3[%mul3A_2] : memref<327680xi32, #tpu.memory_space<hbm>> -> memref<10240xi32, #tpu.memory_space<hbm>>
      %dma_start3A_166 = tpu.memref_slice %arg3[%mul3A_2] : memref<327680xi32, #tpu.memory_space<hbm>> -> memref<10240xi32, #tpu.memory_space<hbm>>
      tpu.enqueue_dma source(%dma_start3A_166 : memref<10240xi32, #tpu.memory_space<hbm>>) target(%arg6 : memref<10240xi32, #tpu.memory_space<vmem>>) target_semaphore(%run_scoped3A : memref<!tpu.dma_semaphore, #tpu.memory_space<semaphore_mem>>)
      %dma_wait3A = tpu.memref_slice %arg3[%mul3A_2] : memref<327680xi32, #tpu.memory_space<hbm>> -> memref<10240xi32, #tpu.memory_space<hbm>>
      %dma_wait3A_167 = tpu.memref_slice %arg3[%mul3A_2] : memref<327680xi32, #tpu.memory_space<hbm>> -> memref<10240xi32, #tpu.memory_space<hbm>>
      tpu.wait_dma2 semaphore(%run_scoped3A : memref<!tpu.dma_semaphore, #tpu.memory_space<semaphore_mem>>) src(%dma_wait3A_167 : memref<10240xi32, #tpu.memory_space<hbm>>) dst(%arg6 : memref<10240xi32, #tpu.memory_space<vmem>>)
      tpu.yield
    }) : () -> ()
    %mul3A_3 = arith.constant 640 : i32
    %mul3A_4 = arith.muli %arg1, %mul3A_3 : i32
    "tpu.region"() ({
      %run_scoped3A = tpu.sem_alloc : memref<!tpu.dma_semaphore, #tpu.memory_space<semaphore_mem>>
      %dma_start3A_165 = arith.constant 0 : i32
      %dma_start3A_166 = tpu.memref_slice %arg13[%mul3A_4, %dma_start3A_165] : memref<10240x128xf32, #tpu.memory_space<vmem_shared>> -> memref<640x128xf32, #tpu.memory_space<vmem_shared>>
      tpu.enqueue_dma source(%arg4 : memref<640x128xf32, #tpu.memory_space<hbm>>) target(%dma_start3A_166 : memref<640x128xf32, #tpu.memory_space<vmem_shared>>) target_semaphore(%run_scoped3A : memref<!tpu.dma_semaphore, #tpu.memory_space<semaphore_mem>>)
      %dma_wait3A = arith.constant 0 : i32
      %dma_wait3A_167 = tpu.memref_slice %arg13[%mul3A_4, %dma_wait3A] : memref<10240x128xf32, #tpu.memory_space<vmem_shared>> -> memref<640x128xf32, #tpu.memory_space<vmem_shared>>
      tpu.wait_dma2 semaphore(%run_scoped3A : memref<!tpu.dma_semaphore, #tpu.memory_space<semaphore_mem>>) src(%arg4 : memref<640x128xf32, #tpu.memory_space<hbm>>) dst(%dma_wait3A_167 : memref<640x128xf32, #tpu.memory_space<vmem_shared>>)
      tpu.yield
    }) : () -> ()
    %barrier3A = arith.constant 0 : index
    tpu.barrier barrier_id(%barrier3A)
    %get3A = arith.constant 0 : index
    %get3A_5 = tpu.vector_load %arg6[%get3A] {strides = array<i32>} : memref<10240xi32, #tpu.memory_space<vmem>>, vector<16xi32>,
    %get3A_6 = vector.shape_cast %get3A_5 : vector<16xi32> to vector<16xi32>
    %shift_right_logical3A = arith.constant 16 : i32
    %shift_right_logical3A_7 = vector.broadcast %shift_right_logical3A : i32 to vector<16xi32>
    %shift_right_logical3A_8 = arith.shrui %get3A_6, %shift_right_logical3A_7 : vector<16xi32>
    %swap3A = arith.constant 0 : index
    %swap3A_9 = tpu.vector_load %arg7[%swap3A] {strides = array<i32>} : memref<128xi32, #tpu.memory_space<vmem>>, vector<16xi32>,
    %swap3A_10 = vector.shape_cast %swap3A_9 : vector<16xi32> to vector<16xi32>
    %swap3A_11 = vector.shape_cast %shift_right_logical3A_8 : vector<16xi32> to vector<16xi32>
    tpu.vector_store %arg7[%swap3A], %swap3A_11 {strides = array<i32>} : memref<128xi32, #tpu.memory_space<vmem>>, vector<16xi32>,
    %and3A = arith.constant 65535 : i32
    %and3A_12 = vector.broadcast %and3A : i32 to vector<16xi32>
    %and3A_13 = arith.andi %get3A_6, %and3A_12 : vector<16xi32>
    %swap3A_14 = arith.constant 0 : i32
    %swap3A_15 = arith.index_cast %swap3A_14 : i32 to index
    %swap3A_16 = arith.constant 0 : index
    %swap3A_17 = tpu.vector_load %arg9[%swap3A_15, %swap3A_16] {strides = array<i32>} : memref<1x128xi32, #tpu.memory_space<vmem>>, vector<1x16xi32>,
    %swap3A_18 = vector.shape_cast %swap3A_17 : vector<1x16xi32> to vector<16xi32>
    %swap3A_19 = vector.shape_cast %and3A_13 : vector<16xi32> to vector<1x16xi32>
    tpu.vector_store %arg9[%swap3A_15, %swap3A_16], %swap3A_19 {strides = array<i32>} : memref<1x128xi32, #tpu.memory_space<vmem>>, vector<1x16xi32>,
    %get3A_20 = arith.constant 16 : index
    %get3A_21 = tpu.vector_load %arg6[%get3A_20] {strides = array<i32>} : memref<10240xi32, #tpu.memory_space<vmem>>, vector<16xi32>,
    %get3A_22 = vector.shape_cast %get3A_21 : vector<16xi32> to vector<16xi32>
    %shift_right_logical3A_23 = arith.constant 16 : i32
    %shift_right_logical3A_24 = vector.broadcast %shift_right_logical3A_23 : i32 to vector<16xi32>
    %shift_right_logical3A_25 = arith.shrui %get3A_22, %shift_right_logical3A_24 : vector<16xi32>
    %swap3A_26 = arith.constant 16 : index
    %swap3A_27 = tpu.vector_load %arg7[%swap3A_26] {strides = array<i32>} : memref<128xi32, #tpu.memory_space<vmem>>, vector<16xi32>,
    %swap3A_28 = vector.shape_cast %swap3A_27 : vector<16xi32> to vector<16xi32>
    %swap3A_29 = vector.shape_cast %shift_right_logical3A_25 : vector<16xi32> to vector<16xi32>
    tpu.vector_store %arg7[%swap3A_26], %swap3A_29 {strides = array<i32>} : memref<128xi32, #tpu.memory_space<vmem>>, vector<16xi32>,
    %and3A_30 = arith.constant 65535 : i32
    %and3A_31 = vector.broadcast %and3A_30 : i32 to vector<16xi32>
    %and3A_32 = arith.andi %get3A_22, %and3A_31 : vector<16xi32>
    %swap3A_33 = arith.constant 0 : i32
    %swap3A_34 = arith.index_cast %swap3A_33 : i32 to index
    %swap3A_35 = arith.constant 16 : index
    %swap3A_36 = tpu.vector_load %arg9[%swap3A_34, %swap3A_35] {strides = array<i32>} : memref<1x128xi32, #tpu.memory_space<vmem>>, vector<1x16xi32>,
    %swap3A_37 = vector.shape_cast %swap3A_36 : vector<1x16xi32> to vector<16xi32>
    %swap3A_38 = vector.shape_cast %and3A_32 : vector<16xi32> to vector<1x16xi32>
    tpu.vector_store %arg9[%swap3A_34, %swap3A_35], %swap3A_38 {strides = array<i32>} : memref<1x128xi32, #tpu.memory_space<vmem>>, vector<1x16xi32>,
    %get3A_39 = arith.constant 32 : index
    %get3A_40 = tpu.vector_load %arg6[%get3A_39] {strides = array<i32>} : memref<10240xi32, #tpu.memory_space<vmem>>, vector<16xi32>,
    %get3A_41 = vector.shape_cast %get3A_40 : vector<16xi32> to vector<16xi32>
    %shift_right_logical3A_42 = arith.constant 16 : i32
    %shift_right_logical3A_43 = vector.broadcast %shift_right_logical3A_42 : i32 to vector<16xi32>
    %shift_right_logical3A_44 = arith.shrui %get3A_41, %shift_right_logical3A_43 : vector<16xi32>
    %swap3A_45 = arith.constant 32 : index
    %swap3A_46 = tpu.vector_load %arg7[%swap3A_45] {strides = array<i32>} : memref<128xi32, #tpu.memory_space<vmem>>, vector<16xi32>,
    %swap3A_47 = vector.shape_cast %swap3A_46 : vector<16xi32> to vector<16xi32>
    %swap3A_48 = vector.shape_cast %shift_right_logical3A_44 : vector<16xi32> to vector<16xi32>
    tpu.vector_store %arg7[%swap3A_45], %swap3A_48 {strides = array<i32>} : memref<128xi32, #tpu.memory_space<vmem>>, vector<16xi32>,
    %and3A_49 = arith.constant 65535 : i32
    %and3A_50 = vector.broadcast %and3A_49 : i32 to vector<16xi32>
    %and3A_51 = arith.andi %get3A_41, %and3A_50 : vector<16xi32>
    %swap3A_52 = arith.constant 0 : i32
    %swap3A_53 = arith.index_cast %swap3A_52 : i32 to index
    %swap3A_54 = arith.constant 32 : index
    %swap3A_55 = tpu.vector_load %arg9[%swap3A_53, %swap3A_54] {strides = array<i32>} : memref<1x128xi32, #tpu.memory_space<vmem>>, vector<1x16xi32>,
    %swap3A_56 = vector.shape_cast %swap3A_55 : vector<1x16xi32> to vector<16xi32>
    %swap3A_57 = vector.shape_cast %and3A_51 : vector<16xi32> to vector<1x16xi32>
    tpu.vector_store %arg9[%swap3A_53, %swap3A_54], %swap3A_57 {strides = array<i32>} : memref<1x128xi32, #tpu.memory_space<vmem>>, vector<1x16xi32>,
    %get3A_58 = arith.constant 48 : index
    %get3A_59 = tpu.vector_load %arg6[%get3A_58] {strides = array<i32>} : memref<10240xi32, #tpu.memory_space<vmem>>, vector<16xi32>,
    %get3A_60 = vector.shape_cast %get3A_59 : vector<16xi32> to vector<16xi32>
    %shift_right_logical3A_61 = arith.constant 16 : i32
    %shift_right_logical3A_62 = vector.broadcast %shift_right_logical3A_61 : i32 to vector<16xi32>
    %shift_right_logical3A_63 = arith.shrui %get3A_60, %shift_right_logical3A_62 : vector<16xi32>
    %swap3A_64 = arith.constant 48 : index
    %swap3A_65 = tpu.vector_load %arg7[%swap3A_64] {strides = array<i32>} : memref<128xi32, #tpu.memory_space<vmem>>, vector<16xi32>,
    %swap3A_66 = vector.shape_cast %swap3A_65 : vector<16xi32> to vector<16xi32>
    %swap3A_67 = vector.shape_cast %shift_right_logical3A_63 : vector<16xi32> to vector<16xi32>
    tpu.vector_store %arg7[%swap3A_64], %swap3A_67 {strides = array<i32>} : memref<128xi32, #tpu.memory_space<vmem>>, vector<16xi32>,
    %and3A_68 = arith.constant 65535 : i32
    %and3A_69 = vector.broadcast %and3A_68 : i32 to vector<16xi32>
    %and3A_70 = arith.andi %get3A_60, %and3A_69 : vector<16xi32>
    %swap3A_71 = arith.constant 0 : i32
    %swap3A_72 = arith.index_cast %swap3A_71 : i32 to index
    %swap3A_73 = arith.constant 48 : index
    %swap3A_74 = tpu.vector_load %arg9[%swap3A_72, %swap3A_73] {strides = array<i32>} : memref<1x128xi32, #tpu.memory_space<vmem>>, vector<1x16xi32>,
    %swap3A_75 = vector.shape_cast %swap3A_74 : vector<1x16xi32> to vector<16xi32>
    %swap3A_76 = vector.shape_cast %and3A_70 : vector<16xi32> to vector<1x16xi32>
    tpu.vector_store %arg9[%swap3A_72, %swap3A_73], %swap3A_76 {strides = array<i32>} : memref<1x128xi32, #tpu.memory_space<vmem>>, vector<1x16xi32>,
    %get3A_77 = arith.constant 64 : index
    %get3A_78 = tpu.vector_load %arg6[%get3A_77] {strides = array<i32>} : memref<10240xi32, #tpu.memory_space<vmem>>, vector<16xi32>,
    %get3A_79 = vector.shape_cast %get3A_78 : vector<16xi32> to vector<16xi32>
    %shift_right_logical3A_80 = arith.constant 16 : i32
    %shift_right_logical3A_81 = vector.broadcast %shift_right_logical3A_80 : i32 to vector<16xi32>
    %shift_right_logical3A_82 = arith.shrui %get3A_79, %shift_right_logical3A_81 : vector<16xi32>
    %swap3A_83 = arith.constant 64 : index
    %swap3A_84 = tpu.vector_load %arg7[%swap3A_83] {strides = array<i32>} : memref<128xi32, #tpu.memory_space<vmem>>, vector<16xi32>,
    %swap3A_85 = vector.shape_cast %swap3A_84 : vector<16xi32> to vector<16xi32>
    %swap3A_86 = vector.shape_cast %shift_right_logical3A_82 : vector<16xi32> to vector<16xi32>
    tpu.vector_store %arg7[%swap3A_83], %swap3A_86 {strides = array<i32>} : memref<128xi32, #tpu.memory_space<vmem>>, vector<16xi32>,
    %and3A_87 = arith.constant 65535 : i32
    %and3A_88 = vector.broadcast %and3A_87 : i32 to vector<16xi32>
    %and3A_89 = arith.andi %get3A_79, %and3A_88 : vector<16xi32>
    %swap3A_90 = arith.constant 0 : i32
    %swap3A_91 = arith.index_cast %swap3A_90 : i32 to index
    %swap3A_92 = arith.constant 64 : index
    %swap3A_93 = tpu.vector_load %arg9[%swap3A_91, %swap3A_92] {strides = array<i32>} : memref<1x128xi32, #tpu.memory_space<vmem>>, vector<1x16xi32>,
    %swap3A_94 = vector.shape_cast %swap3A_93 : vector<1x16xi32> to vector<16xi32>
    %swap3A_95 = vector.shape_cast %and3A_89 : vector<16xi32> to vector<1x16xi32>
    tpu.vector_store %arg9[%swap3A_91, %swap3A_92], %swap3A_95 {strides = array<i32>} : memref<1x128xi32, #tpu.memory_space<vmem>>, vector<1x16xi32>,
    %get3A_96 = arith.constant 80 : index
    %get3A_97 = tpu.vector_load %arg6[%get3A_96] {strides = array<i32>} : memref<10240xi32, #tpu.memory_space<vmem>>, vector<16xi32>,
    %get3A_98 = vector.shape_cast %get3A_97 : vector<16xi32> to vector<16xi32>
    %shift_right_logical3A_99 = arith.constant 16 : i32
    %shift_right_logical3A_100 = vector.broadcast %shift_right_logical3A_99 : i32 to vector<16xi32>
    %shift_right_logical3A_101 = arith.shrui %get3A_98, %shift_right_logical3A_100 : vector<16xi32>
    %swap3A_102 = arith.constant 80 : index
    %swap3A_103 = tpu.vector_load %arg7[%swap3A_102] {strides = array<i32>} : memref<128xi32, #tpu.memory_space<vmem>>, vector<16xi32>,
    %swap3A_104 = vector.shape_cast %swap3A_103 : vector<16xi32> to vector<16xi32>
    %swap3A_105 = vector.shape_cast %shift_right_logical3A_101 : vector<16xi32> to vector<16xi32>
    tpu.vector_store %arg7[%swap3A_102], %swap3A_105 {strides = array<i32>} : memref<128xi32, #tpu.memory_space<vmem>>, vector<16xi32>,
    %and3A_106 = arith.constant 65535 : i32
    %and3A_107 = vector.broadcast %and3A_106 : i32 to vector<16xi32>
    %and3A_108 = arith.andi %get3A_98, %and3A_107 : vector<16xi32>
    %swap3A_109 = arith.constant 0 : i32
    %swap3A_110 = arith.index_cast %swap3A_109 : i32 to index
    %swap3A_111 = arith.constant 80 : index
    %swap3A_112 = tpu.vector_load %arg9[%swap3A_110, %swap3A_111] {strides = array<i32>} : memref<1x128xi32, #tpu.memory_space<vmem>>, vector<1x16xi32>,
    %swap3A_113 = vector.shape_cast %swap3A_112 : vector<1x16xi32> to vector<16xi32>
    %swap3A_114 = vector.shape_cast %and3A_108 : vector<16xi32> to vector<1x16xi32>
    tpu.vector_store %arg9[%swap3A_110, %swap3A_111], %swap3A_114 {strides = array<i32>} : memref<1x128xi32, #tpu.memory_space<vmem>>, vector<1x16xi32>,
    %get3A_115 = arith.constant 96 : index
    %get3A_116 = tpu.vector_load %arg6[%get3A_115] {strides = array<i32>} : memref<10240xi32, #tpu.memory_space<vmem>>, vector<16xi32>,
    %get3A_117 = vector.shape_cast %get3A_116 : vector<16xi32> to vector<16xi32>
    %shift_right_logical3A_118 = arith.constant 16 : i32
    %shift_right_logical3A_119 = vector.broadcast %shift_right_logical3A_118 : i32 to vector<16xi32>
    %shift_right_logical3A_120 = arith.shrui %get3A_117, %shift_right_logical3A_119 : vector<16xi32>
    %swap3A_121 = arith.constant 96 : index
    %swap3A_122 = tpu.vector_load %arg7[%swap3A_121] {strides = array<i32>} : memref<128xi32, #tpu.memory_space<vmem>>, vector<16xi32>,
    %swap3A_123 = vector.shape_cast %swap3A_122 : vector<16xi32> to vector<16xi32>
    %swap3A_124 = vector.shape_cast %shift_right_logical3A_120 : vector<16xi32> to vector<16xi32>
    tpu.vector_store %arg7[%swap3A_121], %swap3A_124 {strides = array<i32>} : memref<128xi32, #tpu.memory_space<vmem>>, vector<16xi32>,
    %and3A_125 = arith.constant 65535 : i32
    %and3A_126 = vector.broadcast %and3A_125 : i32 to vector<16xi32>
    %and3A_127 = arith.andi %get3A_117, %and3A_126 : vector<16xi32>
    %swap3A_128 = arith.constant 0 : i32
    %swap3A_129 = arith.index_cast %swap3A_128 : i32 to index
    %swap3A_130 = arith.constant 96 : index
    %swap3A_131 = tpu.vector_load %arg9[%swap3A_129, %swap3A_130] {strides = array<i32>} : memref<1x128xi32, #tpu.memory_space<vmem>>, vector<1x16xi32>,
    %swap3A_132 = vector.shape_cast %swap3A_131 : vector<1x16xi32> to vector<16xi32>
    %swap3A_133 = vector.shape_cast %and3A_127 : vector<16xi32> to vector<1x16xi32>
    tpu.vector_store %arg9[%swap3A_129, %swap3A_130], %swap3A_133 {strides = array<i32>} : memref<1x128xi32, #tpu.memory_space<vmem>>, vector<1x16xi32>,
    %get3A_134 = arith.constant 112 : index
    %get3A_135 = tpu.vector_load %arg6[%get3A_134] {strides = array<i32>} : memref<10240xi32, #tpu.memory_space<vmem>>, vector<16xi32>,
    %get3A_136 = vector.shape_cast %get3A_135 : vector<16xi32> to vector<16xi32>
    %shift_right_logical3A_137 = arith.constant 16 : i32
    %shift_right_logical3A_138 = vector.broadcast %shift_right_logical3A_137 : i32 to vector<16xi32>
    %shift_right_logical3A_139 = arith.shrui %get3A_136, %shift_right_logical3A_138 : vector<16xi32>
    %swap3A_140 = arith.constant 112 : index
    %swap3A_141 = tpu.vector_load %arg7[%swap3A_140] {strides = array<i32>} : memref<128xi32, #tpu.memory_space<vmem>>, vector<16xi32>,
    %swap3A_142 = vector.shape_cast %swap3A_141 : vector<16xi32> to vector<16xi32>
    %swap3A_143 = vector.shape_cast %shift_right_logical3A_139 : vector<16xi32> to vector<16xi32>
    tpu.vector_store %arg7[%swap3A_140], %swap3A_143 {strides = array<i32>} : memref<128xi32, #tpu.memory_space<vmem>>, vector<16xi32>,
    %and3A_144 = arith.constant 65535 : i32
    %and3A_145 = vector.broadcast %and3A_144 : i32 to vector<16xi32>
    %and3A_146 = arith.andi %get3A_136, %and3A_145 : vector<16xi32>
    %swap3A_147 = arith.constant 0 : i32
    %swap3A_148 = arith.index_cast %swap3A_147 : i32 to index
    %swap3A_149 = arith.constant 112 : index
    %swap3A_150 = tpu.vector_load %arg9[%swap3A_148, %swap3A_149] {strides = array<i32>} : memref<1x128xi32, #tpu.memory_space<vmem>>, vector<1x16xi32>,
    %swap3A_151 = vector.shape_cast %swap3A_150 : vector<1x16xi32> to vector<16xi32>
    %swap3A_152 = vector.shape_cast %and3A_146 : vector<16xi32> to vector<1x16xi32>
    tpu.vector_store %arg9[%swap3A_148, %swap3A_149], %swap3A_152 {strides = array<i32>} : memref<1x128xi32, #tpu.memory_space<vmem>>, vector<1x16xi32>,
    %dma_start3A = arith.constant 0 : i32
    %dma_start3A_153 = arith.constant 0 : i32
    %dma_start3A_154 = tpu.memref_slice %arg2[%dma_start3A, %dma_start3A_153] : memref<10240x128xf32, #tpu.memory_space<hbm>> -> memref<10240x128xf32, #tpu.memory_space<hbm>>
    tpu.enqueue_indirect_dma source(%dma_start3A_154 : memref<10240x128xf32, #tpu.memory_space<hbm>>) target(%arg11 : memref<128x128xf32, #tpu.memory_space<vmem>>) offsets(%arg7 : memref<128xi32, #tpu.memory_space<vmem>>) semaphore(%arg14 : memref<!tpu.dma_semaphore, #tpu.memory_space<semaphore_mem>>)
    %scan3A = arith.constant 0 : i32
    %scan3A_155 = arith.constant 0 : i32
    %scan3A_156 = arith.constant 40 : i32
    %scan3A_157 = arith.addi %scan3A_155, %scan3A_156 : i32
    %scan3A_158 = arith.constant 1 : i32
    scf.for %scan3A_165 = %scan3A_155 to %scan3A_157 step %scan3A_158  : i32 {
      %mul3A_166 = arith.constant 2 : i32
      %mul3A_167 = arith.muli %scan3A_165, %mul3A_166 : i32
      %add3A_168 = arith.constant 1 : i32
      %add3A_169 = arith.addi %mul3A_167, %add3A_168 : i32
      %mul3A_170 = arith.constant 128 : i32
      %mul3A_171 = arith.muli %add3A_169, %mul3A_170 : i32
      %add3A_172 = arith.constant 0 : i32
      %add3A_173 = arith.addi %mul3A_171, %add3A_172 : i32
      %get3A_174 = arith.index_cast %add3A_173 : i32 to index
      %get3A_175 = tpu.vector_load %arg6[%get3A_174] {strides = array<i32>} : memref<10240xi32, #tpu.memory_space<vmem>>, vector<16xi32>,
      %get3A_176 = vector.shape_cast %get3A_175 : vector<16xi32> to vector<16xi32>
      %shift_right_logical3A_177 = arith.constant 16 : i32
      %shift_right_logical3A_178 = vector.broadcast %shift_right_logical3A_177 : i32 to vector<16xi32>
      %shift_right_logical3A_179 = arith.shrui %get3A_176, %shift_right_logical3A_178 : vector<16xi32>
      %swap3A_180 = arith.constant 0 : index
      %swap3A_181 = tpu.vector_load %arg8[%swap3A_180] {strides = array<i32>} : memref<128xi32, #tpu.memory_space<vmem>>, vector<16xi32>,
      %swap3A_182 = vector.shape_cast %swap3A_181 : vector<16xi32> to vector<16xi32>
      %swap3A_183 = vector.shape_cast %shift_right_logical3A_179 : vector<16xi32> to vector<16xi32>
      tpu.vector_store %arg8[%swap3A_180], %swap3A_183 {strides = array<i32>} : memref<128xi32, #tpu.memory_space<vmem>>, vector<16xi32>,
      %and3A_184 = arith.constant 65535 : i32
      %and3A_185 = vector.broadcast %and3A_184 : i32 to vector<16xi32>
      %and3A_186 = arith.andi %get3A_176, %and3A_185 : vector<16xi32>
      %swap3A_187 = arith.constant 0 : i32
      %swap3A_188 = arith.index_cast %swap3A_187 : i32 to index
      %swap3A_189 = arith.constant 0 : index
      %swap3A_190 = tpu.vector_load %arg10[%swap3A_188, %swap3A_189] {strides = array<i32>} : memref<1x128xi32, #tpu.memory_space<vmem>>, vector<1x16xi32>,
      %swap3A_191 = vector.shape_cast %swap3A_190 : vector<1x16xi32> to vector<16xi32>
      %swap3A_192 = vector.shape_cast %and3A_186 : vector<16xi32> to vector<1x16xi32>
      tpu.vector_store %arg10[%swap3A_188, %swap3A_189], %swap3A_192 {strides = array<i32>} : memref<1x128xi32, #tpu.memory_space<vmem>>, vector<1x16xi32>,
      %mul3A_193 = arith.constant 128 : i32
      %mul3A_194 = arith.muli %add3A_169, %mul3A_193 : i32
      %add3A_195 = arith.constant 16 : i32
      %add3A_196 = arith.addi %mul3A_194, %add3A_195 : i32
      %get3A_197 = arith.index_cast %add3A_196 : i32 to index
      %get3A_198 = tpu.vector_load %arg6[%get3A_197] {strides = array<i32>} : memref<10240xi32, #tpu.memory_space<vmem>>, vector<16xi32>,
      %get3A_199 = vector.shape_cast %get3A_198 : vector<16xi32> to vector<16xi32>
      %shift_right_logical3A_200 = arith.constant 16 : i32
      %shift_right_logical3A_201 = vector.broadcast %shift_right_logical3A_200 : i32 to vector<16xi32>
      %shift_right_logical3A_202 = arith.shrui %get3A_199, %shift_right_logical3A_201 : vector<16xi32>
      %swap3A_203 = arith.constant 16 : index
      %swap3A_204 = tpu.vector_load %arg8[%swap3A_203] {strides = array<i32>} : memref<128xi32, #tpu.memory_space<vmem>>, vector<16xi32>,
      %swap3A_205 = vector.shape_cast %swap3A_204 : vector<16xi32> to vector<16xi32>
      %swap3A_206 = vector.shape_cast %shift_right_logical3A_202 : vector<16xi32> to vector<16xi32>
      tpu.vector_store %arg8[%swap3A_203], %swap3A_206 {strides = array<i32>} : memref<128xi32, #tpu.memory_space<vmem>>, vector<16xi32>,
      %and3A_207 = arith.constant 65535 : i32
      %and3A_208 = vector.broadcast %and3A_207 : i32 to vector<16xi32>
      %and3A_209 = arith.andi %get3A_199, %and3A_208 : vector<16xi32>
      %swap3A_210 = arith.constant 0 : i32
      %swap3A_211 = arith.index_cast %swap3A_210 : i32 to index
      %swap3A_212 = arith.constant 16 : index
      %swap3A_213 = tpu.vector_load %arg10[%swap3A_211, %swap3A_212] {strides = array<i32>} : memref<1x128xi32, #tpu.memory_space<vmem>>, vector<1x16xi32>,
      %swap3A_214 = vector.shape_cast %swap3A_213 : vector<1x16xi32> to vector<16xi32>
      %swap3A_215 = vector.shape_cast %and3A_209 : vector<16xi32> to vector<1x16xi32>
      tpu.vector_store %arg10[%swap3A_211, %swap3A_212], %swap3A_215 {strides = array<i32>} : memref<1x128xi32, #tpu.memory_space<vmem>>, vector<1x16xi32>,
      %mul3A_216 = arith.constant 128 : i32
      %mul3A_217 = arith.muli %add3A_169, %mul3A_216 : i32
      %add3A_218 = arith.constant 32 : i32
      %add3A_219 = arith.addi %mul3A_217, %add3A_218 : i32
      %get3A_220 = arith.index_cast %add3A_219 : i32 to index
      %get3A_221 = tpu.vector_load %arg6[%get3A_220] {strides = array<i32>} : memref<10240xi32, #tpu.memory_space<vmem>>, vector<16xi32>,
      %get3A_222 = vector.shape_cast %get3A_221 : vector<16xi32> to vector<16xi32>
      %shift_right_logical3A_223 = arith.constant 16 : i32
      %shift_right_logical3A_224 = vector.broadcast %shift_right_logical3A_223 : i32 to vector<16xi32>
      %shift_right_logical3A_225 = arith.shrui %get3A_222, %shift_right_logical3A_224 : vector<16xi32>
      %swap3A_226 = arith.constant 32 : index
      %swap3A_227 = tpu.vector_load %arg8[%swap3A_226] {strides = array<i32>} : memref<128xi32, #tpu.memory_space<vmem>>, vector<16xi32>,
      %swap3A_228 = vector.shape_cast %swap3A_227 : vector<16xi32> to vector<16xi32>
      %swap3A_229 = vector.shape_cast %shift_right_logical3A_225 : vector<16xi32> to vector<16xi32>
      tpu.vector_store %arg8[%swap3A_226], %swap3A_229 {strides = array<i32>} : memref<128xi32, #tpu.memory_space<vmem>>, vector<16xi32>,
      %and3A_230 = arith.constant 65535 : i32
      %and3A_231 = vector.broadcast %and3A_230 : i32 to vector<16xi32>
      %and3A_232 = arith.andi %get3A_222, %and3A_231 : vector<16xi32>
      %swap3A_233 = arith.constant 0 : i32
      %swap3A_234 = arith.index_cast %swap3A_233 : i32 to index
      %swap3A_235 = arith.constant 32 : index
      %swap3A_236 = tpu.vector_load %arg10[%swap3A_234, %swap3A_235] {strides = array<i32>} : memref<1x128xi32, #tpu.memory_space<vmem>>, vector<1x16xi32>,
      %swap3A_237 = vector.shape_cast %swap3A_236 : vector<1x16xi32> to vector<16xi32>
      %swap3A_238 = vector.shape_cast %and3A_232 : vector<16xi32> to vector<1x16xi32>
      tpu.vector_store %arg10[%swap3A_234, %swap3A_235], %swap3A_238 {strides = array<i32>} : memref<1x128xi32, #tpu.memory_space<vmem>>, vector<1x16xi32>,
      %mul3A_239 = arith.constant 128 : i32
      %mul3A_240 = arith.muli %add3A_169, %mul3A_239 : i32
      %add3A_241 = arith.constant 48 : i32
      %add3A_242 = arith.addi %mul3A_240, %add3A_241 : i32
      %get3A_243 = arith.index_cast %add3A_242 : i32 to index
      %get3A_244 = tpu.vector_load %arg6[%get3A_243] {strides = array<i32>} : memref<10240xi32, #tpu.memory_space<vmem>>, vector<16xi32>,
      %get3A_245 = vector.shape_cast %get3A_244 : vector<16xi32> to vector<16xi32>
      %shift_right_logical3A_246 = arith.constant 16 : i32
      %shift_right_logical3A_247 = vector.broadcast %shift_right_logical3A_246 : i32 to vector<16xi32>
      %shift_right_logical3A_248 = arith.shrui %get3A_245, %shift_right_logical3A_247 : vector<16xi32>
      %swap3A_249 = arith.constant 48 : index
      %swap3A_250 = tpu.vector_load %arg8[%swap3A_249] {strides = array<i32>} : memref<128xi32, #tpu.memory_space<vmem>>, vector<16xi32>,
      %swap3A_251 = vector.shape_cast %swap3A_250 : vector<16xi32> to vector<16xi32>
      %swap3A_252 = vector.shape_cast %shift_right_logical3A_248 : vector<16xi32> to vector<16xi32>
      tpu.vector_store %arg8[%swap3A_249], %swap3A_252 {strides = array<i32>} : memref<128xi32, #tpu.memory_space<vmem>>, vector<16xi32>,
      %and3A_253 = arith.constant 65535 : i32
      %and3A_254 = vector.broadcast %and3A_253 : i32 to vector<16xi32>
      %and3A_255 = arith.andi %get3A_245, %and3A_254 : vector<16xi32>
      %swap3A_256 = arith.constant 0 : i32
      %swap3A_257 = arith.index_cast %swap3A_256 : i32 to index
      %swap3A_258 = arith.constant 48 : index
      %swap3A_259 = tpu.vector_load %arg10[%swap3A_257, %swap3A_258] {strides = array<i32>} : memref<1x128xi32, #tpu.memory_space<vmem>>, vector<1x16xi32>,
      %swap3A_260 = vector.shape_cast %swap3A_259 : vector<1x16xi32> to vector<16xi32>
      %swap3A_261 = vector.shape_cast %and3A_255 : vector<16xi32> to vector<1x16xi32>
      tpu.vector_store %arg10[%swap3A_257, %swap3A_258], %swap3A_261 {strides = array<i32>} : memref<1x128xi32, #tpu.memory_space<vmem>>, vector<1x16xi32>,
      %mul3A_262 = arith.constant 128 : i32
      %mul3A_263 = arith.muli %add3A_169, %mul3A_262 : i32
      %add3A_264 = arith.constant 64 : i32
      %add3A_265 = arith.addi %mul3A_263, %add3A_264 : i32
      %get3A_266 = arith.index_cast %add3A_265 : i32 to index
      %get3A_267 = tpu.vector_load %arg6[%get3A_266] {strides = array<i32>} : memref<10240xi32, #tpu.memory_space<vmem>>, vector<16xi32>,
      %get3A_268 = vector.shape_cast %get3A_267 : vector<16xi32> to vector<16xi32>
      %shift_right_logical3A_269 = arith.constant 16 : i32
      %shift_right_logical3A_270 = vector.broadcast %shift_right_logical3A_269 : i32 to vector<16xi32>
      %shift_right_logical3A_271 = arith.shrui %get3A_268, %shift_right_logical3A_270 : vector<16xi32>
      %swap3A_272 = arith.constant 64 : index
      %swap3A_273 = tpu.vector_load %arg8[%swap3A_272] {strides = array<i32>} : memref<128xi32, #tpu.memory_space<vmem>>, vector<16xi32>,
      %swap3A_274 = vector.shape_cast %swap3A_273 : vector<16xi32> to vector<16xi32>
      %swap3A_275 = vector.shape_cast %shift_right_logical3A_271 : vector<16xi32> to vector<16xi32>
      tpu.vector_store %arg8[%swap3A_272], %swap3A_275 {strides = array<i32>} : memref<128xi32, #tpu.memory_space<vmem>>, vector<16xi32>,
      %and3A_276 = arith.constant 65535 : i32
      %and3A_277 = vector.broadcast %and3A_276 : i32 to vector<16xi32>
      %and3A_278 = arith.andi %get3A_268, %and3A_277 : vector<16xi32>
      %swap3A_279 = arith.constant 0 : i32
      %swap3A_280 = arith.index_cast %swap3A_279 : i32 to index
      %swap3A_281 = arith.constant 64 : index
      %swap3A_282 = tpu.vector_load %arg10[%swap3A_280, %swap3A_281] {strides = array<i32>} : memref<1x128xi32, #tpu.memory_space<vmem>>, vector<1x16xi32>,
      %swap3A_283 = vector.shape_cast %swap3A_282 : vector<1x16xi32> to vector<16xi32>
      %swap3A_284 = vector.shape_cast %and3A_278 : vector<16xi32> to vector<1x16xi32>
      tpu.vector_store %arg10[%swap3A_280, %swap3A_281], %swap3A_284 {strides = array<i32>} : memref<1x128xi32, #tpu.memory_space<vmem>>, vector<1x16xi32>,
      %mul3A_285 = arith.constant 128 : i32
      %mul3A_286 = arith.muli %add3A_169, %mul3A_285 : i32
      %add3A_287 = arith.constant 80 : i32
      %add3A_288 = arith.addi %mul3A_286, %add3A_287 : i32
      %get3A_289 = arith.index_cast %add3A_288 : i32 to index
      %get3A_290 = tpu.vector_load %arg6[%get3A_289] {strides = array<i32>} : memref<10240xi32, #tpu.memory_space<vmem>>, vector<16xi32>,
      %get3A_291 = vector.shape_cast %get3A_290 : vector<16xi32> to vector<16xi32>
      %shift_right_logical3A_292 = arith.constant 16 : i32
      %shift_right_logical3A_293 = vector.broadcast %shift_right_logical3A_292 : i32 to vector<16xi32>
      %shift_right_logical3A_294 = arith.shrui %get3A_291, %shift_right_logical3A_293 : vector<16xi32>
      %swap3A_295 = arith.constant 80 : index
      %swap3A_296 = tpu.vector_load %arg8[%swap3A_295] {strides = array<i32>} : memref<128xi32, #tpu.memory_space<vmem>>, vector<16xi32>,
      %swap3A_297 = vector.shape_cast %swap3A_296 : vector<16xi32> to vector<16xi32>
      %swap3A_298 = vector.shape_cast %shift_right_logical3A_294 : vector<16xi32> to vector<16xi32>
      tpu.vector_store %arg8[%swap3A_295], %swap3A_298 {strides = array<i32>} : memref<128xi32, #tpu.memory_space<vmem>>, vector<16xi32>,
      %and3A_299 = arith.constant 65535 : i32
      %and3A_300 = vector.broadcast %and3A_299 : i32 to vector<16xi32>
      %and3A_301 = arith.andi %get3A_291, %and3A_300 : vector<16xi32>
      %swap3A_302 = arith.constant 0 : i32
      %swap3A_303 = arith.index_cast %swap3A_302 : i32 to index
      %swap3A_304 = arith.constant 80 : index
      %swap3A_305 = tpu.vector_load %arg10[%swap3A_303, %swap3A_304] {strides = array<i32>} : memref<1x128xi32, #tpu.memory_space<vmem>>, vector<1x16xi32>,
      %swap3A_306 = vector.shape_cast %swap3A_305 : vector<1x16xi32> to vector<16xi32>
      %swap3A_307 = vector.shape_cast %and3A_301 : vector<16xi32> to vector<1x16xi32>
      tpu.vector_store %arg10[%swap3A_303, %swap3A_304], %swap3A_307 {strides = array<i32>} : memref<1x128xi32, #tpu.memory_space<vmem>>, vector<1x16xi32>,
      %mul3A_308 = arith.constant 128 : i32
      %mul3A_309 = arith.muli %add3A_169, %mul3A_308 : i32
      %add3A_310 = arith.constant 96 : i32
      %add3A_311 = arith.addi %mul3A_309, %add3A_310 : i32
      %get3A_312 = arith.index_cast %add3A_311 : i32 to index
      %get3A_313 = tpu.vector_load %arg6[%get3A_312] {strides = array<i32>} : memref<10240xi32, #tpu.memory_space<vmem>>, vector<16xi32>,
      %get3A_314 = vector.shape_cast %get3A_313 : vector<16xi32> to vector<16xi32>
      %shift_right_logical3A_315 = arith.constant 16 : i32
      %shift_right_logical3A_316 = vector.broadcast %shift_right_logical3A_315 : i32 to vector<16xi32>
      %shift_right_logical3A_317 = arith.shrui %get3A_314, %shift_right_logical3A_316 : vector<16xi32>
      %swap3A_318 = arith.constant 96 : index
      %swap3A_319 = tpu.vector_load %arg8[%swap3A_318] {strides = array<i32>} : memref<128xi32, #tpu.memory_space<vmem>>, vector<16xi32>,
      %swap3A_320 = vector.shape_cast %swap3A_319 : vector<16xi32> to vector<16xi32>
      %swap3A_321 = vector.shape_cast %shift_right_logical3A_317 : vector<16xi32> to vector<16xi32>
      tpu.vector_store %arg8[%swap3A_318], %swap3A_321 {strides = array<i32>} : memref<128xi32, #tpu.memory_space<vmem>>, vector<16xi32>,
      %and3A_322 = arith.constant 65535 : i32
      %and3A_323 = vector.broadcast %and3A_322 : i32 to vector<16xi32>
      %and3A_324 = arith.andi %get3A_314, %and3A_323 : vector<16xi32>
      %swap3A_325 = arith.constant 0 : i32
      %swap3A_326 = arith.index_cast %swap3A_325 : i32 to index
      %swap3A_327 = arith.constant 96 : index
      %swap3A_328 = tpu.vector_load %arg10[%swap3A_326, %swap3A_327] {strides = array<i32>} : memref<1x128xi32, #tpu.memory_space<vmem>>, vector<1x16xi32>,
      %swap3A_329 = vector.shape_cast %swap3A_328 : vector<1x16xi32> to vector<16xi32>
      %swap3A_330 = vector.shape_cast %and3A_324 : vector<16xi32> to vector<1x16xi32>
      tpu.vector_store %arg10[%swap3A_326, %swap3A_327], %swap3A_330 {strides = array<i32>} : memref<1x128xi32, #tpu.memory_space<vmem>>, vector<1x16xi32>,
      %mul3A_331 = arith.constant 128 : i32
      %mul3A_332 = arith.muli %add3A_169, %mul3A_331 : i32
      %add3A_333 = arith.constant 112 : i32
      %add3A_334 = arith.addi %mul3A_332, %add3A_333 : i32
      %get3A_335 = arith.index_cast %add3A_334 : i32 to index
      %get3A_336 = tpu.vector_load %arg6[%get3A_335] {strides = array<i32>} : memref<10240xi32, #tpu.memory_space<vmem>>, vector<16xi32>,
      %get3A_337 = vector.shape_cast %get3A_336 : vector<16xi32> to vector<16xi32>
      %shift_right_logical3A_338 = arith.constant 16 : i32
      %shift_right_logical3A_339 = vector.broadcast %shift_right_logical3A_338 : i32 to vector<16xi32>
      %shift_right_logical3A_340 = arith.shrui %get3A_337, %shift_right_logical3A_339 : vector<16xi32>
      %swap3A_341 = arith.constant 112 : index
      %swap3A_342 = tpu.vector_load %arg8[%swap3A_341] {strides = array<i32>} : memref<128xi32, #tpu.memory_space<vmem>>, vector<16xi32>,
      %swap3A_343 = vector.shape_cast %swap3A_342 : vector<16xi32> to vector<16xi32>
      %swap3A_344 = vector.shape_cast %shift_right_logical3A_340 : vector<16xi32> to vector<16xi32>
      tpu.vector_store %arg8[%swap3A_341], %swap3A_344 {strides = array<i32>} : memref<128xi32, #tpu.memory_space<vmem>>, vector<16xi32>,
      %and3A_345 = arith.constant 65535 : i32
      %and3A_346 = vector.broadcast %and3A_345 : i32 to vector<16xi32>
      %and3A_347 = arith.andi %get3A_337, %and3A_346 : vector<16xi32>
      %swap3A_348 = arith.constant 0 : i32
      %swap3A_349 = arith.index_cast %swap3A_348 : i32 to index
      %swap3A_350 = arith.constant 112 : index
      %swap3A_351 = tpu.vector_load %arg10[%swap3A_349, %swap3A_350] {strides = array<i32>} : memref<1x128xi32, #tpu.memory_space<vmem>>, vector<1x16xi32>,
      %swap3A_352 = vector.shape_cast %swap3A_351 : vector<1x16xi32> to vector<16xi32>
      %swap3A_353 = vector.shape_cast %and3A_347 : vector<16xi32> to vector<1x16xi32>
      tpu.vector_store %arg10[%swap3A_349, %swap3A_350], %swap3A_353 {strides = array<i32>} : memref<1x128xi32, #tpu.memory_space<vmem>>, vector<1x16xi32>,
      %dma_wait3A = arith.constant 0 : i32
      %dma_wait3A_354 = arith.constant 0 : i32
      %dma_wait3A_355 = tpu.memref_slice %arg2[%dma_wait3A, %dma_wait3A_354] : memref<10240x128xf32, #tpu.memory_space<hbm>> -> memref<10240x128xf32, #tpu.memory_space<hbm>>
      tpu.wait_indirect_dma semaphore(%arg14 : memref<!tpu.dma_semaphore, #tpu.memory_space<semaphore_mem>>) src(%dma_wait3A_355 : memref<10240x128xf32, #tpu.memory_space<hbm>>) dst(%arg11 : memref<128x128xf32, #tpu.memory_space<vmem>>)
      %dma_start3A_356 = arith.constant 0 : i32
      %dma_start3A_357 = arith.constant 0 : i32
      %dma_start3A_358 = tpu.memref_slice %arg2[%dma_start3A_356, %dma_start3A_357] : memref<10240x128xf32, #tpu.memory_space<hbm>> -> memref<10240x128xf32, #tpu.memory_space<hbm>>
      tpu.enqueue_indirect_dma source(%dma_start3A_358 : memref<10240x128xf32, #tpu.memory_space<hbm>>) target(%arg12 : memref<128x128xf32, #tpu.memory_space<vmem>>) offsets(%arg8 : memref<128xi32, #tpu.memory_space<vmem>>) semaphore(%arg15 : memref<!tpu.dma_semaphore, #tpu.memory_space<semaphore_mem>>)
      %run_scoped3A = arith.constant 0 : i32
      "tpu.region"() ({
        %run_scoped3A_374 = tpu.sem_alloc : memref<!tpu.dma_semaphore, #tpu.memory_space<semaphore_mem>>
        %dma_start3A_375 = arith.constant 0 : i32
        %dma_start3A_376 = tpu.memref_slice %arg9[%run_scoped3A, %dma_start3A_375] : memref<1x128xi32, #tpu.memory_space<vmem>> -> memref<1x128xi32, #tpu.memory_space<vmem>>
        %dma_start3A_377 = tpu.memref_squeeze %dma_start3A_376 : memref<1x128xi32, #tpu.memory_space<vmem>> -> memref<128xi32, #tpu.memory_space<vmem>>
        %dma_start3A_378 = arith.constant 0 : i32
        %dma_start3A_379 = arith.constant 0 : i32
        %dma_start3A_380 = tpu.memref_slice %arg13[%dma_start3A_378, %dma_start3A_379] : memref<10240x128xf32, #tpu.memory_space<vmem_shared>> -> memref<10240x128xf32, #tpu.memory_space<vmem_shared>>
        tpu.enqueue_indirect_dma source(%arg11 : memref<128x128xf32, #tpu.memory_space<vmem>>) target(%dma_start3A_380 : memref<10240x128xf32, #tpu.memory_space<vmem_shared>>) offsets(%dma_start3A_377 : memref<128xi32, #tpu.memory_space<vmem>>) semaphore(%run_scoped3A_374 : memref<!tpu.dma_semaphore, #tpu.memory_space<semaphore_mem>>) {add = true}
        %dma_wait3A_381 = arith.constant 0 : i32
        %dma_wait3A_382 = tpu.memref_slice %arg9[%run_scoped3A, %dma_wait3A_381] : memref<1x128xi32, #tpu.memory_space<vmem>> -> memref<1x128xi32, #tpu.memory_space<vmem>>
        %dma_wait3A_383 = tpu.memref_squeeze %dma_wait3A_382 : memref<1x128xi32, #tpu.memory_space<vmem>> -> memref<128xi32, #tpu.memory_space<vmem>>
        %dma_wait3A_384 = arith.constant 0 : i32
        %dma_wait3A_385 = arith.constant 0 : i32
        %dma_wait3A_386 = tpu.memref_slice %arg13[%dma_wait3A_384, %dma_wait3A_385] : memref<10240x128xf32, #tpu.memory_space<vmem_shared>> -> memref<10240x128xf32, #tpu.memory_space<vmem_shared>>
        tpu.wait_indirect_dma semaphore(%run_scoped3A_374 : memref<!tpu.dma_semaphore, #tpu.memory_space<semaphore_mem>>) src(%arg11 : memref<128x128xf32, #tpu.memory_space<vmem>>) dst(%dma_wait3A_386 : memref<10240x128xf32, #tpu.memory_space<vmem_shared>>)
        tpu.yield
      }) : () -> ()
      %add3A_359 = arith.constant 1 : i32
      %add3A_360 = arith.addi %scan3A_165, %add3A_359 : i32
      %lt3A = arith.constant 40 : i32
      %lt3A_361 = arith.cmpi slt, %add3A_360, %lt3A : i32
      %convert_element_type3A = arith.extui %lt3A_361 : i1 to i32
      %cond3A = arith.constant 0 : i32
      %cond3A_362 = arith.cmpi ne, %convert_element_type3A, %cond3A : i32
      scf.if %cond3A_362 {
        %add3A_374 = arith.constant 2 : i32
        %add3A_375 = arith.addi %mul3A_167, %add3A_374 : i32
        %mul3A_376 = arith.constant 128 : i32
        %mul3A_377 = arith.muli %add3A_375, %mul3A_376 : i32
        %add3A_378 = arith.constant 0 : i32
        %add3A_379 = arith.addi %mul3A_377, %add3A_378 : i32
        %get3A_380 = arith.index_cast %add3A_379 : i32 to index
        %get3A_381 = tpu.vector_load %arg6[%get3A_380] {strides = array<i32>} : memref<10240xi32, #tpu.memory_space<vmem>>, vector<16xi32>,
        %get3A_382 = vector.shape_cast %get3A_381 : vector<16xi32> to vector<16xi32>
        %shift_right_logical3A_383 = arith.constant 16 : i32
        %shift_right_logical3A_384 = vector.broadcast %shift_right_logical3A_383 : i32 to vector<16xi32>
        %shift_right_logical3A_385 = arith.shrui %get3A_382, %shift_right_logical3A_384 : vector<16xi32>
        %swap3A_386 = arith.constant 0 : index
        %swap3A_387 = tpu.vector_load %arg7[%swap3A_386] {strides = array<i32>} : memref<128xi32, #tpu.memory_space<vmem>>, vector<16xi32>,
        %swap3A_388 = vector.shape_cast %swap3A_387 : vector<16xi32> to vector<16xi32>
        %swap3A_389 = vector.shape_cast %shift_right_logical3A_385 : vector<16xi32> to vector<16xi32>
        tpu.vector_store %arg7[%swap3A_386], %swap3A_389 {strides = array<i32>} : memref<128xi32, #tpu.memory_space<vmem>>, vector<16xi32>,
        %and3A_390 = arith.constant 65535 : i32
        %and3A_391 = vector.broadcast %and3A_390 : i32 to vector<16xi32>
        %and3A_392 = arith.andi %get3A_382, %and3A_391 : vector<16xi32>
        %swap3A_393 = arith.constant 0 : i32
        %swap3A_394 = arith.index_cast %swap3A_393 : i32 to index
        %swap3A_395 = arith.constant 0 : index
        %swap3A_396 = tpu.vector_load %arg9[%swap3A_394, %swap3A_395] {strides = array<i32>} : memref<1x128xi32, #tpu.memory_space<vmem>>, vector<1x16xi32>,
        %swap3A_397 = vector.shape_cast %swap3A_396 : vector<1x16xi32> to vector<16xi32>
        %swap3A_398 = vector.shape_cast %and3A_392 : vector<16xi32> to vector<1x16xi32>
        tpu.vector_store %arg9[%swap3A_394, %swap3A_395], %swap3A_398 {strides = array<i32>} : memref<1x128xi32, #tpu.memory_space<vmem>>, vector<1x16xi32>,
        %mul3A_399 = arith.constant 128 : i32
        %mul3A_400 = arith.muli %add3A_375, %mul3A_399 : i32
        %add3A_401 = arith.constant 16 : i32
        %add3A_402 = arith.addi %mul3A_400, %add3A_401 : i32
        %get3A_403 = arith.index_cast %add3A_402 : i32 to index
        %get3A_404 = tpu.vector_load %arg6[%get3A_403] {strides = array<i32>} : memref<10240xi32, #tpu.memory_space<vmem>>, vector<16xi32>,
        %get3A_405 = vector.shape_cast %get3A_404 : vector<16xi32> to vector<16xi32>
        %shift_right_logical3A_406 = arith.constant 16 : i32
        %shift_right_logical3A_407 = vector.broadcast %shift_right_logical3A_406 : i32 to vector<16xi32>
        %shift_right_logical3A_408 = arith.shrui %get3A_405, %shift_right_logical3A_407 : vector<16xi32>
        %swap3A_409 = arith.constant 16 : index
        %swap3A_410 = tpu.vector_load %arg7[%swap3A_409] {strides = array<i32>} : memref<128xi32, #tpu.memory_space<vmem>>, vector<16xi32>,
        %swap3A_411 = vector.shape_cast %swap3A_410 : vector<16xi32> to vector<16xi32>
        %swap3A_412 = vector.shape_cast %shift_right_logical3A_408 : vector<16xi32> to vector<16xi32>
        tpu.vector_store %arg7[%swap3A_409], %swap3A_412 {strides = array<i32>} : memref<128xi32, #tpu.memory_space<vmem>>, vector<16xi32>,
        %and3A_413 = arith.constant 65535 : i32
        %and3A_414 = vector.broadcast %and3A_413 : i32 to vector<16xi32>
        %and3A_415 = arith.andi %get3A_405, %and3A_414 : vector<16xi32>
        %swap3A_416 = arith.constant 0 : i32
        %swap3A_417 = arith.index_cast %swap3A_416 : i32 to index
        %swap3A_418 = arith.constant 16 : index
        %swap3A_419 = tpu.vector_load %arg9[%swap3A_417, %swap3A_418] {strides = array<i32>} : memref<1x128xi32, #tpu.memory_space<vmem>>, vector<1x16xi32>,
        %swap3A_420 = vector.shape_cast %swap3A_419 : vector<1x16xi32> to vector<16xi32>
        %swap3A_421 = vector.shape_cast %and3A_415 : vector<16xi32> to vector<1x16xi32>
        tpu.vector_store %arg9[%swap3A_417, %swap3A_418], %swap3A_421 {strides = array<i32>} : memref<1x128xi32, #tpu.memory_space<vmem>>, vector<1x16xi32>,
        %mul3A_422 = arith.constant 128 : i32
        %mul3A_423 = arith.muli %add3A_375, %mul3A_422 : i32
        %add3A_424 = arith.constant 32 : i32
        %add3A_425 = arith.addi %mul3A_423, %add3A_424 : i32
        %get3A_426 = arith.index_cast %add3A_425 : i32 to index
        %get3A_427 = tpu.vector_load %arg6[%get3A_426] {strides = array<i32>} : memref<10240xi32, #tpu.memory_space<vmem>>, vector<16xi32>,
        %get3A_428 = vector.shape_cast %get3A_427 : vector<16xi32> to vector<16xi32>
        %shift_right_logical3A_429 = arith.constant 16 : i32
        %shift_right_logical3A_430 = vector.broadcast %shift_right_logical3A_429 : i32 to vector<16xi32>
        %shift_right_logical3A_431 = arith.shrui %get3A_428, %shift_right_logical3A_430 : vector<16xi32>
        %swap3A_432 = arith.constant 32 : index
        %swap3A_433 = tpu.vector_load %arg7[%swap3A_432] {strides = array<i32>} : memref<128xi32, #tpu.memory_space<vmem>>, vector<16xi32>,
        %swap3A_434 = vector.shape_cast %swap3A_433 : vector<16xi32> to vector<16xi32>
        %swap3A_435 = vector.shape_cast %shift_right_logical3A_431 : vector<16xi32> to vector<16xi32>
        tpu.vector_store %arg7[%swap3A_432], %swap3A_435 {strides = array<i32>} : memref<128xi32, #tpu.memory_space<vmem>>, vector<16xi32>,
        %and3A_436 = arith.constant 65535 : i32
        %and3A_437 = vector.broadcast %and3A_436 : i32 to vector<16xi32>
        %and3A_438 = arith.andi %get3A_428, %and3A_437 : vector<16xi32>
        %swap3A_439 = arith.constant 0 : i32
        %swap3A_440 = arith.index_cast %swap3A_439 : i32 to index
        %swap3A_441 = arith.constant 32 : index
        %swap3A_442 = tpu.vector_load %arg9[%swap3A_440, %swap3A_441] {strides = array<i32>} : memref<1x128xi32, #tpu.memory_space<vmem>>, vector<1x16xi32>,
        %swap3A_443 = vector.shape_cast %swap3A_442 : vector<1x16xi32> to vector<16xi32>
        %swap3A_444 = vector.shape_cast %and3A_438 : vector<16xi32> to vector<1x16xi32>
        tpu.vector_store %arg9[%swap3A_440, %swap3A_441], %swap3A_444 {strides = array<i32>} : memref<1x128xi32, #tpu.memory_space<vmem>>, vector<1x16xi32>,
        %mul3A_445 = arith.constant 128 : i32
        %mul3A_446 = arith.muli %add3A_375, %mul3A_445 : i32
        %add3A_447 = arith.constant 48 : i32
        %add3A_448 = arith.addi %mul3A_446, %add3A_447 : i32
        %get3A_449 = arith.index_cast %add3A_448 : i32 to index
        %get3A_450 = tpu.vector_load %arg6[%get3A_449] {strides = array<i32>} : memref<10240xi32, #tpu.memory_space<vmem>>, vector<16xi32>,
        %get3A_451 = vector.shape_cast %get3A_450 : vector<16xi32> to vector<16xi32>
        %shift_right_logical3A_452 = arith.constant 16 : i32
        %shift_right_logical3A_453 = vector.broadcast %shift_right_logical3A_452 : i32 to vector<16xi32>
        %shift_right_logical3A_454 = arith.shrui %get3A_451, %shift_right_logical3A_453 : vector<16xi32>
        %swap3A_455 = arith.constant 48 : index
        %swap3A_456 = tpu.vector_load %arg7[%swap3A_455] {strides = array<i32>} : memref<128xi32, #tpu.memory_space<vmem>>, vector<16xi32>,
        %swap3A_457 = vector.shape_cast %swap3A_456 : vector<16xi32> to vector<16xi32>
        %swap3A_458 = vector.shape_cast %shift_right_logical3A_454 : vector<16xi32> to vector<16xi32>
        tpu.vector_store %arg7[%swap3A_455], %swap3A_458 {strides = array<i32>} : memref<128xi32, #tpu.memory_space<vmem>>, vector<16xi32>,
        %and3A_459 = arith.constant 65535 : i32
        %and3A_460 = vector.broadcast %and3A_459 : i32 to vector<16xi32>
        %and3A_461 = arith.andi %get3A_451, %and3A_460 : vector<16xi32>
        %swap3A_462 = arith.constant 0 : i32
        %swap3A_463 = arith.index_cast %swap3A_462 : i32 to index
        %swap3A_464 = arith.constant 48 : index
        %swap3A_465 = tpu.vector_load %arg9[%swap3A_463, %swap3A_464] {strides = array<i32>} : memref<1x128xi32, #tpu.memory_space<vmem>>, vector<1x16xi32>,
        %swap3A_466 = vector.shape_cast %swap3A_465 : vector<1x16xi32> to vector<16xi32>
        %swap3A_467 = vector.shape_cast %and3A_461 : vector<16xi32> to vector<1x16xi32>
        tpu.vector_store %arg9[%swap3A_463, %swap3A_464], %swap3A_467 {strides = array<i32>} : memref<1x128xi32, #tpu.memory_space<vmem>>, vector<1x16xi32>,
        %mul3A_468 = arith.constant 128 : i32
        %mul3A_469 = arith.muli %add3A_375, %mul3A_468 : i32
        %add3A_470 = arith.constant 64 : i32
        %add3A_471 = arith.addi %mul3A_469, %add3A_470 : i32
        %get3A_472 = arith.index_cast %add3A_471 : i32 to index
        %get3A_473 = tpu.vector_load %arg6[%get3A_472] {strides = array<i32>} : memref<10240xi32, #tpu.memory_space<vmem>>, vector<16xi32>,
        %get3A_474 = vector.shape_cast %get3A_473 : vector<16xi32> to vector<16xi32>
        %shift_right_logical3A_475 = arith.constant 16 : i32
        %shift_right_logical3A_476 = vector.broadcast %shift_right_logical3A_475 : i32 to vector<16xi32>
        %shift_right_logical3A_477 = arith.shrui %get3A_474, %shift_right_logical3A_476 : vector<16xi32>
        %swap3A_478 = arith.constant 64 : index
        %swap3A_479 = tpu.vector_load %arg7[%swap3A_478] {strides = array<i32>} : memref<128xi32, #tpu.memory_space<vmem>>, vector<16xi32>,
        %swap3A_480 = vector.shape_cast %swap3A_479 : vector<16xi32> to vector<16xi32>
        %swap3A_481 = vector.shape_cast %shift_right_logical3A_477 : vector<16xi32> to vector<16xi32>
        tpu.vector_store %arg7[%swap3A_478], %swap3A_481 {strides = array<i32>} : memref<128xi32, #tpu.memory_space<vmem>>, vector<16xi32>,
        %and3A_482 = arith.constant 65535 : i32
        %and3A_483 = vector.broadcast %and3A_482 : i32 to vector<16xi32>
        %and3A_484 = arith.andi %get3A_474, %and3A_483 : vector<16xi32>
        %swap3A_485 = arith.constant 0 : i32
        %swap3A_486 = arith.index_cast %swap3A_485 : i32 to index
        %swap3A_487 = arith.constant 64 : index
        %swap3A_488 = tpu.vector_load %arg9[%swap3A_486, %swap3A_487] {strides = array<i32>} : memref<1x128xi32, #tpu.memory_space<vmem>>, vector<1x16xi32>,
        %swap3A_489 = vector.shape_cast %swap3A_488 : vector<1x16xi32> to vector<16xi32>
        %swap3A_490 = vector.shape_cast %and3A_484 : vector<16xi32> to vector<1x16xi32>
        tpu.vector_store %arg9[%swap3A_486, %swap3A_487], %swap3A_490 {strides = array<i32>} : memref<1x128xi32, #tpu.memory_space<vmem>>, vector<1x16xi32>,
        %mul3A_491 = arith.constant 128 : i32
        %mul3A_492 = arith.muli %add3A_375, %mul3A_491 : i32
        %add3A_493 = arith.constant 80 : i32
        %add3A_494 = arith.addi %mul3A_492, %add3A_493 : i32
        %get3A_495 = arith.index_cast %add3A_494 : i32 to index
        %get3A_496 = tpu.vector_load %arg6[%get3A_495] {strides = array<i32>} : memref<10240xi32, #tpu.memory_space<vmem>>, vector<16xi32>,
        %get3A_497 = vector.shape_cast %get3A_496 : vector<16xi32> to vector<16xi32>
        %shift_right_logical3A_498 = arith.constant 16 : i32
        %shift_right_logical3A_499 = vector.broadcast %shift_right_logical3A_498 : i32 to vector<16xi32>
        %shift_right_logical3A_500 = arith.shrui %get3A_497, %shift_right_logical3A_499 : vector<16xi32>
        %swap3A_501 = arith.constant 80 : index
        %swap3A_502 = tpu.vector_load %arg7[%swap3A_501] {strides = array<i32>} : memref<128xi32, #tpu.memory_space<vmem>>, vector<16xi32>,
        %swap3A_503 = vector.shape_cast %swap3A_502 : vector<16xi32> to vector<16xi32>
        %swap3A_504 = vector.shape_cast %shift_right_logical3A_500 : vector<16xi32> to vector<16xi32>
        tpu.vector_store %arg7[%swap3A_501], %swap3A_504 {strides = array<i32>} : memref<128xi32, #tpu.memory_space<vmem>>, vector<16xi32>,
        %and3A_505 = arith.constant 65535 : i32
        %and3A_506 = vector.broadcast %and3A_505 : i32 to vector<16xi32>
        %and3A_507 = arith.andi %get3A_497, %and3A_506 : vector<16xi32>
        %swap3A_508 = arith.constant 0 : i32
        %swap3A_509 = arith.index_cast %swap3A_508 : i32 to index
        %swap3A_510 = arith.constant 80 : index
        %swap3A_511 = tpu.vector_load %arg9[%swap3A_509, %swap3A_510] {strides = array<i32>} : memref<1x128xi32, #tpu.memory_space<vmem>>, vector<1x16xi32>,
        %swap3A_512 = vector.shape_cast %swap3A_511 : vector<1x16xi32> to vector<16xi32>
        %swap3A_513 = vector.shape_cast %and3A_507 : vector<16xi32> to vector<1x16xi32>
        tpu.vector_store %arg9[%swap3A_509, %swap3A_510], %swap3A_513 {strides = array<i32>} : memref<1x128xi32, #tpu.memory_space<vmem>>, vector<1x16xi32>,
        %mul3A_514 = arith.constant 128 : i32
        %mul3A_515 = arith.muli %add3A_375, %mul3A_514 : i32
        %add3A_516 = arith.constant 96 : i32
        %add3A_517 = arith.addi %mul3A_515, %add3A_516 : i32
        %get3A_518 = arith.index_cast %add3A_517 : i32 to index
        %get3A_519 = tpu.vector_load %arg6[%get3A_518] {strides = array<i32>} : memref<10240xi32, #tpu.memory_space<vmem>>, vector<16xi32>,
        %get3A_520 = vector.shape_cast %get3A_519 : vector<16xi32> to vector<16xi32>
        %shift_right_logical3A_521 = arith.constant 16 : i32
        %shift_right_logical3A_522 = vector.broadcast %shift_right_logical3A_521 : i32 to vector<16xi32>
        %shift_right_logical3A_523 = arith.shrui %get3A_520, %shift_right_logical3A_522 : vector<16xi32>
        %swap3A_524 = arith.constant 96 : index
        %swap3A_525 = tpu.vector_load %arg7[%swap3A_524] {strides = array<i32>} : memref<128xi32, #tpu.memory_space<vmem>>, vector<16xi32>,
        %swap3A_526 = vector.shape_cast %swap3A_525 : vector<16xi32> to vector<16xi32>
        %swap3A_527 = vector.shape_cast %shift_right_logical3A_523 : vector<16xi32> to vector<16xi32>
        tpu.vector_store %arg7[%swap3A_524], %swap3A_527 {strides = array<i32>} : memref<128xi32, #tpu.memory_space<vmem>>, vector<16xi32>,
        %and3A_528 = arith.constant 65535 : i32
        %and3A_529 = vector.broadcast %and3A_528 : i32 to vector<16xi32>
        %and3A_530 = arith.andi %get3A_520, %and3A_529 : vector<16xi32>
        %swap3A_531 = arith.constant 0 : i32
        %swap3A_532 = arith.index_cast %swap3A_531 : i32 to index
        %swap3A_533 = arith.constant 96 : index
        %swap3A_534 = tpu.vector_load %arg9[%swap3A_532, %swap3A_533] {strides = array<i32>} : memref<1x128xi32, #tpu.memory_space<vmem>>, vector<1x16xi32>,
        %swap3A_535 = vector.shape_cast %swap3A_534 : vector<1x16xi32> to vector<16xi32>
        %swap3A_536 = vector.shape_cast %and3A_530 : vector<16xi32> to vector<1x16xi32>
        tpu.vector_store %arg9[%swap3A_532, %swap3A_533], %swap3A_536 {strides = array<i32>} : memref<1x128xi32, #tpu.memory_space<vmem>>, vector<1x16xi32>,
        %mul3A_537 = arith.constant 128 : i32
        %mul3A_538 = arith.muli %add3A_375, %mul3A_537 : i32
        %add3A_539 = arith.constant 112 : i32
        %add3A_540 = arith.addi %mul3A_538, %add3A_539 : i32
        %get3A_541 = arith.index_cast %add3A_540 : i32 to index
        %get3A_542 = tpu.vector_load %arg6[%get3A_541] {strides = array<i32>} : memref<10240xi32, #tpu.memory_space<vmem>>, vector<16xi32>,
        %get3A_543 = vector.shape_cast %get3A_542 : vector<16xi32> to vector<16xi32>
        %shift_right_logical3A_544 = arith.constant 16 : i32
        %shift_right_logical3A_545 = vector.broadcast %shift_right_logical3A_544 : i32 to vector<16xi32>
        %shift_right_logical3A_546 = arith.shrui %get3A_543, %shift_right_logical3A_545 : vector<16xi32>
        %swap3A_547 = arith.constant 112 : index
        %swap3A_548 = tpu.vector_load %arg7[%swap3A_547] {strides = array<i32>} : memref<128xi32, #tpu.memory_space<vmem>>, vector<16xi32>,
        %swap3A_549 = vector.shape_cast %swap3A_548 : vector<16xi32> to vector<16xi32>
        %swap3A_550 = vector.shape_cast %shift_right_logical3A_546 : vector<16xi32> to vector<16xi32>
        tpu.vector_store %arg7[%swap3A_547], %swap3A_550 {strides = array<i32>} : memref<128xi32, #tpu.memory_space<vmem>>, vector<16xi32>,
        %and3A_551 = arith.constant 65535 : i32
        %and3A_552 = vector.broadcast %and3A_551 : i32 to vector<16xi32>
        %and3A_553 = arith.andi %get3A_543, %and3A_552 : vector<16xi32>
        %swap3A_554 = arith.constant 0 : i32
        %swap3A_555 = arith.index_cast %swap3A_554 : i32 to index
        %swap3A_556 = arith.constant 112 : index
        %swap3A_557 = tpu.vector_load %arg9[%swap3A_555, %swap3A_556] {strides = array<i32>} : memref<1x128xi32, #tpu.memory_space<vmem>>, vector<1x16xi32>,
        %swap3A_558 = vector.shape_cast %swap3A_557 : vector<1x16xi32> to vector<16xi32>
        %swap3A_559 = vector.shape_cast %and3A_553 : vector<16xi32> to vector<1x16xi32>
        tpu.vector_store %arg9[%swap3A_555, %swap3A_556], %swap3A_559 {strides = array<i32>} : memref<1x128xi32, #tpu.memory_space<vmem>>, vector<1x16xi32>,
      } else {
      }
      %dma_wait3A_363 = arith.constant 0 : i32
      %dma_wait3A_364 = arith.constant 0 : i32
      %dma_wait3A_365 = tpu.memref_slice %arg2[%dma_wait3A_363, %dma_wait3A_364] : memref<10240x128xf32, #tpu.memory_space<hbm>> -> memref<10240x128xf32, #tpu.memory_space<hbm>>
      tpu.wait_indirect_dma semaphore(%arg15 : memref<!tpu.dma_semaphore, #tpu.memory_space<semaphore_mem>>) src(%dma_wait3A_365 : memref<10240x128xf32, #tpu.memory_space<hbm>>) dst(%arg12 : memref<128x128xf32, #tpu.memory_space<vmem>>)
      %add3A_366 = arith.constant 1 : i32
      %add3A_367 = arith.addi %scan3A_165, %add3A_366 : i32
      %lt3A_368 = arith.constant 40 : i32
      %lt3A_369 = arith.cmpi slt, %add3A_367, %lt3A_368 : i32
      %convert_element_type3A_370 = arith.extui %lt3A_369 : i1 to i32
      %cond3A_371 = arith.constant 0 : i32
      %cond3A_372 = arith.cmpi ne, %convert_element_type3A_370, %cond3A_371 : i32
      scf.if %cond3A_372 {
        %dma_start3A_374 = arith.constant 0 : i32
        %dma_start3A_375 = arith.constant 0 : i32
        %dma_start3A_376 = tpu.memref_slice %arg2[%dma_start3A_374, %dma_start3A_375] : memref<10240x128xf32, #tpu.memory_space<hbm>> -> memref<10240x128xf32, #tpu.memory_space<hbm>>
        tpu.enqueue_indirect_dma source(%dma_start3A_376 : memref<10240x128xf32, #tpu.memory_space<hbm>>) target(%arg11 : memref<128x128xf32, #tpu.memory_space<vmem>>) offsets(%arg7 : memref<128xi32, #tpu.memory_space<vmem>>) semaphore(%arg14 : memref<!tpu.dma_semaphore, #tpu.memory_space<semaphore_mem>>)
      } else {
      }
      %run_scoped3A_373 = arith.constant 0 : i32
      "tpu.region"() ({
        %run_scoped3A_374 = tpu.sem_alloc : memref<!tpu.dma_semaphore, #tpu.memory_space<semaphore_mem>>
        %dma_start3A_375 = arith.constant 0 : i32
        %dma_start3A_376 = tpu.memref_slice %arg10[%run_scoped3A_373, %dma_start3A_375] : memref<1x128xi32, #tpu.memory_space<vmem>> -> memref<1x128xi32, #tpu.memory_space<vmem>>
        %dma_start3A_377 = tpu.memref_squeeze %dma_start3A_376 : memref<1x128xi32, #tpu.memory_space<vmem>> -> memref<128xi32, #tpu.memory_space<vmem>>
        %dma_start3A_378 = arith.constant 0 : i32
        %dma_start3A_379 = arith.constant 0 : i32
        %dma_start3A_380 = tpu.memref_slice %arg13[%dma_start3A_378, %dma_start3A_379] : memref<10240x128xf32, #tpu.memory_space<vmem_shared>> -> memref<10240x128xf32, #tpu.memory_space<vmem_shared>>
        tpu.enqueue_indirect_dma source(%arg12 : memref<128x128xf32, #tpu.memory_space<vmem>>) target(%dma_start3A_380 : memref<10240x128xf32, #tpu.memory_space<vmem_shared>>) offsets(%dma_start3A_377 : memref<128xi32, #tpu.memory_space<vmem>>) semaphore(%run_scoped3A_374 : memref<!tpu.dma_semaphore, #tpu.memory_space<semaphore_mem>>) {add = true}
        %dma_wait3A_381 = arith.constant 0 : i32
        %dma_wait3A_382 = tpu.memref_slice %arg10[%run_scoped3A_373, %dma_wait3A_381] : memref<1x128xi32, #tpu.memory_space<vmem>> -> memref<1x128xi32, #tpu.memory_space<vmem>>
        %dma_wait3A_383 = tpu.memref_squeeze %dma_wait3A_382 : memref<1x128xi32, #tpu.memory_space<vmem>> -> memref<128xi32, #tpu.memory_space<vmem>>
        %dma_wait3A_384 = arith.constant 0 : i32
        %dma_wait3A_385 = arith.constant 0 : i32
        %dma_wait3A_386 = tpu.memref_slice %arg13[%dma_wait3A_384, %dma_wait3A_385] : memref<10240x128xf32, #tpu.memory_space<vmem_shared>> -> memref<10240x128xf32, #tpu.memory_space<vmem_shared>>
        tpu.wait_indirect_dma semaphore(%run_scoped3A_374 : memref<!tpu.dma_semaphore, #tpu.memory_space<semaphore_mem>>) src(%arg12 : memref<128x128xf32, #tpu.memory_space<vmem>>) dst(%dma_wait3A_386 : memref<10240x128xf32, #tpu.memory_space<vmem_shared>>)
        tpu.yield
      }) : () -> ()
    }
    %scan3A_159 = arith.constant 40 : i32
    %barrier3A_160 = arith.constant 0 : index
    tpu.barrier barrier_id(%barrier3A_160)
    %mul3A_161 = arith.constant 640 : i32
    %mul3A_162 = arith.muli %arg1, %mul3A_161 : i32
    %mul3A_163 = arith.constant 640 : i32
    %mul3A_164 = arith.muli %arg1, %mul3A_163 : i32
    "tpu.region"() ({
      %run_scoped3A = tpu.sem_alloc : memref<!tpu.dma_semaphore, #tpu.memory_space<semaphore_mem>>
      %dma_start3A_165 = arith.constant 0 : i32
      %dma_start3A_166 = tpu.memref_slice %arg5[%arg0, %mul3A_164, %dma_start3A_165] : memref<2x10240x128xf32, #tpu.memory_space<hbm>> -> memref<1x640x128xf32, #tpu.memory_space<hbm>>
      %dma_start3A_167 = tpu.memref_squeeze %dma_start3A_166 : memref<1x640x128xf32, #tpu.memory_space<hbm>> -> memref<640x128xf32, #tpu.memory_space<hbm>>
      %dma_start3A_168 = arith.constant 0 : i32
      %dma_start3A_169 = tpu.memref_slice %arg13[%mul3A_162, %dma_start3A_168] : memref<10240x128xf32, #tpu.memory_space<vmem_shared>> -> memref<640x128xf32, #tpu.memory_space<vmem_shared>>
      tpu.enqueue_dma source(%dma_start3A_169 : memref<640x128xf32, #tpu.memory_space<vmem_shared>>) target(%dma_start3A_167 : memref<640x128xf32, #tpu.memory_space<hbm>>) target_semaphore(%run_scoped3A : memref<!tpu.dma_semaphore, #tpu.memory_space<semaphore_mem>>)
      %dma_wait3A = arith.constant 0 : i32
      %dma_wait3A_170 = tpu.memref_slice %arg5[%arg0, %mul3A_164, %dma_wait3A] : memref<2x10240x128xf32, #tpu.memory_space<hbm>> -> memref<1x640x128xf32, #tpu.memory_space<hbm>>
      %dma_wait3A_171 = tpu.memref_squeeze %dma_wait3A_170 : memref<1x640x128xf32, #tpu.memory_space<hbm>> -> memref<640x128xf32, #tpu.memory_space<hbm>>
      %dma_wait3A_172 = arith.constant 0 : i32
      %dma_wait3A_173 = tpu.memref_slice %arg13[%mul3A_162, %dma_wait3A_172] : memref<10240x128xf32, #tpu.memory_space<vmem_shared>> -> memref<640x128xf32, #tpu.memory_space<vmem_shared>>
      tpu.wait_dma2 semaphore(%run_scoped3A : memref<!tpu.dma_semaphore, #tpu.memory_space<semaphore_mem>>) src(%dma_wait3A_173 : memref<640x128xf32, #tpu.memory_space<vmem_shared>>) dst(%dma_wait3A_171 : memref<640x128xf32, #tpu.memory_space<hbm>>)
      tpu.yield
    }) : () -> ()
    return
  }
}

module attributes {stable_mosaic.version = 14 : i64} {
  func.func @_tc_a_body(%arg0: memref<10000x128xf32, #tpu.memory_space<vmem>>, %arg1: memref<128x128xf32, #tpu.memory_space<vmem>>, %arg2: memref<10240x128xf32, #tpu.memory_space<vmem>>, %arg3: memref<1x128xf32, #tpu.memory_space<vmem>>) attributes {dimension_semantics = [], scalar_prefetch = 0 : i64, scratch_operands = 0 : i64, tpu.core_type = #tpu.core_type<tc>} {
    %get3A = arith.constant 0 : index
    %get3A_0 = arith.constant 0 : index
    %get3A_1 = vector.load %arg0[%get3A, %get3A_0] : memref<10000x128xf32, #tpu.memory_space<vmem>>, vector<10000x128xf32>
    %get3A_2 = arith.constant 0 : index
    %get3A_3 = arith.constant 0 : index
    %get3A_4 = vector.load %arg1[%get3A_2, %get3A_3] : memref<128x128xf32, #tpu.memory_space<vmem>>, vector<128x128xf32>
    %dot_general3A = arith.constant dense<0.000000e+00> : vector<10000x128xf32>
    %dot_general3A_5 = tpu.matmul %get3A_1, %get3A_4, %dot_general3A {dimension_numbers = #tpu.dot_dimension_numbers<[1], [0], [0], [1], [0, 0, 1, 1], [], []>, transpose_lhs_hint = false} : vector<10000x128xf32>, vector<128x128xf32>, vector<10000x128xf32> -> vector<10000x128xf32>
    %swap3A = arith.constant 0 : index
    %swap3A_6 = arith.constant 0 : index
    %swap3A_7 = vector.load %arg2[%swap3A, %swap3A_6] : memref<10240x128xf32, #tpu.memory_space<vmem>>, vector<10000x128xf32>
    tpu.vector_store %arg2[%swap3A, %swap3A_6], %dot_general3A_5 {strides = array<i32>} : memref<10240x128xf32, #tpu.memory_space<vmem>>, vector<10000x128xf32>,
    %broadcast_in_dim3A = arith.constant 0.000000e+00 : f32
    %broadcast_in_dim3A_8 = vector.broadcast %broadcast_in_dim3A : f32 to vector<240x128xf32>
    %swap3A_9 = arith.constant 10000 : index
    %swap3A_10 = arith.constant 0 : index
    %swap3A_11 = vector.load %arg2[%swap3A_9, %swap3A_10] : memref<10240x128xf32, #tpu.memory_space<vmem>>, vector<240x128xf32>
    tpu.vector_store %arg2[%swap3A_9, %swap3A_10], %broadcast_in_dim3A_8 {strides = array<i32>} : memref<10240x128xf32, #tpu.memory_space<vmem>>, vector<240x128xf32>,
    %reduce_sum3A = arith.constant dense<0.000000e+00> : vector<128xf32>
    %reduce_sum3A_12 = vector.multi_reduction <add>, %get3A_1, %reduce_sum3A [0] : vector<10000x128xf32> to vector<128xf32>
    %broadcast_in_dim3A_13 = vector.shape_cast %reduce_sum3A_12 : vector<128xf32> to vector<1x128xf32>
    %swap3A_14 = arith.constant 0 : index
    %swap3A_15 = arith.constant 0 : index
    %swap3A_16 = vector.load %arg3[%swap3A_14, %swap3A_15] : memref<1x128xf32, #tpu.memory_space<vmem>>, vector<1x128xf32>
    tpu.vector_store %arg3[%swap3A_14, %swap3A_15], %broadcast_in_dim3A_13 {strides = array<i32>} : memref<1x128xf32, #tpu.memory_space<vmem>>, vector<1x128xf32>,
    return
  }
}

module attributes {stable_mosaic.version = 14 : i64} {
  func.func @_tc_scale_body(%arg0: memref<10240x128xf32, #tpu.memory_space<vmem>>, %arg1: memref<2x2x10240xf32, #tpu.memory_space<vmem>>, %arg2: memref<10240x128xf32, #tpu.memory_space<vmem>>) attributes {dimension_semantics = [], scalar_prefetch = 0 : i64, scratch_operands = 0 : i64, tpu.core_type = #tpu.core_type<tc>} {
    %get3A = arith.constant 0 : index
    %get3A_0 = arith.constant 0 : index
    %get3A_1 = arith.constant 0 : index
    %get3A_2 = vector.load %arg1[%get3A, %get3A_0, %get3A_1] : memref<2x2x10240xf32, #tpu.memory_space<vmem>>, vector<2x2x10240xf32>
    %slice3A = vector.extract_strided_slice %get3A_2 {offsets = [0, 0, 0], sizes = [1, 1, 10240], strides = [1, 1, 1]} : vector<2x2x10240xf32> to vector<1x1x10240xf32>
    %squeeze3A = vector.shape_cast %slice3A : vector<1x1x10240xf32> to vector<10240xf32>
    %slice3A_3 = vector.extract_strided_slice %get3A_2 {offsets = [1, 0, 0], sizes = [1, 1, 10240], strides = [1, 1, 1]} : vector<2x2x10240xf32> to vector<1x1x10240xf32>
    %squeeze3A_4 = vector.shape_cast %slice3A_3 : vector<1x1x10240xf32> to vector<10240xf32>
    %add3A = arith.addf %squeeze3A, %squeeze3A_4 : vector<10240xf32>
    %gt3A = arith.constant 0.000000e+00 : f32
    %gt3A_5 = vector.broadcast %gt3A : f32 to vector<10240xf32>
    %gt3A_6 = arith.cmpf ogt, %add3A, %gt3A_5 : vector<10240xf32>
    %rsqrt3A = math.rsqrt %add3A : vector<10240xf32>
    %jit3A = arith.constant 0.000000e+00 : f32
    %broadcast_in_dim3A = vector.broadcast %jit3A : f32 to vector<10240xf32>
    %select_n3A = arith.select %gt3A_6, %rsqrt3A, %broadcast_in_dim3A : vector<10240xi1>, vector<10240xf32>
    %get3A_7 = arith.constant 0 : index
    %get3A_8 = arith.constant 0 : index
    %get3A_9 = vector.load %arg0[%get3A_7, %get3A_8] : memref<10240x128xf32, #tpu.memory_space<vmem>>, vector<10240x128xf32>
    %broadcast_in_dim3A_10 = vector.shape_cast %select_n3A : vector<10240xf32> to vector<10240x1xf32>
    %mul3A = vector.broadcast %broadcast_in_dim3A_10 : vector<10240x1xf32> to vector<10240x128xf32>
    %mul3A_11 = arith.mulf %get3A_9, %mul3A : vector<10240x128xf32>
    %swap3A = arith.constant 0 : index
    %swap3A_12 = arith.constant 0 : index
    %swap3A_13 = vector.load %arg2[%swap3A, %swap3A_12] : memref<10240x128xf32, #tpu.memory_space<vmem>>, vector<10240x128xf32>
    tpu.vector_store %arg2[%swap3A, %swap3A_12], %mul3A_11 {strides = array<i32>} : memref<10240x128xf32, #tpu.memory_space<vmem>>, vector<10240x128xf32>,
    return
  }
}

module attributes {stable_mosaic.version = 14 : i64} {
  func.func @_tc_b_body(%arg0: memref<2x10240x128xf32, #tpu.memory_space<vmem>>, %arg1: memref<2x2x10240xf32, #tpu.memory_space<vmem>>, %arg2: memref<128x128xf32, #tpu.memory_space<vmem>>, %arg3: memref<128xf32, #tpu.memory_space<vmem>>, %arg4: memref<128xf32, #tpu.memory_space<vmem>>, %arg5: memref<10240x128xf32, #tpu.memory_space<vmem>>, %arg6: memref<1x128xf32, #tpu.memory_space<vmem>>) attributes {dimension_semantics = [], scalar_prefetch = 0 : i64, scratch_operands = 0 : i64, tpu.core_type = #tpu.core_type<tc>} {
    %get3A = arith.constant 0 : index
    %get3A_0 = arith.constant 0 : index
    %get3A_1 = arith.constant 0 : index
    %get3A_2 = vector.load %arg1[%get3A, %get3A_0, %get3A_1] : memref<2x2x10240xf32, #tpu.memory_space<vmem>>, vector<2x2x10240xf32>
    %slice3A = vector.extract_strided_slice %get3A_2 {offsets = [0, 1, 0], sizes = [1, 1, 10240], strides = [1, 1, 1]} : vector<2x2x10240xf32> to vector<1x1x10240xf32>
    %squeeze3A = vector.shape_cast %slice3A : vector<1x1x10240xf32> to vector<10240xf32>
    %slice3A_3 = vector.extract_strided_slice %get3A_2 {offsets = [1, 1, 0], sizes = [1, 1, 10240], strides = [1, 1, 1]} : vector<2x2x10240xf32> to vector<1x1x10240xf32>
    %squeeze3A_4 = vector.shape_cast %slice3A_3 : vector<1x1x10240xf32> to vector<10240xf32>
    %add3A = arith.addf %squeeze3A, %squeeze3A_4 : vector<10240xf32>
    %gt3A = arith.constant 0.000000e+00 : f32
    %gt3A_5 = vector.broadcast %gt3A : f32 to vector<10240xf32>
    %gt3A_6 = arith.cmpf ogt, %add3A, %gt3A_5 : vector<10240xf32>
    %rsqrt3A = math.rsqrt %add3A : vector<10240xf32>
    %jit3A = arith.constant 0.000000e+00 : f32
    %broadcast_in_dim3A = vector.broadcast %jit3A : f32 to vector<10240xf32>
    %select_n3A = arith.select %gt3A_6, %rsqrt3A, %broadcast_in_dim3A : vector<10240xi1>, vector<10240xf32>
    %slice3A_7 = vector.extract_strided_slice %get3A_2 {offsets = [0, 0, 0], sizes = [1, 1, 10240], strides = [1, 1, 1]} : vector<2x2x10240xf32> to vector<1x1x10240xf32>
    %squeeze3A_8 = vector.shape_cast %slice3A_7 : vector<1x1x10240xf32> to vector<10240xf32>
    %slice3A_9 = vector.extract_strided_slice %get3A_2 {offsets = [1, 0, 0], sizes = [1, 1, 10240], strides = [1, 1, 1]} : vector<2x2x10240xf32> to vector<1x1x10240xf32>
    %squeeze3A_10 = vector.shape_cast %slice3A_9 : vector<1x1x10240xf32> to vector<10240xf32>
    %add3A_11 = arith.addf %squeeze3A_8, %squeeze3A_10 : vector<10240xf32>
    %gt3A_12 = arith.constant 0.000000e+00 : f32
    %gt3A_13 = vector.broadcast %gt3A_12 : f32 to vector<10240xf32>
    %gt3A_14 = arith.cmpf ogt, %add3A_11, %gt3A_13 : vector<10240xf32>
    %rsqrt3A_15 = math.rsqrt %add3A_11 : vector<10240xf32>
    %jit3A_16 = arith.constant 0.000000e+00 : f32
    %broadcast_in_dim3A_17 = vector.broadcast %jit3A_16 : f32 to vector<10240xf32>
    %select_n3A_18 = arith.select %gt3A_14, %rsqrt3A_15, %broadcast_in_dim3A_17 : vector<10240xi1>, vector<10240xf32>
    %get3A_19 = arith.constant 0 : index
    %get3A_20 = arith.constant 0 : index
    %get3A_21 = arith.constant 0 : index
    %get3A_22 = vector.load %arg0[%get3A_19, %get3A_20, %get3A_21] : memref<2x10240x128xf32, #tpu.memory_space<vmem>>, vector<2x10240x128xf32>
    %get3A_23 = arith.constant 0 : index
    %get3A_24 = vector.load %arg3[%get3A_23] : memref<128xf32, #tpu.memory_space<vmem>>, vector<128xf32>
    %get3A_25 = arith.constant 0 : index
    %get3A_26 = vector.load %arg4[%get3A_25] : memref<128xf32, #tpu.memory_space<vmem>>, vector<128xf32>
    %slice3A_27 = vector.extract_strided_slice %get3A_22 {offsets = [0, 0, 0], sizes = [1, 10240, 128], strides = [1, 1, 1]} : vector<2x10240x128xf32> to vector<1x10240x128xf32>
    %squeeze3A_28 = vector.shape_cast %slice3A_27 : vector<1x10240x128xf32> to vector<10240x128xf32>
    %slice3A_29 = vector.extract_strided_slice %get3A_22 {offsets = [1, 0, 0], sizes = [1, 10240, 128], strides = [1, 1, 1]} : vector<2x10240x128xf32> to vector<1x10240x128xf32>
    %squeeze3A_30 = vector.shape_cast %slice3A_29 : vector<1x10240x128xf32> to vector<10240x128xf32>
    %add3A_31 = arith.addf %squeeze3A_28, %squeeze3A_30 : vector<10240x128xf32>
    %broadcast_in_dim3A_32 = vector.shape_cast %select_n3A : vector<10240xf32> to vector<10240x1xf32>
    %mul3A = vector.broadcast %broadcast_in_dim3A_32 : vector<10240x1xf32> to vector<10240x128xf32>
    %mul3A_33 = arith.mulf %add3A_31, %mul3A : vector<10240x128xf32>
    %reduce_sum3A = arith.constant dense<0.000000e+00> : vector<128xf32>
    %reduce_sum3A_34 = vector.multi_reduction <add>, %mul3A_33, %reduce_sum3A [0] : vector<10240x128xf32> to vector<128xf32>
    %broadcast_in_dim3A_35 = vector.shape_cast %reduce_sum3A_34 : vector<128xf32> to vector<1x128xf32>
    %div3A = arith.constant 1.000000e+04 : f32
    %div3A_36 = vector.broadcast %div3A : f32 to vector<1x128xf32>
    %div3A_37 = arith.divf %broadcast_in_dim3A_35, %div3A_36 : vector<1x128xf32>
    %mul3A_38 = arith.mulf %mul3A_33, %mul3A_33 : vector<10240x128xf32>
    %reduce_sum3A_39 = arith.constant dense<0.000000e+00> : vector<128xf32>
    %reduce_sum3A_40 = vector.multi_reduction <add>, %mul3A_38, %reduce_sum3A_39 [0] : vector<10240x128xf32> to vector<128xf32>
    %broadcast_in_dim3A_41 = vector.shape_cast %reduce_sum3A_40 : vector<128xf32> to vector<1x128xf32>
    %div3A_42 = arith.constant 1.000000e+04 : f32
    %div3A_43 = vector.broadcast %div3A_42 : f32 to vector<1x128xf32>
    %div3A_44 = arith.divf %broadcast_in_dim3A_41, %div3A_43 : vector<1x128xf32>
    %mul3A_45 = arith.mulf %div3A_37, %div3A_37 : vector<1x128xf32>
    %sub3A = arith.subf %div3A_44, %mul3A_45 : vector<1x128xf32>
    %sub3A_46 = vector.broadcast %div3A_37 : vector<1x128xf32> to vector<10240x128xf32>
    %sub3A_47 = arith.subf %mul3A_33, %sub3A_46 : vector<10240x128xf32>
    %add3A_48 = arith.constant 9.99999974E-6 : f32
    %add3A_49 = vector.broadcast %add3A_48 : f32 to vector<1x128xf32>
    %add3A_50 = arith.addf %sub3A, %add3A_49 : vector<1x128xf32>
    %rsqrt3A_51 = math.rsqrt %add3A_50 : vector<1x128xf32>
    %mul3A_52 = vector.broadcast %rsqrt3A_51 : vector<1x128xf32> to vector<10240x128xf32>
    %mul3A_53 = arith.mulf %sub3A_47, %mul3A_52 : vector<10240x128xf32>
    %broadcast_in_dim3A_54 = vector.shape_cast %get3A_24 : vector<128xf32> to vector<1x128xf32>
    %mul3A_55 = vector.broadcast %broadcast_in_dim3A_54 : vector<1x128xf32> to vector<10240x128xf32>
    %mul3A_56 = arith.mulf %mul3A_53, %mul3A_55 : vector<10240x128xf32>
    %broadcast_in_dim3A_57 = vector.shape_cast %get3A_26 : vector<128xf32> to vector<1x128xf32>
    %add3A_58 = vector.broadcast %broadcast_in_dim3A_57 : vector<1x128xf32> to vector<10240x128xf32>
    %add3A_59 = arith.addf %mul3A_56, %add3A_58 : vector<10240x128xf32>
    %max3A = arith.constant 0.000000e+00 : f32
    %max3A_60 = vector.broadcast %max3A : f32 to vector<10240x128xf32>
    %max3A_61 = arith.maximumf %add3A_59, %max3A_60 : vector<10240x128xf32>
    %iota3A = tpu.iota {dimensions = array<i32: 0>} : vector<10240x1xi32>
    %lt3A = arith.constant 10000 : i32
    %lt3A_62 = vector.broadcast %lt3A : i32 to vector<10240x1xi32>
    %lt3A_63 = arith.cmpi slt, %iota3A, %lt3A_62 : vector<10240x1xi32>
    %jit3A_64 = arith.constant 0.000000e+00 : f32
    %broadcast_in_dim3A_65 = vector.shape_cast %lt3A_63 : vector<10240x1xi1> to vector<10240x1xi1>
    %broadcast_in_dim3A_66 = vector.broadcast %broadcast_in_dim3A_65 : vector<10240x1xi1> to vector<10240x128xi1>
    %broadcast_in_dim3A_67 = vector.broadcast %jit3A_64 : f32 to vector<10240x128xf32>
    %select_n3A_68 = arith.select %broadcast_in_dim3A_66, %max3A_61, %broadcast_in_dim3A_67 : vector<10240x128xi1>, vector<10240x128xf32>
    %reduce_sum3A_69 = arith.constant dense<0.000000e+00> : vector<128xf32>
    %reduce_sum3A_70 = vector.multi_reduction <add>, %select_n3A_68, %reduce_sum3A_69 [0] : vector<10240x128xf32> to vector<128xf32>
    %broadcast_in_dim3A_71 = vector.shape_cast %reduce_sum3A_70 : vector<128xf32> to vector<1x128xf32>
    %swap3A = arith.constant 0 : index
    %swap3A_72 = arith.constant 0 : index
    %swap3A_73 = vector.load %arg6[%swap3A, %swap3A_72] : memref<1x128xf32, #tpu.memory_space<vmem>>, vector<1x128xf32>
    tpu.vector_store %arg6[%swap3A, %swap3A_72], %broadcast_in_dim3A_71 {strides = array<i32>} : memref<1x128xf32, #tpu.memory_space<vmem>>, vector<1x128xf32>,
    %broadcast_in_dim3A_74 = vector.shape_cast %select_n3A_18 : vector<10240xf32> to vector<10240x1xf32>
    %mul3A_75 = vector.broadcast %broadcast_in_dim3A_74 : vector<10240x1xf32> to vector<10240x128xf32>
    %mul3A_76 = arith.mulf %select_n3A_68, %mul3A_75 : vector<10240x128xf32>
    %get3A_77 = arith.constant 0 : index
    %get3A_78 = arith.constant 0 : index
    %get3A_79 = vector.load %arg2[%get3A_77, %get3A_78] : memref<128x128xf32, #tpu.memory_space<vmem>>, vector<128x128xf32>
    %dot_general3A = arith.constant dense<0.000000e+00> : vector<10240x128xf32>
    %dot_general3A_80 = tpu.matmul %mul3A_76, %get3A_79, %dot_general3A {dimension_numbers = #tpu.dot_dimension_numbers<[1], [0], [0], [1], [0, 0, 1, 1], [], []>, transpose_lhs_hint = false} : vector<10240x128xf32>, vector<128x128xf32>, vector<10240x128xf32> -> vector<10240x128xf32>
    %swap3A_81 = arith.constant 0 : index
    %swap3A_82 = arith.constant 0 : index
    %swap3A_83 = vector.load %arg5[%swap3A_81, %swap3A_82] : memref<10240x128xf32, #tpu.memory_space<vmem>>, vector<10240x128xf32>
    tpu.vector_store %arg5[%swap3A_81, %swap3A_82], %dot_general3A_80 {strides = array<i32>} : memref<10240x128xf32, #tpu.memory_space<vmem>>, vector<10240x128xf32>,
    return
  }
}

module attributes {stable_mosaic.version = 14 : i64} {
  func.func @_tc_c_body(%arg0: memref<2x10240x128xf32, #tpu.memory_space<vmem>>, %arg1: memref<2x2x10240xf32, #tpu.memory_space<vmem>>, %arg2: memref<128xf32, #tpu.memory_space<vmem>>, %arg3: memref<128xf32, #tpu.memory_space<vmem>>, %arg4: memref<1x128xf32, #tpu.memory_space<vmem>>, %arg5: memref<1x128xf32, #tpu.memory_space<vmem>>, %arg6: memref<128x128xf32, #tpu.memory_space<vmem>>, %arg7: memref<128xf32, #tpu.memory_space<vmem>>, %arg8: memref<128x128xf32, #tpu.memory_space<vmem>>, %arg9: memref<128xf32, #tpu.memory_space<vmem>>, %arg10: memref<128x128xf32, #tpu.memory_space<vmem>>, %arg11: memref<128xf32, #tpu.memory_space<vmem>>, %arg12: memref<1x128xf32, #tpu.memory_space<vmem>>) attributes {dimension_semantics = [], scalar_prefetch = 0 : i64, scratch_operands = 0 : i64, tpu.core_type = #tpu.core_type<tc>} {
    %get3A = arith.constant 0 : index
    %get3A_0 = arith.constant 0 : index
    %get3A_1 = arith.constant 0 : index
    %get3A_2 = vector.load %arg1[%get3A, %get3A_0, %get3A_1] : memref<2x2x10240xf32, #tpu.memory_space<vmem>>, vector<2x2x10240xf32>
    %slice3A = vector.extract_strided_slice %get3A_2 {offsets = [0, 1, 0], sizes = [1, 1, 10240], strides = [1, 1, 1]} : vector<2x2x10240xf32> to vector<1x1x10240xf32>
    %squeeze3A = vector.shape_cast %slice3A : vector<1x1x10240xf32> to vector<10240xf32>
    %slice3A_3 = vector.extract_strided_slice %get3A_2 {offsets = [1, 1, 0], sizes = [1, 1, 10240], strides = [1, 1, 1]} : vector<2x2x10240xf32> to vector<1x1x10240xf32>
    %squeeze3A_4 = vector.shape_cast %slice3A_3 : vector<1x1x10240xf32> to vector<10240xf32>
    %add3A = arith.addf %squeeze3A, %squeeze3A_4 : vector<10240xf32>
    %gt3A = arith.constant 0.000000e+00 : f32
    %gt3A_5 = vector.broadcast %gt3A : f32 to vector<10240xf32>
    %gt3A_6 = arith.cmpf ogt, %add3A, %gt3A_5 : vector<10240xf32>
    %rsqrt3A = math.rsqrt %add3A : vector<10240xf32>
    %jit3A = arith.constant 0.000000e+00 : f32
    %broadcast_in_dim3A = vector.broadcast %jit3A : f32 to vector<10240xf32>
    %select_n3A = arith.select %gt3A_6, %rsqrt3A, %broadcast_in_dim3A : vector<10240xi1>, vector<10240xf32>
    %get3A_7 = arith.constant 0 : index
    %get3A_8 = arith.constant 0 : index
    %get3A_9 = arith.constant 0 : index
    %get3A_10 = vector.load %arg0[%get3A_7, %get3A_8, %get3A_9] : memref<2x10240x128xf32, #tpu.memory_space<vmem>>, vector<2x10240x128xf32>
    %get3A_11 = arith.constant 0 : index
    %get3A_12 = vector.load %arg2[%get3A_11] : memref<128xf32, #tpu.memory_space<vmem>>, vector<128xf32>
    %get3A_13 = arith.constant 0 : index
    %get3A_14 = vector.load %arg3[%get3A_13] : memref<128xf32, #tpu.memory_space<vmem>>, vector<128xf32>
    %slice3A_15 = vector.extract_strided_slice %get3A_10 {offsets = [0, 0, 0], sizes = [1, 10240, 128], strides = [1, 1, 1]} : vector<2x10240x128xf32> to vector<1x10240x128xf32>
    %squeeze3A_16 = vector.shape_cast %slice3A_15 : vector<1x10240x128xf32> to vector<10240x128xf32>
    %slice3A_17 = vector.extract_strided_slice %get3A_10 {offsets = [1, 0, 0], sizes = [1, 10240, 128], strides = [1, 1, 1]} : vector<2x10240x128xf32> to vector<1x10240x128xf32>
    %squeeze3A_18 = vector.shape_cast %slice3A_17 : vector<1x10240x128xf32> to vector<10240x128xf32>
    %add3A_19 = arith.addf %squeeze3A_16, %squeeze3A_18 : vector<10240x128xf32>
    %broadcast_in_dim3A_20 = vector.shape_cast %select_n3A : vector<10240xf32> to vector<10240x1xf32>
    %mul3A = vector.broadcast %broadcast_in_dim3A_20 : vector<10240x1xf32> to vector<10240x128xf32>
    %mul3A_21 = arith.mulf %add3A_19, %mul3A : vector<10240x128xf32>
    %reduce_sum3A = arith.constant dense<0.000000e+00> : vector<128xf32>
    %reduce_sum3A_22 = vector.multi_reduction <add>, %mul3A_21, %reduce_sum3A [0] : vector<10240x128xf32> to vector<128xf32>
    %broadcast_in_dim3A_23 = vector.shape_cast %reduce_sum3A_22 : vector<128xf32> to vector<1x128xf32>
    %div3A = arith.constant 1.000000e+04 : f32
    %div3A_24 = vector.broadcast %div3A : f32 to vector<1x128xf32>
    %div3A_25 = arith.divf %broadcast_in_dim3A_23, %div3A_24 : vector<1x128xf32>
    %mul3A_26 = arith.mulf %mul3A_21, %mul3A_21 : vector<10240x128xf32>
    %reduce_sum3A_27 = arith.constant dense<0.000000e+00> : vector<128xf32>
    %reduce_sum3A_28 = vector.multi_reduction <add>, %mul3A_26, %reduce_sum3A_27 [0] : vector<10240x128xf32> to vector<128xf32>
    %broadcast_in_dim3A_29 = vector.shape_cast %reduce_sum3A_28 : vector<128xf32> to vector<1x128xf32>
    %div3A_30 = arith.constant 1.000000e+04 : f32
    %div3A_31 = vector.broadcast %div3A_30 : f32 to vector<1x128xf32>
    %div3A_32 = arith.divf %broadcast_in_dim3A_29, %div3A_31 : vector<1x128xf32>
    %mul3A_33 = arith.mulf %div3A_25, %div3A_25 : vector<1x128xf32>
    %sub3A = arith.subf %div3A_32, %mul3A_33 : vector<1x128xf32>
    %sub3A_34 = vector.broadcast %div3A_25 : vector<1x128xf32> to vector<10240x128xf32>
    %sub3A_35 = arith.subf %mul3A_21, %sub3A_34 : vector<10240x128xf32>
    %add3A_36 = arith.constant 9.99999974E-6 : f32
    %add3A_37 = vector.broadcast %add3A_36 : f32 to vector<1x128xf32>
    %add3A_38 = arith.addf %sub3A, %add3A_37 : vector<1x128xf32>
    %rsqrt3A_39 = math.rsqrt %add3A_38 : vector<1x128xf32>
    %mul3A_40 = vector.broadcast %rsqrt3A_39 : vector<1x128xf32> to vector<10240x128xf32>
    %mul3A_41 = arith.mulf %sub3A_35, %mul3A_40 : vector<10240x128xf32>
    %broadcast_in_dim3A_42 = vector.shape_cast %get3A_12 : vector<128xf32> to vector<1x128xf32>
    %mul3A_43 = vector.broadcast %broadcast_in_dim3A_42 : vector<1x128xf32> to vector<10240x128xf32>
    %mul3A_44 = arith.mulf %mul3A_41, %mul3A_43 : vector<10240x128xf32>
    %broadcast_in_dim3A_45 = vector.shape_cast %get3A_14 : vector<128xf32> to vector<1x128xf32>
    %add3A_46 = vector.broadcast %broadcast_in_dim3A_45 : vector<1x128xf32> to vector<10240x128xf32>
    %add3A_47 = arith.addf %mul3A_44, %add3A_46 : vector<10240x128xf32>
    %max3A = arith.constant 0.000000e+00 : f32
    %max3A_48 = vector.broadcast %max3A : f32 to vector<10240x128xf32>
    %max3A_49 = arith.maximumf %add3A_47, %max3A_48 : vector<10240x128xf32>
    %iota3A = tpu.iota {dimensions = array<i32: 0>} : vector<10240x1xi32>
    %lt3A = arith.constant 10000 : i32
    %lt3A_50 = vector.broadcast %lt3A : i32 to vector<10240x1xi32>
    %lt3A_51 = arith.cmpi slt, %iota3A, %lt3A_50 : vector<10240x1xi32>
    %jit3A_52 = arith.constant 0.000000e+00 : f32
    %broadcast_in_dim3A_53 = vector.shape_cast %lt3A_51 : vector<10240x1xi1> to vector<10240x1xi1>
    %broadcast_in_dim3A_54 = vector.broadcast %broadcast_in_dim3A_53 : vector<10240x1xi1> to vector<10240x128xi1>
    %broadcast_in_dim3A_55 = vector.broadcast %jit3A_52 : f32 to vector<10240x128xf32>
    %select_n3A_56 = arith.select %broadcast_in_dim3A_54, %max3A_49, %broadcast_in_dim3A_55 : vector<10240x128xi1>, vector<10240x128xf32>
    %reduce_sum3A_57 = arith.constant dense<0.000000e+00> : vector<128xf32>
    %reduce_sum3A_58 = vector.multi_reduction <add>, %select_n3A_56, %reduce_sum3A_57 [0] : vector<10240x128xf32> to vector<128xf32>
    %broadcast_in_dim3A_59 = vector.shape_cast %reduce_sum3A_58 : vector<128xf32> to vector<1x128xf32>
    %get3A_60 = arith.constant 0 : index
    %get3A_61 = arith.constant 0 : index
    %get3A_62 = vector.load %arg4[%get3A_60, %get3A_61] : memref<1x128xf32, #tpu.memory_space<vmem>>, vector<1x128xf32>
    %get3A_63 = arith.constant 0 : index
    %get3A_64 = arith.constant 0 : index
    %get3A_65 = vector.load %arg6[%get3A_63, %get3A_64] : memref<128x128xf32, #tpu.memory_space<vmem>>, vector<128x128xf32>
    %dot_general3A = arith.constant dense<0.000000e+00> : vector<1x128xf32>
    %dot_general3A_66 = tpu.matmul %get3A_62, %get3A_65, %dot_general3A {dimension_numbers = #tpu.dot_dimension_numbers<[1], [0], [0], [1], [0, 0, 1, 1], [], []>, transpose_lhs_hint = false} : vector<1x128xf32>, vector<128x128xf32>, vector<1x128xf32> -> vector<1x128xf32>
    %get3A_67 = arith.constant 0 : index
    %get3A_68 = vector.load %arg7[%get3A_67] : memref<128xf32, #tpu.memory_space<vmem>>, vector<128xf32>
    %broadcast_in_dim3A_69 = vector.shape_cast %get3A_68 : vector<128xf32> to vector<1x128xf32>
    %add3A_70 = arith.addf %dot_general3A_66, %broadcast_in_dim3A_69 : vector<1x128xf32>
    %get3A_71 = arith.constant 0 : index
    %get3A_72 = arith.constant 0 : index
    %get3A_73 = vector.load %arg5[%get3A_71, %get3A_72] : memref<1x128xf32, #tpu.memory_space<vmem>>, vector<1x128xf32>
    %get3A_74 = arith.constant 0 : index
    %get3A_75 = arith.constant 0 : index
    %get3A_76 = vector.load %arg8[%get3A_74, %get3A_75] : memref<128x128xf32, #tpu.memory_space<vmem>>, vector<128x128xf32>
    %dot_general3A_77 = arith.constant dense<0.000000e+00> : vector<1x128xf32>
    %dot_general3A_78 = tpu.matmul %get3A_73, %get3A_76, %dot_general3A_77 {dimension_numbers = #tpu.dot_dimension_numbers<[1], [0], [0], [1], [0, 0, 1, 1], [], []>, transpose_lhs_hint = false} : vector<1x128xf32>, vector<128x128xf32>, vector<1x128xf32> -> vector<1x128xf32>
    %add3A_79 = arith.addf %add3A_70, %dot_general3A_78 : vector<1x128xf32>
    %get3A_80 = arith.constant 0 : index
    %get3A_81 = vector.load %arg9[%get3A_80] : memref<128xf32, #tpu.memory_space<vmem>>, vector<128xf32>
    %broadcast_in_dim3A_82 = vector.shape_cast %get3A_81 : vector<128xf32> to vector<1x128xf32>
    %add3A_83 = arith.addf %add3A_79, %broadcast_in_dim3A_82 : vector<1x128xf32>
    %get3A_84 = arith.constant 0 : index
    %get3A_85 = arith.constant 0 : index
    %get3A_86 = vector.load %arg10[%get3A_84, %get3A_85] : memref<128x128xf32, #tpu.memory_space<vmem>>, vector<128x128xf32>
    %dot_general3A_87 = arith.constant dense<0.000000e+00> : vector<1x128xf32>
    %dot_general3A_88 = tpu.matmul %broadcast_in_dim3A_59, %get3A_86, %dot_general3A_87 {dimension_numbers = #tpu.dot_dimension_numbers<[1], [0], [0], [1], [0, 0, 1, 1], [], []>, transpose_lhs_hint = false} : vector<1x128xf32>, vector<128x128xf32>, vector<1x128xf32> -> vector<1x128xf32>
    %add3A_89 = arith.addf %add3A_83, %dot_general3A_88 : vector<1x128xf32>
    %get3A_90 = arith.constant 0 : index
    %get3A_91 = vector.load %arg11[%get3A_90] : memref<128xf32, #tpu.memory_space<vmem>>, vector<128xf32>
    %broadcast_in_dim3A_92 = vector.shape_cast %get3A_91 : vector<128xf32> to vector<1x128xf32>
    %add3A_93 = arith.addf %add3A_89, %broadcast_in_dim3A_92 : vector<1x128xf32>
    %swap3A = arith.constant 0 : index
    %swap3A_94 = arith.constant 0 : index
    %swap3A_95 = vector.load %arg12[%swap3A, %swap3A_94] : memref<1x128xf32, #tpu.memory_space<vmem>>, vector<1x128xf32>
    tpu.vector_store %arg12[%swap3A, %swap3A_94], %add3A_93 {strides = array<i32>} : memref<1x128xf32, #tpu.memory_space<vmem>>, vector<1x128xf32>,
    return
  }
}

</mosaic_0001>

<sc_bundles>
// kernel: kernel.12.cloned.1.call-start
scs
__scs_entry_jumppad:
0x0: {  	(pc) =	sbr.rel $0x88, $3  }
0x1: {  	(tag) =	ssettag $0x0;
	lr =	simm.s32 $0x1  }
0x2: {  	[smem:$0x3F93] =	sst lr;
	_ =	strace $0xD0000000  }
0x3: {  	_ = 	snop  }
0x4: {  	_ = 	snop  }
0x5: {  	_ = 	snop  }
0x6: {  	_ = 	snop  }
0x7: {  	_ = 	snop  }
__scs_overlays_trampoline_lowered:
0x8: {  	[smem:$0x3FA2] =	sst s0  }
0x9: {  	[smem:$0x3FA3] =	sst s1  }
0xa: {  	[smem:$0x3FA4] =	sst s2  }
0xb: {  	[smem:$0x3FA5] =	sst s3  }
0xc: {  	[smem:$0x3FA6] =	sst s4  }
0xd: {  	[smem:$0x3FA7] =	sst s5  }
0xe: {  	[smem:$0x3FA8] =	sst s6  }
0xf: {  	[smem:$0x3FA9] =	sst s7  }
0x10: {  	[smem:$0x3FAA] =	sst s8  }
0x11: {  	[smem:$0x3FAB] =	sst s9;
	s0 =	simm.s32 @!p0 $0x0  }
0x12: {  	s1 =	sld [smem:$0x3F91];
	s0 =	simm.s32 @p0 $0x1  }
0x13: {  	[smem:$0x3FAC] =	sst s0;
	s0 =	simm.s32 @!p1 $0x0  }
0x14: {  	s2 =	sld [smem:$0x3F90];
	s0 =	simm.s32 @p1 $0x1  }
0x15: {  	[smem:$0x3FAD] =	sst s0;
	s0 =	simm.s32 @!p2 $0x0  }
0x16: {  	s3 =	sld [smem:$0x3FDB];
	s0 =	simm.s32 @p2 $0x1  }
0x17: {  	s4 =	simm.s32 $0x1BF5;
	[smem:$0x3FAF] =	sst s0  }
0x18: {  	s0 =	sld [smem:$0x3F92];
	_ =	swait.ge [sflag:s4], $0x0  }
0x19: {  	s7 =	sld [smem:$0x3F93]  }
0x1a: {  	s8 =	sadd.s32 $0xFFFFE003, lr  }
0x1b: {  	s9 =	sadd.s32 $0xFFFFFEF7, lr;
	s5 =	simm.s32 $0xFFFFFFFF;
	p2 =	slt.u32 s8, $0xFFFFF086  }
0x1c: {  	p1 =	slt.u32 s9, $0xF7A;
	s5 =	simm.s32 @!p2 $0x0  }
0x1d: {  	s5 =	simm.s32 @p1 $0x1;
	p0 =	seq.s32 s7, s2  }
0x1e: {  	s7 =	smul.u32 @!p0 $0xF7A, s2;
	p2 =	seq.s32 @!p0 s5, $0x0  }
0x1f: {  	s9 =	smul.u32 $0xF7A, s1;
	s8 =	simm.s32 @!p0 $0x1BF5;
	p2 =	por !p2, p0  }
0x20: {  	[sflag:s8] =	ssyncset.s32 @!p0 $0xFFFFF086;
	s6 =	sadd.s32 @!p0 s3, s7;
	s7 =	simm.s32 @!p0 $0x108  }
0x21: {  	s3 =	sadd.s32 s3, s9;
	s6 =	sadd.s32 @!p0 $0x88, s6;
	s7 =	simm.s32 @p2 $0x1082  }
0x22: {  	[simem:s7], [sflag:s8] =	dma.local @!p0 [hbm:s6], $0xF7A  }
0x23: {  	s9 =	sor.u32 $0xD0000000, s2;
	s6 =	simm.s32 $0x108;
	_ =	swait.ge @!p0 [sflag:s8], $0x0  }
0x24: {  	s3 =	sadd.s32 $0x88, s3;
	s6 =	simm.s32 @!p1 $0x1082;
	[sflag:s4] =	ssyncset.s32 $0xFFFFF086  }
0x25: {  	[simem:s6], [sflag:s4] =	dma.local [hbm:s3], $0xF7A  }
0x26: {  	[smem:$0x3F93] =	sst s1;
	(tag) =	ssettag s2;
	_ =	strace s9  }
0x27: {  	s1 =	sld [smem:$0x3FA3]  }
0x28: {  	s2 =	sld [smem:$0x3FA4]  }
0x29: {  	s4 =	sld [smem:$0x3FA6]  }
0x2a: {  	p0 =	seq.s32 s5, $0x0;
	s5 =	sld [smem:$0x3FA7]  }
0x2b: {  	s6 =	sld [smem:$0x3FA8]  }
0x2c: {  	s7 =	sld [smem:$0x3FA9]  }
0x2d: {  	s3 =	simm.s32 $0x108;
	s8 =	sld [smem:$0x3FAA]  }
0x2e: {  	s3 =	simm.s32 @!p0 $0x1082;
	s9 =	sld [smem:$0x3FAB]  }
0x2f: {  	lr =	sadd.s32 s0, s3;
	s0 =	sld [smem:$0x3FA2]  }
0x30: {  	s3 =	sld [smem:$0x3FA5]  }
0x31: {  	[smem:$0x3FAE] =	sst s10  }
0x32: {  	s10 =	sld [smem:$0x3FAC];
	_ =	sdelay $0x3  }
0x33: {  	p0 =	seq.s32 s10, $0x1;
	s10 =	sld [smem:$0x3FAE];
	_ =	sdelay $0x3  }
0x34: {  	[smem:$0x3FAE] =	sst s10  }
0x35: {  	s10 =	sld [smem:$0x3FAD];
	_ =	sdelay $0x3  }
0x36: {  	p1 =	seq.s32 s10, $0x1;
	s10 =	sld [smem:$0x3FAE];
	_ =	sdelay $0x3  }
0x37: {  	[smem:$0x3FAE] =	sst s10  }
0x38: {  	s10 =	sld [smem:$0x3FAF]  }
0x39: {  	_ = 	snop;
	(pc) =	sbr.ind lr, $3  }
0x3a: {  	_ = 	snop  }
0x3b: {  	_ = 	snop  }
0x3c: {  	p2 =	seq.s32 s10, $0x1;
	s10 =	sld [smem:$0x3FAE]  }
0x3d: {  	_ =	shalt  }
0x3e: {  	_ =	shalt  }
0x3f: {  	_ =	shalt  }
0x40: {  	_ =	shalt  }
0x41: {  	_ =	shalt  }
0x42: {  	_ =	shalt  }
0x43: {  	_ =	shalt  }
0x44: {  	_ =	shalt  }
0x45: {  	_ =	shalt  }
0x46: {  	_ =	shalt  }
0x47: {  	_ =	shalt  }
0x48: {  	_ =	shalt  }
0x49: {  	_ =	shalt  }
0x4a: {  	_ =	shalt  }
0x4b: {  	_ =	shalt  }
0x4c: {  	_ =	shalt  }
0x4d: {  	_ =	shalt  }
0x4e: {  	_ =	shalt  }
0x4f: {  	_ =	shalt  }
0x50: {  	_ =	shalt  }
0x51: {  	_ =	shalt  }
0x52: {  	_ =	shalt  }
0x53: {  	_ =	shalt  }
0x54: {  	_ =	shalt  }
0x55: {  	_ =	shalt  }
0x56: {  	_ =	shalt  }
0x57: {  	_ =	shalt  }
0x58: {  	_ =	shalt  }
0x59: {  	_ =	shalt  }
0x5a: {  	_ =	shalt  }
0x5b: {  	_ =	shalt  }
0x5c: {  	_ =	shalt  }
0x5d: {  	_ =	shalt  }
0x5e: {  	_ =	shalt  }
0x5f: {  	_ =	shalt  }
0x60: {  	_ =	shalt  }
0x61: {  	_ =	shalt  }
0x62: {  	_ =	shalt  }
0x63: {  	_ =	shalt  }
0x64: {  	_ =	shalt  }
0x65: {  	_ =	shalt  }
0x66: {  	_ =	shalt  }
0x67: {  	_ =	shalt  }
0x68: {  	_ =	shalt  }
0x69: {  	_ =	shalt  }
0x6a: {  	_ =	shalt  }
0x6b: {  	_ =	shalt  }
0x6c: {  	_ =	shalt  }
0x6d: {  	_ =	shalt  }
0x6e: {  	_ =	shalt  }
0x6f: {  	_ =	shalt  }
0x70: {  	_ =	shalt  }
0x71: {  	_ =	shalt  }
0x72: {  	_ =	shalt  }
0x73: {  	_ =	shalt  }
0x74: {  	_ =	shalt  }
0x75: {  	_ =	shalt  }
0x76: {  	_ =	shalt  }
0x77: {  	_ =	shalt  }
0x78: {  	_ =	shalt  }
0x79: {  	_ =	shalt  }
0x7a: {  	_ =	shalt  }
0x7b: {  	_ =	shalt  }
0x7c: {  	_ =	shalt  }
0x7d: {  	_ =	shalt  }
0x7e: {  	_ =	shalt  }
0x7f: {  	_ =	shalt  }
0x80: {  	_ =	shalt  }
0x81: {  	_ =	shalt  }
0x82: {  	_ =	shalt  }
0x83: {  	_ =	shalt  }
0x84: {  	_ =	shalt  }
0x85: {  	_ =	shalt  }
0x86: {  	_ =	shalt  }
0x87: {  	_ =	shalt  }
.Lfunc_end0:
.L_simem_size_0:
called_computation.1_lowered:
.L_overlay_start_0:
0x88: {  	s2 =	sld [smem:$0x3FD9]  }
0x89: {  	s3 =	sld [smem:$0x3FFE];
	_ =	sdelay $0x1  }
0x8a: {  	s1 =	srdreg.scid  }
0x8b: {  	s0 =	sand.u32 $0x1, s1  }
0x8c: {  	s16 =	sshll.u32 s0, $0xA;
	s2 =	sadd.s32 s3, s2  }
0x8d: {  	s2 =	sadd.s32 s2, s16  }
0x8e: {  	[smem:$0x3FBA] =	sst s2  }
0x8f: {  	_ = 	snop  }
0x90: {  	(tm) =	ssettm $0x1  }
0x91: {  	s17 =	sld [smem:$0x3FFB];
	_ =	sdelay $0x3  }
0x92: {  	_ =	strace s17  }
0x93: {  	s2 =	sld [smem:$0x3FFC];
	_ =	sdelay $0x3  }
0x94: {  	_ =	strace s2  }
0x95: {  	s2 =	sld [smem:$0x3FFD];
	_ =	sdelay $0x3  }
0x96: {  	_ =	strace s2  }
0x97: {  	_ =	strace $0x8FFFFFFF  }
0x98: {  	s18 =	sld [smem:$0x3FDB];
	_ =	sdelay $0x1  }
0x99: {  	s19 =	simm.s32 $_scs_section_size  }
0x9a: {  	s4 =	simm.s32 $_size__tile_overlayer_lowered;
	s5 =	simm.s32 $_tile_overlayer_lowered  }
0x9b: {  	s22 =	simm.s32 $0x1BFF;
	s21 =	sshll.u32 s5, $0x1;
	s2 =	sadd.s32 s19, s18  }
0x9c: {  	s6 =	simm.s32 $0x0;
	s20 =	sshll.u32 s4, $0x1;
	s4 =	sadd.s32 s21, s2  }
0x9d: {  	[timem:s6], [sflag:s22] =	dma.local [hbm:s4], s20  }
0x9e: {  	_ =	swait.ge [sflag:s22], s20  }
0x9f: {  	s3 =	ssub.s32 $0x0, s20;
	[sflag:s22] =	ssyncset.done $0x0  }
0xa0: {  	[sflag:s22] =	ssyncadd.s32 s3;
	_ =	sdelay $0x1  }
0xa1: {  	s23 =	simm.s32 $0x1B8B  }
0xa2: {  	_ =	swait.ge [sflag:s23], $0x1  }
0xa3: {  	[sflag:s23] =	ssyncset.done $0x0  }
0xa4: {  	s25 =	simm.s32 $0x1B8E;
	s24 =	sld [smem:$0x3FFE];
	[sflag:s23] =	ssyncadd.s32 $0xFFFFFFFF  }
0xa5: {  	s26 =	simm.s32 $execute0_lowered;
	[smem:$0x3FD2] =	sst s25  }
0xa6: {  	s4 =	sshll.u32 s26, $0x1;
	_ =	strace $0x80000049;
	[dreg:$0x1] =	wrdreg $0xFFFFFFFF  }
0xa7: {  	s28 =	simm.s32 $_size_execute0_lowered;
	s2 =	sadd.s32 s2, s4;
	[dreg:$0x0] =	wrdreg $0x0  }
0xa8: {  	s4 =	sshll.u32 s28, $0x1;
	[dreg:$0x2] =	wrdreg s2  }
0xa9: {  	[dreg:$0x3] =	wrdreg s4  }
0xaa: {  	[dreg:$0x4] =	wrdreg $0xC0  }
0xab: {  	_ =	task [dreg:s6], $0x5FFFF  }
0xac: {  	[dreg:$0x1] =	wrdreg $0xFFFFFFFF  }
0xad: {  	[dreg:$0x0] =	wrdreg $0x60  }
0xae: {  	[dreg:$0x2] =	wrdreg s24  }
0xaf: {  	[dreg:$0x3] =	wrdreg $0xAA000  }
0xb0: {  	[dreg:$0x4] =	wrdreg $0x9  }
0xb1: {  	_ =	task.clear_ibuf [dreg:s6], $0x5FFFF;
	_ =	strace $0x90000049  }
0xb2: {  	s29 =	simm.s32 $0x9;
	_ =	strace $0x8000004B  }
0xb3: {  	_ =	swait.ge [sflag:s29], $0x1  }
0xb4: {  	[sflag:s29] =	ssyncadd.s32 $0xFFFFFFFF  }
0xb5: {  	_ =	strace $0x9000004B  }
0xb6: {  	_ =	sfence  }
0xb7: {  	s30 =	sld [smem:$0x0];
	_ =	sdelay $0x2  }
0xb8: {  	s31 =	sshll.u32 s1, $0xD;
	s1 =	sshrl.u32 s1, $0x2  }
0xb9: {  	s3 =	sand.u32 $0x4000, s31;
	s1 =	sadd.s32 s1, s30  }
0xba: {  	s0 =	sor.u32 s3, s0;
	s1 =	sshll.u32 s1, $0x11  }
0xbb: {  	s0 =	sor.u32 s1, s0  }
0xbc: {  	s0 =	sadd.s32 $0x8F2B, s0  }
0xbd: {  	[sflag:s0] =	ssyncadd.remote.s32 $0x1  }
0xbe: {  	_ =	sfence.sel $0xFFFF  }
0xbf: {  	[dreg:$0x0] =	wrdreg $0xFFFFFFFF;
	(pc) =	sbr.abs _section_cstart, $3  }
0xc0: {  	[dreg:$0x1] =	wrdreg $0xFFFFFFFF  }
0xc1: {  	_ =	task.clear_ibuf [dreg:s6], $0x2FFFF;
	_ =	strace $0x9FFFFFFF  }
0xc2: {  	(tm) =	ssettm $0x7FFFFFFF  }
0xc3: {  	_ =	shalt  }
tec
execute0_lowered:
.L_overlay_start_1:
0x0: {  	(tag) =	ssettag $0x1  }
0x1: {  	s7 =	rddreg [dreg:$0x0]  }
0x2: {  	s0 =	srdreg.scid;
	s2 =	rddreg [dreg:$0x1]  }
0x3: {  	s3 =	simm.s32 $0x0;
	s12 =	simm.s32 $0x80;
	s13 =	simm.s32 $0x2800  }
0x4: {  	s14 =	simm.s32 $0x2A00;
	s15 =	simm.s32 $0x1;
	s16 =	simm.s32 $0x2880  }
0x5: {  	s17 =	simm.s32 $0x6A00;
	s18 =	simm.s32 $0x2900;
	s6 =	sand.u32 $0x1, s0  }
0x6: {  	s19 =	simm.s32 $0x2980;
	s0 =	stileid.u32;
	s8 =	smul.u32 $0x140000, s6  }
0x7: {  	s20 =	simm.s32 $0x0;
	[smem:$0x7FF] =	sst s3;
	s9 =	smul.u32 $0x14000, s0  }
0x8: {  	s4 =	sadd.s32 $0x21400, s7;
	s1 =	sshll.u32 s6, $0x4;
	s29 =	smul.u32 $0x50000, s0  }
0x9: {  	s6 =	ssub.s32 $0x2, s6;
	s31 =	sshll.u32 s0, $0x6;
	s1 =	sor.u32 s0, s1  }
0xa: {  	s30 =	sshrl.u32 s6, $0x1;
	s5 =	smul.u32 $0x500, s1;
	s1 =	rddreg [dreg:$0x2]  }
0xb: {  	_ =	strace $0x8000004A;
	s8 =	sadd.s32 s9, s8;
	s9 =	sshrl.u32 s29, $0x2  }
0xc: {  	s8 =	sshrl.u32 s8, $0x3;
	s11 =	sadd.s32 s9, s2;
	s9 =	simm.s32 $0x3  }
0xd: {  	s10 =	sadd.s32 s5, s7;
	s5 =	sadd.s32 $0x3400, s7;
	s7 =	sadd.s32 s8, s7  }
0xe: {  	s8 =	ssub.s32 s6, s30;
	s11 =	sshrl.u32 s11, $0x3;
	s6 =	sadd.s32 $0x17400, s10  }
0xf: {  	s7 =	sadd.s32 $0x49400, s7;
	s8 =	smax.u32 s8, $0x1;
	s10 =	sor.u32 $0x1C03, s31  }
.LBB2_1:
0x10: {  	[tilespmem:s3], [sflag:$0x3] =	stream.linear.gather [hbm4b:s6+s3], $0x2800, $0x38;
	[tilespmem:$0x1EA00] =	vst v63  }
0x11: {  	_ =	swait.ge [sflag:s9], $0x2800  }
0x12: {  	[sflag:s9] =	ssyncset.done $0x0  }
0x13: {  	[sflag:s9] =	ssyncadd.s32 $0xFFFFD800  }
0x14: {  	[spmem:s11], [sflag:s10] =	dma.local [hbm:s5], $0x2800  }
0x15: {  	_ =	swait.ge [sflag:s9], $0x2800  }
0x16: {  	[sflag:s9] =	ssyncset.done $0x0  }
0x17: {  	[sflag:s9] =	ssyncadd.s32 $0xFFFFD800  }
0x18: {  	[bflag:$0x0] =	sbarrier.arrive $0xFFFF  }
0x19: {  	v0 =	vld [tilespmem:$0x0];
	_ =	sdelay $0x1  }
0x1a: {  	v1 =	vld [tilespmem:$0x10];
	_ =	sdelay $0x1  }
0x1b: {  	v2 =	vld [tilespmem:$0x20]  }
0x1c: {  	v3 =	vshrl.u32 v0, $0x10  }
0x1d: {  	v37 =	vld [tilespmem:$0x30];
	v0 =	vand.u32 $0xFFFF, v0;
	[tilespmem:$0x2800] =	vst v3  }
0x1e: {  	v38 =	vshrl.u32 v1, $0x10;
	[tilespmem:$0x2900] =	vst v0  }
0x1f: {  	v40 =	vld [tilespmem:$0x40];
	v39 =	vand.u32 $0xFFFF, v1;
	[tilespmem:$0x2810] =	vst v38  }
0x20: {  	v41 =	vshrl.u32 v2, $0x10;
	[tilespmem:$0x2910] =	vst v39  }
0x21: {  	v43 =	vld [tilespmem:$0x50];
	v42 =	vand.u32 $0xFFFF, v2;
	[tilespmem:$0x2820] =	vst v41  }
0x22: {  	v44 =	vshrl.u32 v37, $0x10;
	[tilespmem:$0x2920] =	vst v42  }
0x23: {  	v46 =	vld [tilespmem:$0x60];
	v45 =	vand.u32 $0xFFFF, v37;
	[tilespmem:$0x2830] =	vst v44  }
0x24: {  	v47 =	vshrl.u32 v40, $0x10;
	[tilespmem:$0x2930] =	vst v45  }
0x25: {  	v49 =	vld [tilespmem:$0x70];
	v48 =	vand.u32 $0xFFFF, v40;
	[tilespmem:$0x2840] =	vst v47  }
0x26: {  	v50 =	vshrl.u32 v43, $0x10;
	[tilespmem:$0x2940] =	vst v48  }
0x27: {  	v51 =	vand.u32 $0xFFFF, v43;
	[tilespmem:$0x2850] =	vst v50  }
0x28: {  	v52 =	vshrl.u32 v46, $0x10;
	[tilespmem:$0x2950] =	vst v51  }
0x29: {  	v53 =	vand.u32 $0xFFFF, v46;
	[tilespmem:$0x2860] =	vst v52  }
0x2a: {  	v54 =	vshrl.u32 v49, $0x10;
	[tilespmem:$0x2960] =	vst v53  }
0x2b: {  	v55 =	vand.u32 $0xFFFF, v49;
	[tilespmem:$0x2870] =	vst v54  }
0x2c: {  	s21 =	simm.s32 $0x0;
	[tilespmem:$0x2970] =	vst v55  }
0x2d: {  	[tilespmem:s14], [sflag:$0x1] =	stream.indirect.gather [hbm4b:s4+s12], $0x80, s13, s12, $0xb8;
	[tilespmem:$0x1EA00] =	vst v63  }
0x2e: {  	v0 =	vld [tilespmem:s21+$0x80];
	_ =	sdelay $0x4  }
0x2f: {  	v56 =	vshrl.u32 v0, $0x10  }
0x30: {  	v0 =	vand.u32 $0xFFFF, v0;
	[tilespmem:$0x2880] =	vst v56  }
0x31: {  	[tilespmem:$0x2980] =	vst v0  }
0x32: {  	v0 =	vld [tilespmem:s21+$0x90];
	_ =	sdelay $0x4  }
0x33: {  	v57 =	vshrl.u32 v0, $0x10  }
0x34: {  	v0 =	vand.u32 $0xFFFF, v0;
	[tilespmem:$0x2890] =	vst v57  }
0x35: {  	[tilespmem:$0x2990] =	vst v0  }
0x36: {  	v0 =	vld [tilespmem:s21+$0xA0];
	_ =	sdelay $0x4  }
0x37: {  	v58 =	vshrl.u32 v0, $0x10  }
0x38: {  	v0 =	vand.u32 $0xFFFF, v0;
	[tilespmem:$0x28A0] =	vst v58  }
0x39: {  	[tilespmem:$0x29A0] =	vst v0  }
0x3a: {  	v0 =	vld [tilespmem:s21+$0xB0];
	_ =	sdelay $0x4  }
0x3b: {  	v59 =	vshrl.u32 v0, $0x10  }
0x3c: {  	v0 =	vand.u32 $0xFFFF, v0;
	[tilespmem:$0x28B0] =	vst v59  }
0x3d: {  	[tilespmem:$0x29B0] =	vst v0  }
0x3e: {  	v0 =	vld [tilespmem:s21+$0xC0];
	_ =	sdelay $0x4  }
0x3f: {  	v60 =	vshrl.u32 v0, $0x10  }
0x40: {  	v0 =	vand.u32 $0xFFFF, v0;
	[tilespmem:$0x28C0] =	vst v60  }
0x41: {  	[tilespmem:$0x29C0] =	vst v0  }
0x42: {  	v0 =	vld [tilespmem:s21+$0xD0];
	_ =	sdelay $0x4  }
0x43: {  	v61 =	vshrl.u32 v0, $0x10  }
0x44: {  	v0 =	vand.u32 $0xFFFF, v0;
	[tilespmem:$0x28D0] =	vst v61  }
0x45: {  	[tilespmem:$0x29D0] =	vst v0  }
0x46: {  	v0 =	vld [tilespmem:s21+$0xE0];
	_ =	sdelay $0x4  }
0x47: {  	v62 =	vshrl.u32 v0, $0x10  }
0x48: {  	v0 =	vand.u32 $0xFFFF, v0;
	[tilespmem:$0x28E0] =	vst v62  }
0x49: {  	[tilespmem:$0x29E0] =	vst v0  }
0x4a: {  	v0 =	vld [tilespmem:s21+$0xF0];
	_ =	sdelay $0x4  }
0x4b: {  	v63 =	vshrl.u32 v0, $0x10  }
0x4c: {  	v0 =	vand.u32 $0xFFFF, v0;
	[tilespmem:$0x28F0] =	vst v63  }
0x4d: {  	[tilespmem:$0x29F0] =	vst v0  }
0x4e: {  	_ =	swait.ge [sflag:s15], $0x4000  }
0x4f: {  	[sflag:s15] =	ssyncset.done $0x0  }
0x50: {  	[sflag:s15] =	ssyncadd.s32 $0xFFFFC000  }
0x51: {  	[tilespmem:s17], [sflag:$0x2] =	stream.indirect.gather [hbm4b:s4+s12], $0x80, s16, s12, $0xb8;
	[tilespmem:$0x1EA00] =	vst v63  }
0x52: {  	_ = 	snop  }
0x53: {  	[spmem:s2] =	stream.indirect.scatter.add.f32 [tilespmem:s14], [sflag:$0x3], $0x80, s18, s12, $0xb8;
	[tilespmem:$0x1EA00] =	vst v63  }
0x54: {  	_ =	swait.ge [sflag:s9], $0x4000  }
0x55: {  	p1 =	por $0x0, $0x0;
	[sflag:s9] =	ssyncset.done $0x0  }
0x56: {  	s21 =	simm.s32 @p1 $0x2;
	[sflag:s9] =	ssyncadd.s32 $0xFFFFC000  }
0x57: {  	_ =	swait.ge @p1 [sflag:s21], $0x4000  }
0x58: {  	[sflag:s21] =	ssyncset.done @p1 $0x0  }
0x59: {  	s22 =	simm.s32 @!p1 $0x0;
	[sflag:s21] =	ssyncadd.s32 @p1 $0xFFFFC000  }
0x5a: {  	v0 =	vld @!p1 [tilespmem:s22+$0x100];
	_ =	sdelay $0x4  }
0x5b: {  	v1 =	vshrl.u32 @!p1 v0, $0x10  }
0x5c: {  	v0 =	vand.u32 @!p1 $0xFFFF, v0;
	[tilespmem:$0x2800] =	vst @!p1 v1  }
0x5d: {  	[tilespmem:$0x2900] =	vst @!p1 v0  }
0x5e: {  	v0 =	vld @!p1 [tilespmem:s22+$0x110];
	_ =	sdelay $0x4  }
0x5f: {  	v1 =	vshrl.u32 @!p1 v0, $0x10  }
0x60: {  	v0 =	vand.u32 @!p1 $0xFFFF, v0;
	[tilespmem:$0x2810] =	vst @!p1 v1  }
0x61: {  	[tilespmem:$0x2910] =	vst @!p1 v0  }
0x62: {  	v0 =	vld @!p1 [tilespmem:s22+$0x120];
	_ =	sdelay $0x4  }
0x63: {  	v1 =	vshrl.u32 @!p1 v0, $0x10  }
0x64: {  	v0 =	vand.u32 @!p1 $0xFFFF, v0;
	[tilespmem:$0x2820] =	vst @!p1 v1  }
0x65: {  	[tilespmem:$0x2920] =	vst @!p1 v0  }
0x66: {  	v0 =	vld @!p1 [tilespmem:s22+$0x130];
	_ =	sdelay $0x4  }
0x67: {  	v1 =	vshrl.u32 @!p1 v0, $0x10  }
0x68: {  	v0 =	vand.u32 @!p1 $0xFFFF, v0;
	[tilespmem:$0x2830] =	vst @!p1 v1  }
0x69: {  	[tilespmem:$0x2930] =	vst @!p1 v0  }
0x6a: {  	v0 =	vld @!p1 [tilespmem:s22+$0x140];
	_ =	sdelay $0x4  }
0x6b: {  	v1 =	vshrl.u32 @!p1 v0, $0x10  }
0x6c: {  	v0 =	vand.u32 @!p1 $0xFFFF, v0;
	[tilespmem:$0x2840] =	vst @!p1 v1  }
0x6d: {  	[tilespmem:$0x2940] =	vst @!p1 v0  }
0x6e: {  	v0 =	vld @!p1 [tilespmem:s22+$0x150];
	_ =	sdelay $0x4  }
0x6f: {  	v1 =	vshrl.u32 @!p1 v0, $0x10  }
0x70: {  	v0 =	vand.u32 @!p1 $0xFFFF, v0;
	[tilespmem:$0x2850] =	vst @!p1 v1  }
0x71: {  	[tilespmem:$0x2950] =	vst @!p1 v0  }
0x72: {  	v0 =	vld @!p1 [tilespmem:s22+$0x160];
	_ =	sdelay $0x4  }
0x73: {  	v1 =	vshrl.u32 @!p1 v0, $0x10  }
0x74: {  	s23 =	simm.s32 @!p1 $0x2;
	s24 =	simm.s32 @!p1 $0x80;
	v0 =	vand.u32 @!p1 $0xFFFF, v0;
	[tilespmem:$0x2860] =	vst @!p1 v1  }
0x75: {  	s25 =	simm.s32 @!p1 $0x2800;
	s26 =	simm.s32 @!p1 $0x2A00;
	s21 =	simm.s32 $0x400;
	[tilespmem:$0x2960] =	vst @!p1 v0  }
.LBB2_2:
0x76: {  	v0 =	vld @!p1 [tilespmem:s22+$0x170];
	s22 =	smov.u32 s21;
	s21 =	sadd.s32 $0x400, s21  }
0x77: {  	p0 =	sne.s32 s21, $0xA000;
	_ =	sdelay $0x3  }
0x78: {  	v1 =	vshrl.u32 @!p1 v0, $0x10;
	v0 =	vand.u32 @!p1 $0xFFFF, v0  }
0x79: {  	[tilespmem:$0x2870] =	vst @!p1 v1  }
0x7a: {  	[tilespmem:$0x2970] =	vst @!p1 v0  }
0x7b: {  	_ =	swait.ge @!p1 [sflag:s23], $0x4000  }
0x7c: {  	[sflag:s23] =	ssyncset.done @!p1 $0x0  }
0x7d: {  	[sflag:s23] =	ssyncadd.s32 @!p1 $0xFFFFC000  }
0x7e: {  	[tilespmem:s26], [sflag:$0x1] =	stream.indirect.gather @!p1 [hbm4b:s4+s24], $0x80, s25, s24, $0xb8;
	[tilespmem:$0x1EA00] =	vst v63  }
0x7f: {  	_ = 	snop  }
0x80: {  	[spmem:s2] =	stream.indirect.scatter.add.f32 [tilespmem:s17], [sflag:$0x3], $0x80, s19, s12, $0xb8;
	[tilespmem:$0x1EA00] =	vst v63  }
0x81: {  	_ =	swait.ge [sflag:s9], $0x4000  }
0x82: {  	[sflag:s9] =	ssyncset.done $0x0  }
0x83: {  	s23 =	sshra.s32 s22, $0x2;
	[sflag:s9] =	ssyncadd.s32 $0xFFFFC000  }
0x84: {  	v0 =	vld [tilespmem:s23+$0x80];
	_ =	sdelay $0x4  }
0x85: {  	v1 =	vshrl.u32 v0, $0x10;
	v0 =	vand.u32 $0xFFFF, v0  }
0x86: {  	[tilespmem:$0x2880] =	vst v1  }
0x87: {  	[tilespmem:$0x2980] =	vst v0  }
0x88: {  	v0 =	vld [tilespmem:s23+$0x90];
	_ =	sdelay $0x4  }
0x89: {  	v1 =	vshrl.u32 v0, $0x10;
	v0 =	vand.u32 $0xFFFF, v0  }
0x8a: {  	[tilespmem:$0x2890] =	vst v1  }
0x8b: {  	[tilespmem:$0x2990] =	vst v0  }
0x8c: {  	v0 =	vld [tilespmem:s23+$0xA0];
	_ =	sdelay $0x4  }
0x8d: {  	v1 =	vshrl.u32 v0, $0x10;
	v0 =	vand.u32 $0xFFFF, v0  }
0x8e: {  	[tilespmem:$0x28A0] =	vst v1  }
0x8f: {  	[tilespmem:$0x29A0] =	vst v0  }
0x90: {  	v0 =	vld [tilespmem:s23+$0xB0];
	_ =	sdelay $0x4  }
0x91: {  	v1 =	vshrl.u32 v0, $0x10;
	v0 =	vand.u32 $0xFFFF, v0  }
0x92: {  	[tilespmem:$0x28B0] =	vst v1  }
0x93: {  	[tilespmem:$0x29B0] =	vst v0  }
0x94: {  	v0 =	vld [tilespmem:s23+$0xC0];
	_ =	sdelay $0x4  }
0x95: {  	v1 =	vshrl.u32 v0, $0x10;
	v0 =	vand.u32 $0xFFFF, v0  }
0x96: {  	[tilespmem:$0x28C0] =	vst v1  }
0x97: {  	[tilespmem:$0x29C0] =	vst v0  }
0x98: {  	v0 =	vld [tilespmem:s23+$0xD0];
	_ =	sdelay $0x4  }
0x99: {  	v1 =	vshrl.u32 v0, $0x10;
	v0 =	vand.u32 $0xFFFF, v0  }
0x9a: {  	[tilespmem:$0x28D0] =	vst v1  }
0x9b: {  	[tilespmem:$0x29D0] =	vst v0  }
0x9c: {  	v0 =	vld [tilespmem:s23+$0xE0];
	_ =	sdelay $0x4  }
0x9d: {  	v1 =	vshrl.u32 v0, $0x10;
	v0 =	vand.u32 $0xFFFF, v0  }
0x9e: {  	[tilespmem:$0x28E0] =	vst v1  }
0x9f: {  	[tilespmem:$0x29E0] =	vst v0  }
0xa0: {  	v0 =	vld [tilespmem:s23+$0xF0];
	_ =	sdelay $0x4  }
0xa1: {  	v1 =	vshrl.u32 v0, $0x10;
	v0 =	vand.u32 $0xFFFF, v0  }
0xa2: {  	[tilespmem:$0x28F0] =	vst v1  }
0xa3: {  	p1 =	seq.s32 s22, $0x9C00;
	[tilespmem:$0x29F0] =	vst v0  }
0xa4: {  	s23 =	simm.s32 @p1 $0x2;
	_ =	swait.ge [sflag:s15], $0x4000  }
0xa5: {  	[sflag:s15] =	ssyncset.done $0x0  }
0xa6: {  	s22 =	sshra.s32 @!p1 s22, $0x2;
	[sflag:s15] =	ssyncadd.s32 $0xFFFFC000  }
0xa7: {  	[tilespmem:s17], [sflag:$0x2] =	stream.indirect.gather [hbm4b:s4+s12], $0x80, s16, s12, $0xb8;
	[tilespmem:$0x1EA00] =	vst v63  }
0xa8: {  	_ = 	snop  }
0xa9: {  	[spmem:s2] =	stream.indirect.scatter.add.f32 [tilespmem:s14], [sflag:$0x3], $0x80, s18, s12, $0xb8;
	[tilespmem:$0x1EA00] =	vst v63  }
0xaa: {  	_ =	swait.ge [sflag:s9], $0x4000  }
0xab: {  	[sflag:s9] =	ssyncset.done $0x0  }
0xac: {  	[sflag:s9] =	ssyncadd.s32 $0xFFFFC000  }
0xad: {  	_ =	swait.ge @p1 [sflag:s23], $0x4000  }
0xae: {  	[sflag:s23] =	ssyncset.done @p1 $0x0  }
0xaf: {  	[sflag:s23] =	ssyncadd.s32 @p1 $0xFFFFC000  }
0xb0: {  	v0 =	vld @!p1 [tilespmem:s22+$0x100];
	_ =	sdelay $0x4  }
0xb1: {  	v1 =	vshrl.u32 @!p1 v0, $0x10;
	v0 =	vand.u32 @!p1 $0xFFFF, v0  }
0xb2: {  	[tilespmem:$0x2800] =	vst @!p1 v1  }
0xb3: {  	[tilespmem:$0x2900] =	vst @!p1 v0  }
0xb4: {  	v0 =	vld @!p1 [tilespmem:s22+$0x110];
	_ =	sdelay $0x4  }
0xb5: {  	v1 =	vshrl.u32 @!p1 v0, $0x10;
	v0 =	vand.u32 @!p1 $0xFFFF, v0  }
0xb6: {  	[tilespmem:$0x2810] =	vst @!p1 v1  }
0xb7: {  	[tilespmem:$0x2910] =	vst @!p1 v0  }
0xb8: {  	v0 =	vld @!p1 [tilespmem:s22+$0x120];
	_ =	sdelay $0x4  }
0xb9: {  	v1 =	vshrl.u32 @!p1 v0, $0x10;
	v0 =	vand.u32 @!p1 $0xFFFF, v0  }
0xba: {  	[tilespmem:$0x2820] =	vst @!p1 v1  }
0xbb: {  	[tilespmem:$0x2920] =	vst @!p1 v0  }
0xbc: {  	v0 =	vld @!p1 [tilespmem:s22+$0x130];
	_ =	sdelay $0x4  }
0xbd: {  	v1 =	vshrl.u32 @!p1 v0, $0x10;
	v0 =	vand.u32 @!p1 $0xFFFF, v0  }
0xbe: {  	[tilespmem:$0x2830] =	vst @!p1 v1  }
0xbf: {  	[tilespmem:$0x2930] =	vst @!p1 v0  }
0xc0: {  	v0 =	vld @!p1 [tilespmem:s22+$0x140];
	_ =	sdelay $0x4  }
0xc1: {  	v1 =	vshrl.u32 @!p1 v0, $0x10;
	v0 =	vand.u32 @!p1 $0xFFFF, v0  }
0xc2: {  	[tilespmem:$0x2840] =	vst @!p1 v1  }
0xc3: {  	[tilespmem:$0x2940] =	vst @!p1 v0  }
0xc4: {  	v0 =	vld @!p1 [tilespmem:s22+$0x150];
	_ =	sdelay $0x4  }
0xc5: {  	v1 =	vshrl.u32 @!p1 v0, $0x10;
	v0 =	vand.u32 @!p1 $0xFFFF, v0  }
0xc6: {  	[tilespmem:$0x2850] =	vst @!p1 v1  }
0xc7: {  	s23 =	simm.s32 @!p1 $0x2;
	[tilespmem:$0x2950] =	vst @!p1 v0  }
0xc8: {  	v0 =	vld @!p1 [tilespmem:s22+$0x160];
	_ =	sdelay $0x1  }
0xc9: {  	s24 =	simm.s32 @!p1 $0x80;
	s25 =	simm.s32 @!p1 $0x2800;
	s26 =	simm.s32 @!p1 $0x2A00  }
.Ltmp0:
0xca: {  	(pc) =	sbr.rel @p0 .LBB2_2-.Ltmp0, $4  }
0xcb: {  	_ = 	snop  }
0xcc: {  	v1 =	vshrl.u32 @!p1 v0, $0x10;
	v0 =	vand.u32 @!p1 $0xFFFF, v0  }
0xcd: {  	[tilespmem:$0x2860] =	vst @!p1 v1  }
0xce: {  	[tilespmem:$0x2960] =	vst @!p1 v0  }
0xcf: {  	v0 =	vld @!p1 [tilespmem:s22+$0x170];
	_ =	sdelay $0x4  }
0xd0: {  	v1 =	vshrl.u32 @!p1 v0, $0x10  }
0xd1: {  	v0 =	vand.u32 @!p1 $0xFFFF, v0;
	[tilespmem:$0x2870] =	vst @!p1 v1  }
0xd2: {  	[tilespmem:$0x2970] =	vst @!p1 v0  }
0xd3: {  	_ =	swait.ge @!p1 [sflag:s23], $0x4000  }
0xd4: {  	[sflag:s23] =	ssyncset.done @!p1 $0x0  }
0xd5: {  	[sflag:s23] =	ssyncadd.s32 @!p1 $0xFFFFC000  }
0xd6: {  	[tilespmem:s26], [sflag:$0x1] =	stream.indirect.gather @!p1 [hbm4b:s4+s24], $0x80, s25, s24, $0xb8;
	[tilespmem:$0x1EA00] =	vst v63  }
0xd7: {  	_ = 	snop  }
0xd8: {  	[spmem:s2] =	stream.indirect.scatter.add.f32 [tilespmem:s17], [sflag:$0x3], $0x80, s19, s12, $0xb8;
	[tilespmem:$0x1EA00] =	vst v63  }
0xd9: {  	_ =	swait.ge [sflag:s9], $0x4000  }
0xda: {  	s20 =	sadd.s32 $0x1, s20;
	[sflag:s9] =	ssyncset.done $0x0  }
0xdb: {  	p0 =	sne.s32 s20, s8;
	[sflag:s9] =	ssyncadd.s32 $0xFFFFC000  }
.Ltmp1:
0xdc: {  	[bflag:$0x0] =	sbarrier.arrive $0xFFFF;
	(pc) =	sbr.rel @p0 .LBB2_1-.Ltmp1, $4  }
0xdd: {  	[hbm:s7], [sflag:s10] =	dma.local [spmem:s11], $0x2800  }
0xde: {  	_ =	swait.ge [sflag:s9], $0x2800  }
0xdf: {  	[sflag:s9] =	ssyncset.done $0x0  }
0xe0: {  	[sflag:s9] =	ssyncadd.s32 $0xFFFFD800  }
0xe1: {  	_ =	sfence.sel $0x180000  }
0xe2: {  	[bflag:$0x0] =	sbarrier.arrive $0xFFFF  }
0xe3: {  	p0 =	sne.s32 s0, $0x0;
	_ =	strace $0x9000004A  }
0xe4: {  	s0 =	sadd.s32 @!p0 $0x100000, s1;
	[bflag:$0x2] =	sbarrier.arrive $0xFFFF  }
0xe5: {  	[sflag:s0] =	ssyncadd.tile.s32 @!p0 $0x1;
	_ =	shalt  }
.Lfunc_end2:
_tile_overlayer_lowered:
.L_overlay_start_2:
0xe6: {  	(tag) =	ssettag $0x2  }
0xe7: {  	s0 =	rddreg [dreg:$0x0];
	s2 =	stileid.u32  }
0xe8: {  	s1 =	rddreg [dreg:$0x1];
	p0 =	sne.s32 s2, $0x0  }
0xe9: {  	s3 =	rddreg [dreg:$0x2];
	[bflag:$0x3] =	sbarrier.arrive $0xFFFF;
	s2 =	simm.s32 @!p0 $0x1C03  }
0xea: {  	[timem:s3], [sflag:s2] =	dma.local @!p0 [hbm:s0], s1  }
0xeb: {  	s0 =	simm.s32 @!p0 $0x3  }
0xec: {  	_ =	swait.ge @!p0 [sflag:s0], s1  }
0xed: {  	s1 =	ssub.s32 @!p0 $0x0, s1;
	[sflag:s0] =	ssyncset.done @!p0 $0x0  }
0xee: {  	[sflag:s0] =	ssyncadd.s32 @!p0 s1  }
0xef: {  	[bflag:$0x3] =	sbarrier.arrive $0xFFFF  }
0xf0: {  	_ =	shalt  }

// kernel: kernel.15.cloned.1.call-start
scs
__scs_entry_jumppad:
0x0: {  	(pc) =	sbr.rel $0x88, $3  }
0x1: {  	(tag) =	ssettag $0x0;
	lr =	simm.s32 $0x1  }
0x2: {  	[smem:$0x3F93] =	sst lr;
	_ =	strace $0xD0000000  }
0x3: {  	_ = 	snop  }
0x4: {  	_ = 	snop  }
0x5: {  	_ = 	snop  }
0x6: {  	_ = 	snop  }
0x7: {  	_ = 	snop  }
__scs_overlays_trampoline_lowered:
0x8: {  	[smem:$0x3FA2] =	sst s0  }
0x9: {  	[smem:$0x3FA3] =	sst s1  }
0xa: {  	[smem:$0x3FA4] =	sst s2  }
0xb: {  	[smem:$0x3FA5] =	sst s3  }
0xc: {  	[smem:$0x3FA6] =	sst s4  }
0xd: {  	[smem:$0x3FA7] =	sst s5  }
0xe: {  	[smem:$0x3FA8] =	sst s6  }
0xf: {  	[smem:$0x3FA9] =	sst s7  }
0x10: {  	[smem:$0x3FAA] =	sst s8  }
0x11: {  	[smem:$0x3FAB] =	sst s9;
	s0 =	simm.s32 @!p0 $0x0  }
0x12: {  	s1 =	sld [smem:$0x3F91];
	s0 =	simm.s32 @p0 $0x1  }
0x13: {  	[smem:$0x3FAC] =	sst s0;
	s0 =	simm.s32 @!p1 $0x0  }
0x14: {  	s2 =	sld [smem:$0x3F90];
	s0 =	simm.s32 @p1 $0x1  }
0x15: {  	[smem:$0x3FAD] =	sst s0;
	s0 =	simm.s32 @!p2 $0x0  }
0x16: {  	s3 =	sld [smem:$0x3FDB];
	s0 =	simm.s32 @p2 $0x1  }
0x17: {  	s4 =	simm.s32 $0x1BF5;
	[smem:$0x3FAF] =	sst s0  }
0x18: {  	s0 =	sld [smem:$0x3F92];
	_ =	swait.ge [sflag:s4], $0x0  }
0x19: {  	s7 =	sld [smem:$0x3F93]  }
0x1a: {  	s8 =	sadd.s32 $0xFFFFE003, lr  }
0x1b: {  	s9 =	sadd.s32 $0xFFFFFEF7, lr;
	s5 =	simm.s32 $0xFFFFFFFF;
	p2 =	slt.u32 s8, $0xFFFFF086  }
0x1c: {  	p1 =	slt.u32 s9, $0xF7A;
	s5 =	simm.s32 @!p2 $0x0  }
0x1d: {  	s5 =	simm.s32 @p1 $0x1;
	p0 =	seq.s32 s7, s2  }
0x1e: {  	s7 =	smul.u32 @!p0 $0xF7A, s2;
	p2 =	seq.s32 @!p0 s5, $0x0  }
0x1f: {  	s9 =	smul.u32 $0xF7A, s1;
	s8 =	simm.s32 @!p0 $0x1BF5;
	p2 =	por !p2, p0  }
0x20: {  	[sflag:s8] =	ssyncset.s32 @!p0 $0xFFFFF086;
	s6 =	sadd.s32 @!p0 s3, s7;
	s7 =	simm.s32 @!p0 $0x108  }
0x21: {  	s3 =	sadd.s32 s3, s9;
	s6 =	sadd.s32 @!p0 $0x88, s6;
	s7 =	simm.s32 @p2 $0x1082  }
0x22: {  	[simem:s7], [sflag:s8] =	dma.local @!p0 [hbm:s6], $0xF7A  }
0x23: {  	s9 =	sor.u32 $0xD0000000, s2;
	s6 =	simm.s32 $0x108;
	_ =	swait.ge @!p0 [sflag:s8], $0x0  }
0x24: {  	s3 =	sadd.s32 $0x88, s3;
	s6 =	simm.s32 @!p1 $0x1082;
	[sflag:s4] =	ssyncset.s32 $0xFFFFF086  }
0x25: {  	[simem:s6], [sflag:s4] =	dma.local [hbm:s3], $0xF7A  }
0x26: {  	[smem:$0x3F93] =	sst s1;
	(tag) =	ssettag s2;
	_ =	strace s9  }
0x27: {  	s1 =	sld [smem:$0x3FA3]  }
0x28: {  	s2 =	sld [smem:$0x3FA4]  }
0x29: {  	s4 =	sld [smem:$0x3FA6]  }
0x2a: {  	p0 =	seq.s32 s5, $0x0;
	s5 =	sld [smem:$0x3FA7]  }
0x2b: {  	s6 =	sld [smem:$0x3FA8]  }
0x2c: {  	s7 =	sld [smem:$0x3FA9]  }
0x2d: {  	s3 =	simm.s32 $0x108;
	s8 =	sld [smem:$0x3FAA]  }
0x2e: {  	s3 =	simm.s32 @!p0 $0x1082;
	s9 =	sld [smem:$0x3FAB]  }
0x2f: {  	lr =	sadd.s32 s0, s3;
	s0 =	sld [smem:$0x3FA2]  }
0x30: {  	s3 =	sld [smem:$0x3FA5]  }
0x31: {  	[smem:$0x3FAE] =	sst s10  }
0x32: {  	s10 =	sld [smem:$0x3FAC];
	_ =	sdelay $0x3  }
0x33: {  	p0 =	seq.s32 s10, $0x1;
	s10 =	sld [smem:$0x3FAE];
	_ =	sdelay $0x3  }
0x34: {  	[smem:$0x3FAE] =	sst s10  }
0x35: {  	s10 =	sld [smem:$0x3FAD];
	_ =	sdelay $0x3  }
0x36: {  	p1 =	seq.s32 s10, $0x1;
	s10 =	sld [smem:$0x3FAE];
	_ =	sdelay $0x3  }
0x37: {  	[smem:$0x3FAE] =	sst s10  }
0x38: {  	s10 =	sld [smem:$0x3FAF]  }
0x39: {  	_ = 	snop;
	(pc) =	sbr.ind lr, $3  }
0x3a: {  	_ = 	snop  }
0x3b: {  	_ = 	snop  }
0x3c: {  	p2 =	seq.s32 s10, $0x1;
	s10 =	sld [smem:$0x3FAE]  }
0x3d: {  	_ =	shalt  }
0x3e: {  	_ =	shalt  }
0x3f: {  	_ =	shalt  }
0x40: {  	_ =	shalt  }
0x41: {  	_ =	shalt  }
0x42: {  	_ =	shalt  }
0x43: {  	_ =	shalt  }
0x44: {  	_ =	shalt  }
0x45: {  	_ =	shalt  }
0x46: {  	_ =	shalt  }
0x47: {  	_ =	shalt  }
0x48: {  	_ =	shalt  }
0x49: {  	_ =	shalt  }
0x4a: {  	_ =	shalt  }
0x4b: {  	_ =	shalt  }
0x4c: {  	_ =	shalt  }
0x4d: {  	_ =	shalt  }
0x4e: {  	_ =	shalt  }
0x4f: {  	_ =	shalt  }
0x50: {  	_ =	shalt  }
0x51: {  	_ =	shalt  }
0x52: {  	_ =	shalt  }
0x53: {  	_ =	shalt  }
0x54: {  	_ =	shalt  }
0x55: {  	_ =	shalt  }
0x56: {  	_ =	shalt  }
0x57: {  	_ =	shalt  }
0x58: {  	_ =	shalt  }
0x59: {  	_ =	shalt  }
0x5a: {  	_ =	shalt  }
0x5b: {  	_ =	shalt  }
0x5c: {  	_ =	shalt  }
0x5d: {  	_ =	shalt  }
0x5e: {  	_ =	shalt  }
0x5f: {  	_ =	shalt  }
0x60: {  	_ =	shalt  }
0x61: {  	_ =	shalt  }
0x62: {  	_ =	shalt  }
0x63: {  	_ =	shalt  }
0x64: {  	_ =	shalt  }
0x65: {  	_ =	shalt  }
0x66: {  	_ =	shalt  }
0x67: {  	_ =	shalt  }
0x68: {  	_ =	shalt  }
0x69: {  	_ =	shalt  }
0x6a: {  	_ =	shalt  }
0x6b: {  	_ =	shalt  }
0x6c: {  	_ =	shalt  }
0x6d: {  	_ =	shalt  }
0x6e: {  	_ =	shalt  }
0x6f: {  	_ =	shalt  }
0x70: {  	_ =	shalt  }
0x71: {  	_ =	shalt  }
0x72: {  	_ =	shalt  }
0x73: {  	_ =	shalt  }
0x74: {  	_ =	shalt  }
0x75: {  	_ =	shalt  }
0x76: {  	_ =	shalt  }
0x77: {  	_ =	shalt  }
0x78: {  	_ =	shalt  }
0x79: {  	_ =	shalt  }
0x7a: {  	_ =	shalt  }
0x7b: {  	_ =	shalt  }
0x7c: {  	_ =	shalt  }
0x7d: {  	_ =	shalt  }
0x7e: {  	_ =	shalt  }
0x7f: {  	_ =	shalt  }
0x80: {  	_ =	shalt  }
0x81: {  	_ =	shalt  }
0x82: {  	_ =	shalt  }
0x83: {  	_ =	shalt  }
0x84: {  	_ =	shalt  }
0x85: {  	_ =	shalt  }
0x86: {  	_ =	shalt  }
0x87: {  	_ =	shalt  }
.Lfunc_end0:
.L_simem_size_0:
called_computation.2_lowered:
.L_overlay_start_0:
0x88: {  	s2 =	sld [smem:$0x3FD9]  }
0x89: {  	s3 =	sld [smem:$0x3FFE];
	_ =	sdelay $0x1  }
0x8a: {  	s1 =	srdreg.scid  }
0x8b: {  	s0 =	sand.u32 $0x1, s1  }
0x8c: {  	s16 =	sshll.u32 s0, $0xA;
	s2 =	sadd.s32 s3, s2  }
0x8d: {  	s2 =	sadd.s32 s2, s16  }
0x8e: {  	[smem:$0x3FBA] =	sst s2  }
0x8f: {  	_ = 	snop  }
0x90: {  	(tm) =	ssettm $0x1  }
0x91: {  	s17 =	sld [smem:$0x3FFB];
	_ =	sdelay $0x3  }
0x92: {  	_ =	strace s17  }
0x93: {  	s2 =	sld [smem:$0x3FFC];
	_ =	sdelay $0x3  }
0x94: {  	_ =	strace s2  }
0x95: {  	s2 =	sld [smem:$0x3FFD];
	_ =	sdelay $0x3  }
0x96: {  	_ =	strace s2  }
0x97: {  	_ =	strace $0x8FFFFFFF  }
0x98: {  	s18 =	sld [smem:$0x3FDB];
	_ =	sdelay $0x1  }
0x99: {  	s19 =	simm.s32 $_scs_section_size  }
0x9a: {  	s4 =	simm.s32 $_size__tile_overlayer_lowered;
	s5 =	simm.s32 $_tile_overlayer_lowered  }
0x9b: {  	s22 =	simm.s32 $0x1BFF;
	s21 =	sshll.u32 s5, $0x1;
	s2 =	sadd.s32 s19, s18  }
0x9c: {  	s6 =	simm.s32 $0x0;
	s20 =	sshll.u32 s4, $0x1;
	s4 =	sadd.s32 s21, s2  }
0x9d: {  	[timem:s6], [sflag:s22] =	dma.local [hbm:s4], s20  }
0x9e: {  	_ =	swait.ge [sflag:s22], s20  }
0x9f: {  	s3 =	ssub.s32 $0x0, s20;
	[sflag:s22] =	ssyncset.done $0x0  }
0xa0: {  	[sflag:s22] =	ssyncadd.s32 s3;
	_ =	sdelay $0x1  }
0xa1: {  	s23 =	simm.s32 $0x1B8B  }
0xa2: {  	_ =	swait.ge [sflag:s23], $0x1  }
0xa3: {  	[sflag:s23] =	ssyncset.done $0x0  }
0xa4: {  	s25 =	simm.s32 $0x1B8E;
	s24 =	sld [smem:$0x3FFE];
	[sflag:s23] =	ssyncadd.s32 $0xFFFFFFFF  }
0xa5: {  	s26 =	simm.s32 $execute0_lowered;
	[smem:$0x3FD2] =	sst s25  }
0xa6: {  	s4 =	sshll.u32 s26, $0x1;
	_ =	strace $0x8000004C;
	[dreg:$0x1] =	wrdreg $0xFFFFFFFF  }
0xa7: {  	s28 =	simm.s32 $_size_execute0_lowered;
	s2 =	sadd.s32 s2, s4;
	[dreg:$0x0] =	wrdreg $0x0  }
0xa8: {  	s4 =	sshll.u32 s28, $0x1;
	[dreg:$0x2] =	wrdreg s2  }
0xa9: {  	[dreg:$0x3] =	wrdreg s4  }
0xaa: {  	[dreg:$0x4] =	wrdreg $0xC0  }
0xab: {  	_ =	task [dreg:s6], $0x5FFFF  }
0xac: {  	[dreg:$0x1] =	wrdreg $0xFFFFFFFF  }
0xad: {  	[dreg:$0x0] =	wrdreg $0x60  }
0xae: {  	[dreg:$0x2] =	wrdreg s24  }
0xaf: {  	[dreg:$0x3] =	wrdreg $0xAA000  }
0xb0: {  	[dreg:$0x4] =	wrdreg $0x9  }
0xb1: {  	_ =	task.clear_ibuf [dreg:s6], $0x5FFFF;
	_ =	strace $0x9000004C  }
0xb2: {  	s29 =	simm.s32 $0x9;
	_ =	strace $0x8000004E  }
0xb3: {  	_ =	swait.ge [sflag:s29], $0x1  }
0xb4: {  	[sflag:s29] =	ssyncadd.s32 $0xFFFFFFFF  }
0xb5: {  	_ =	strace $0x9000004E  }
0xb6: {  	_ =	sfence  }
0xb7: {  	s30 =	sld [smem:$0x0];
	_ =	sdelay $0x2  }
0xb8: {  	s31 =	sshll.u32 s1, $0xD;
	s1 =	sshrl.u32 s1, $0x2  }
0xb9: {  	s3 =	sand.u32 $0x4000, s31;
	s1 =	sadd.s32 s1, s30  }
0xba: {  	s0 =	sor.u32 s3, s0;
	s1 =	sshll.u32 s1, $0x11  }
0xbb: {  	s0 =	sor.u32 s1, s0  }
0xbc: {  	s0 =	sadd.s32 $0x8F2B, s0  }
0xbd: {  	[sflag:s0] =	ssyncadd.remote.s32 $0x1  }
0xbe: {  	_ =	sfence.sel $0xFFFF  }
0xbf: {  	[dreg:$0x0] =	wrdreg $0xFFFFFFFF;
	(pc) =	sbr.abs _section_cstart, $3  }
0xc0: {  	[dreg:$0x1] =	wrdreg $0xFFFFFFFF  }
0xc1: {  	_ =	task.clear_ibuf [dreg:s6], $0x2FFFF;
	_ =	strace $0x9FFFFFFF  }
0xc2: {  	(tm) =	ssettm $0x7FFFFFFF  }
0xc3: {  	_ =	shalt  }
tec
execute0_lowered:
.L_overlay_start_1:
0x0: {  	(tag) =	ssettag $0x1  }
0x1: {  	s7 =	rddreg [dreg:$0x0]  }
0x2: {  	s0 =	srdreg.scid;
	s2 =	rddreg [dreg:$0x1]  }
0x3: {  	s3 =	simm.s32 $0x0;
	s12 =	simm.s32 $0x80;
	s13 =	simm.s32 $0x2800  }
0x4: {  	s14 =	simm.s32 $0x2A00;
	s15 =	simm.s32 $0x1;
	s16 =	simm.s32 $0x2880  }
0x5: {  	s17 =	simm.s32 $0x6A00;
	s18 =	simm.s32 $0x2900;
	s6 =	sand.u32 $0x1, s0  }
0x6: {  	s19 =	simm.s32 $0x2980;
	s0 =	stileid.u32;
	s8 =	smul.u32 $0x140000, s6  }
0x7: {  	s20 =	simm.s32 $0x0;
	[smem:$0x7FF] =	sst s3;
	s9 =	smul.u32 $0x14000, s0  }
0x8: {  	s4 =	sadd.s32 $0x21400, s7;
	s1 =	sshll.u32 s6, $0x4;
	s29 =	smul.u32 $0x50000, s0  }
0x9: {  	s6 =	ssub.s32 $0x2, s6;
	s31 =	sshll.u32 s0, $0x6;
	s1 =	sor.u32 s0, s1  }
0xa: {  	s30 =	sshrl.u32 s6, $0x1;
	s5 =	smul.u32 $0x500, s1;
	s1 =	rddreg [dreg:$0x2]  }
0xb: {  	_ =	strace $0x8000004D;
	s8 =	sadd.s32 s9, s8;
	s9 =	sshrl.u32 s29, $0x2  }
0xc: {  	s8 =	sshrl.u32 s8, $0x3;
	s11 =	sadd.s32 s9, s2;
	s9 =	simm.s32 $0x3  }
0xd: {  	s10 =	sadd.s32 s5, s7;
	s5 =	sadd.s32 $0x3400, s7;
	s7 =	sadd.s32 s8, s7  }
0xe: {  	s8 =	ssub.s32 s6, s30;
	s11 =	sshrl.u32 s11, $0x3;
	s6 =	sadd.s32 $0x17400, s10  }
0xf: {  	s7 =	sadd.s32 $0x49400, s7;
	s8 =	smax.u32 s8, $0x1;
	s10 =	sor.u32 $0x1C03, s31  }
.LBB2_1:
0x10: {  	[tilespmem:s3], [sflag:$0x3] =	stream.linear.gather [hbm4b:s6+s3], $0x2800, $0x38;
	[tilespmem:$0x1EA00] =	vst v63  }
0x11: {  	_ =	swait.ge [sflag:s9], $0x2800  }
0x12: {  	[sflag:s9] =	ssyncset.done $0x0  }
0x13: {  	[sflag:s9] =	ssyncadd.s32 $0xFFFFD800  }
0x14: {  	[spmem:s11], [sflag:s10] =	dma.local [hbm:s5], $0x2800  }
0x15: {  	_ =	swait.ge [sflag:s9], $0x2800  }
0x16: {  	[sflag:s9] =	ssyncset.done $0x0  }
0x17: {  	[sflag:s9] =	ssyncadd.s32 $0xFFFFD800  }
0x18: {  	[bflag:$0x0] =	sbarrier.arrive $0xFFFF  }
0x19: {  	v0 =	vld [tilespmem:$0x0];
	_ =	sdelay $0x1  }
0x1a: {  	v1 =	vld [tilespmem:$0x10];
	_ =	sdelay $0x1  }
0x1b: {  	v2 =	vld [tilespmem:$0x20]  }
0x1c: {  	v3 =	vshrl.u32 v0, $0x10  }
0x1d: {  	v37 =	vld [tilespmem:$0x30];
	v0 =	vand.u32 $0xFFFF, v0;
	[tilespmem:$0x2800] =	vst v3  }
0x1e: {  	v38 =	vshrl.u32 v1, $0x10;
	[tilespmem:$0x2900] =	vst v0  }
0x1f: {  	v40 =	vld [tilespmem:$0x40];
	v39 =	vand.u32 $0xFFFF, v1;
	[tilespmem:$0x2810] =	vst v38  }
0x20: {  	v41 =	vshrl.u32 v2, $0x10;
	[tilespmem:$0x2910] =	vst v39  }
0x21: {  	v43 =	vld [tilespmem:$0x50];
	v42 =	vand.u32 $0xFFFF, v2;
	[tilespmem:$0x2820] =	vst v41  }
0x22: {  	v44 =	vshrl.u32 v37, $0x10;
	[tilespmem:$0x2920] =	vst v42  }
0x23: {  	v46 =	vld [tilespmem:$0x60];
	v45 =	vand.u32 $0xFFFF, v37;
	[tilespmem:$0x2830] =	vst v44  }
0x24: {  	v47 =	vshrl.u32 v40, $0x10;
	[tilespmem:$0x2930] =	vst v45  }
0x25: {  	v49 =	vld [tilespmem:$0x70];
	v48 =	vand.u32 $0xFFFF, v40;
	[tilespmem:$0x2840] =	vst v47  }
0x26: {  	v50 =	vshrl.u32 v43, $0x10;
	[tilespmem:$0x2940] =	vst v48  }
0x27: {  	v51 =	vand.u32 $0xFFFF, v43;
	[tilespmem:$0x2850] =	vst v50  }
0x28: {  	v52 =	vshrl.u32 v46, $0x10;
	[tilespmem:$0x2950] =	vst v51  }
0x29: {  	v53 =	vand.u32 $0xFFFF, v46;
	[tilespmem:$0x2860] =	vst v52  }
0x2a: {  	v54 =	vshrl.u32 v49, $0x10;
	[tilespmem:$0x2960] =	vst v53  }
0x2b: {  	v55 =	vand.u32 $0xFFFF, v49;
	[tilespmem:$0x2870] =	vst v54  }
0x2c: {  	s21 =	simm.s32 $0x0;
	[tilespmem:$0x2970] =	vst v55  }
0x2d: {  	[tilespmem:s14], [sflag:$0x1] =	stream.indirect.gather [hbm4b:s4+s12], $0x80, s13, s12, $0xb8;
	[tilespmem:$0x1EA00] =	vst v63  }
0x2e: {  	v0 =	vld [tilespmem:s21+$0x80];
	_ =	sdelay $0x4  }
0x2f: {  	v56 =	vshrl.u32 v0, $0x10  }
0x30: {  	v0 =	vand.u32 $0xFFFF, v0;
	[tilespmem:$0x2880] =	vst v56  }
0x31: {  	[tilespmem:$0x2980] =	vst v0  }
0x32: {  	v0 =	vld [tilespmem:s21+$0x90];
	_ =	sdelay $0x4  }
0x33: {  	v57 =	vshrl.u32 v0, $0x10  }
0x34: {  	v0 =	vand.u32 $0xFFFF, v0;
	[tilespmem:$0x2890] =	vst v57  }
0x35: {  	[tilespmem:$0x2990] =	vst v0  }
0x36: {  	v0 =	vld [tilespmem:s21+$0xA0];
	_ =	sdelay $0x4  }
0x37: {  	v58 =	vshrl.u32 v0, $0x10  }
0x38: {  	v0 =	vand.u32 $0xFFFF, v0;
	[tilespmem:$0x28A0] =	vst v58  }
0x39: {  	[tilespmem:$0x29A0] =	vst v0  }
0x3a: {  	v0 =	vld [tilespmem:s21+$0xB0];
	_ =	sdelay $0x4  }
0x3b: {  	v59 =	vshrl.u32 v0, $0x10  }
0x3c: {  	v0 =	vand.u32 $0xFFFF, v0;
	[tilespmem:$0x28B0] =	vst v59  }
0x3d: {  	[tilespmem:$0x29B0] =	vst v0  }
0x3e: {  	v0 =	vld [tilespmem:s21+$0xC0];
	_ =	sdelay $0x4  }
0x3f: {  	v60 =	vshrl.u32 v0, $0x10  }
0x40: {  	v0 =	vand.u32 $0xFFFF, v0;
	[tilespmem:$0x28C0] =	vst v60  }
0x41: {  	[tilespmem:$0x29C0] =	vst v0  }
0x42: {  	v0 =	vld [tilespmem:s21+$0xD0];
	_ =	sdelay $0x4  }
0x43: {  	v61 =	vshrl.u32 v0, $0x10  }
0x44: {  	v0 =	vand.u32 $0xFFFF, v0;
	[tilespmem:$0x28D0] =	vst v61  }
0x45: {  	[tilespmem:$0x29D0] =	vst v0  }
0x46: {  	v0 =	vld [tilespmem:s21+$0xE0];
	_ =	sdelay $0x4  }
0x47: {  	v62 =	vshrl.u32 v0, $0x10  }
0x48: {  	v0 =	vand.u32 $0xFFFF, v0;
	[tilespmem:$0x28E0] =	vst v62  }
0x49: {  	[tilespmem:$0x29E0] =	vst v0  }
0x4a: {  	v0 =	vld [tilespmem:s21+$0xF0];
	_ =	sdelay $0x4  }
0x4b: {  	v63 =	vshrl.u32 v0, $0x10  }
0x4c: {  	v0 =	vand.u32 $0xFFFF, v0;
	[tilespmem:$0x28F0] =	vst v63  }
0x4d: {  	[tilespmem:$0x29F0] =	vst v0  }
0x4e: {  	_ =	swait.ge [sflag:s15], $0x4000  }
0x4f: {  	[sflag:s15] =	ssyncset.done $0x0  }
0x50: {  	[sflag:s15] =	ssyncadd.s32 $0xFFFFC000  }
0x51: {  	[tilespmem:s17], [sflag:$0x2] =	stream.indirect.gather [hbm4b:s4+s12], $0x80, s16, s12, $0xb8;
	[tilespmem:$0x1EA00] =	vst v63  }
0x52: {  	_ = 	snop  }
0x53: {  	[spmem:s2] =	stream.indirect.scatter.add.f32 [tilespmem:s14], [sflag:$0x3], $0x80, s18, s12, $0xb8;
	[tilespmem:$0x1EA00] =	vst v63  }
0x54: {  	_ =	swait.ge [sflag:s9], $0x4000  }
0x55: {  	p1 =	por $0x0, $0x0;
	[sflag:s9] =	ssyncset.done $0x0  }
0x56: {  	s21 =	simm.s32 @p1 $0x2;
	[sflag:s9] =	ssyncadd.s32 $0xFFFFC000  }
0x57: {  	_ =	swait.ge @p1 [sflag:s21], $0x4000  }
0x58: {  	[sflag:s21] =	ssyncset.done @p1 $0x0  }
0x59: {  	s22 =	simm.s32 @!p1 $0x0;
	[sflag:s21] =	ssyncadd.s32 @p1 $0xFFFFC000  }
0x5a: {  	v0 =	vld @!p1 [tilespmem:s22+$0x100];
	_ =	sdelay $0x4  }
0x5b: {  	v1 =	vshrl.u32 @!p1 v0, $0x10  }
0x5c: {  	v0 =	vand.u32 @!p1 $0xFFFF, v0;
	[tilespmem:$0x2800] =	vst @!p1 v1  }
0x5d: {  	[tilespmem:$0x2900] =	vst @!p1 v0  }
0x5e: {  	v0 =	vld @!p1 [tilespmem:s22+$0x110];
	_ =	sdelay $0x4  }
0x5f: {  	v1 =	vshrl.u32 @!p1 v0, $0x10  }
0x60: {  	v0 =	vand.u32 @!p1 $0xFFFF, v0;
	[tilespmem:$0x2810] =	vst @!p1 v1  }
0x61: {  	[tilespmem:$0x2910] =	vst @!p1 v0  }
0x62: {  	v0 =	vld @!p1 [tilespmem:s22+$0x120];
	_ =	sdelay $0x4  }
0x63: {  	v1 =	vshrl.u32 @!p1 v0, $0x10  }
0x64: {  	v0 =	vand.u32 @!p1 $0xFFFF, v0;
	[tilespmem:$0x2820] =	vst @!p1 v1  }
0x65: {  	[tilespmem:$0x2920] =	vst @!p1 v0  }
0x66: {  	v0 =	vld @!p1 [tilespmem:s22+$0x130];
	_ =	sdelay $0x4  }
0x67: {  	v1 =	vshrl.u32 @!p1 v0, $0x10  }
0x68: {  	v0 =	vand.u32 @!p1 $0xFFFF, v0;
	[tilespmem:$0x2830] =	vst @!p1 v1  }
0x69: {  	[tilespmem:$0x2930] =	vst @!p1 v0  }
0x6a: {  	v0 =	vld @!p1 [tilespmem:s22+$0x140];
	_ =	sdelay $0x4  }
0x6b: {  	v1 =	vshrl.u32 @!p1 v0, $0x10  }
0x6c: {  	v0 =	vand.u32 @!p1 $0xFFFF, v0;
	[tilespmem:$0x2840] =	vst @!p1 v1  }
0x6d: {  	[tilespmem:$0x2940] =	vst @!p1 v0  }
0x6e: {  	v0 =	vld @!p1 [tilespmem:s22+$0x150];
	_ =	sdelay $0x4  }
0x6f: {  	v1 =	vshrl.u32 @!p1 v0, $0x10  }
0x70: {  	v0 =	vand.u32 @!p1 $0xFFFF, v0;
	[tilespmem:$0x2850] =	vst @!p1 v1  }
0x71: {  	[tilespmem:$0x2950] =	vst @!p1 v0  }
0x72: {  	v0 =	vld @!p1 [tilespmem:s22+$0x160];
	_ =	sdelay $0x4  }
0x73: {  	v1 =	vshrl.u32 @!p1 v0, $0x10  }
0x74: {  	s23 =	simm.s32 @!p1 $0x2;
	s24 =	simm.s32 @!p1 $0x80;
	v0 =	vand.u32 @!p1 $0xFFFF, v0;
	[tilespmem:$0x2860] =	vst @!p1 v1  }
0x75: {  	s25 =	simm.s32 @!p1 $0x2800;
	s26 =	simm.s32 @!p1 $0x2A00;
	s21 =	simm.s32 $0x400;
	[tilespmem:$0x2960] =	vst @!p1 v0  }
.LBB2_2:
0x76: {  	v0 =	vld @!p1 [tilespmem:s22+$0x170];
	s22 =	smov.u32 s21;
	s21 =	sadd.s32 $0x400, s21  }
0x77: {  	p0 =	sne.s32 s21, $0xA000;
	_ =	sdelay $0x3  }
0x78: {  	v1 =	vshrl.u32 @!p1 v0, $0x10;
	v0 =	vand.u32 @!p1 $0xFFFF, v0  }
0x79: {  	[tilespmem:$0x2870] =	vst @!p1 v1  }
0x7a: {  	[tilespmem:$0x2970] =	vst @!p1 v0  }
0x7b: {  	_ =	swait.ge @!p1 [sflag:s23], $0x4000  }
0x7c: {  	[sflag:s23] =	ssyncset.done @!p1 $0x0  }
0x7d: {  	[sflag:s23] =	ssyncadd.s32 @!p1 $0xFFFFC000  }
0x7e: {  	[tilespmem:s26], [sflag:$0x1] =	stream.indirect.gather @!p1 [hbm4b:s4+s24], $0x80, s25, s24, $0xb8;
	[tilespmem:$0x1EA00] =	vst v63  }
0x7f: {  	_ = 	snop  }
0x80: {  	[spmem:s2] =	stream.indirect.scatter.add.f32 [tilespmem:s17], [sflag:$0x3], $0x80, s19, s12, $0xb8;
	[tilespmem:$0x1EA00] =	vst v63  }
0x81: {  	_ =	swait.ge [sflag:s9], $0x4000  }
0x82: {  	[sflag:s9] =	ssyncset.done $0x0  }
0x83: {  	s23 =	sshra.s32 s22, $0x2;
	[sflag:s9] =	ssyncadd.s32 $0xFFFFC000  }
0x84: {  	v0 =	vld [tilespmem:s23+$0x80];
	_ =	sdelay $0x4  }
0x85: {  	v1 =	vshrl.u32 v0, $0x10;
	v0 =	vand.u32 $0xFFFF, v0  }
0x86: {  	[tilespmem:$0x2880] =	vst v1  }
0x87: {  	[tilespmem:$0x2980] =	vst v0  }
0x88: {  	v0 =	vld [tilespmem:s23+$0x90];
	_ =	sdelay $0x4  }
0x89: {  	v1 =	vshrl.u32 v0, $0x10;
	v0 =	vand.u32 $0xFFFF, v0  }
0x8a: {  	[tilespmem:$0x2890] =	vst v1  }
0x8b: {  	[tilespmem:$0x2990] =	vst v0  }
0x8c: {  	v0 =	vld [tilespmem:s23+$0xA0];
	_ =	sdelay $0x4  }
0x8d: {  	v1 =	vshrl.u32 v0, $0x10;
	v0 =	vand.u32 $0xFFFF, v0  }
0x8e: {  	[tilespmem:$0x28A0] =	vst v1  }
0x8f: {  	[tilespmem:$0x29A0] =	vst v0  }
0x90: {  	v0 =	vld [tilespmem:s23+$0xB0];
	_ =	sdelay $0x4  }
0x91: {  	v1 =	vshrl.u32 v0, $0x10;
	v0 =	vand.u32 $0xFFFF, v0  }
0x92: {  	[tilespmem:$0x28B0] =	vst v1  }
0x93: {  	[tilespmem:$0x29B0] =	vst v0  }
0x94: {  	v0 =	vld [tilespmem:s23+$0xC0];
	_ =	sdelay $0x4  }
0x95: {  	v1 =	vshrl.u32 v0, $0x10;
	v0 =	vand.u32 $0xFFFF, v0  }
0x96: {  	[tilespmem:$0x28C0] =	vst v1  }
0x97: {  	[tilespmem:$0x29C0] =	vst v0  }
0x98: {  	v0 =	vld [tilespmem:s23+$0xD0];
	_ =	sdelay $0x4  }
0x99: {  	v1 =	vshrl.u32 v0, $0x10;
	v0 =	vand.u32 $0xFFFF, v0  }
0x9a: {  	[tilespmem:$0x28D0] =	vst v1  }
0x9b: {  	[tilespmem:$0x29D0] =	vst v0  }
0x9c: {  	v0 =	vld [tilespmem:s23+$0xE0];
	_ =	sdelay $0x4  }
0x9d: {  	v1 =	vshrl.u32 v0, $0x10;
	v0 =	vand.u32 $0xFFFF, v0  }
0x9e: {  	[tilespmem:$0x28E0] =	vst v1  }
0x9f: {  	[tilespmem:$0x29E0] =	vst v0  }
0xa0: {  	v0 =	vld [tilespmem:s23+$0xF0];
	_ =	sdelay $0x4  }
0xa1: {  	v1 =	vshrl.u32 v0, $0x10;
	v0 =	vand.u32 $0xFFFF, v0  }
0xa2: {  	[tilespmem:$0x28F0] =	vst v1  }
0xa3: {  	p1 =	seq.s32 s22, $0x9C00;
	[tilespmem:$0x29F0] =	vst v0  }
0xa4: {  	s23 =	simm.s32 @p1 $0x2;
	_ =	swait.ge [sflag:s15], $0x4000  }
0xa5: {  	[sflag:s15] =	ssyncset.done $0x0  }
0xa6: {  	s22 =	sshra.s32 @!p1 s22, $0x2;
	[sflag:s15] =	ssyncadd.s32 $0xFFFFC000  }
0xa7: {  	[tilespmem:s17], [sflag:$0x2] =	stream.indirect.gather [hbm4b:s4+s12], $0x80, s16, s12, $0xb8;
	[tilespmem:$0x1EA00] =	vst v63  }
0xa8: {  	_ = 	snop  }
0xa9: {  	[spmem:s2] =	stream.indirect.scatter.add.f32 [tilespmem:s14], [sflag:$0x3], $0x80, s18, s12, $0xb8;
	[tilespmem:$0x1EA00] =	vst v63  }
0xaa: {  	_ =	swait.ge [sflag:s9], $0x4000  }
0xab: {  	[sflag:s9] =	ssyncset.done $0x0  }
0xac: {  	[sflag:s9] =	ssyncadd.s32 $0xFFFFC000  }
0xad: {  	_ =	swait.ge @p1 [sflag:s23], $0x4000  }
0xae: {  	[sflag:s23] =	ssyncset.done @p1 $0x0  }
0xaf: {  	[sflag:s23] =	ssyncadd.s32 @p1 $0xFFFFC000  }
0xb0: {  	v0 =	vld @!p1 [tilespmem:s22+$0x100];
	_ =	sdelay $0x4  }
0xb1: {  	v1 =	vshrl.u32 @!p1 v0, $0x10;
	v0 =	vand.u32 @!p1 $0xFFFF, v0  }
0xb2: {  	[tilespmem:$0x2800] =	vst @!p1 v1  }
0xb3: {  	[tilespmem:$0x2900] =	vst @!p1 v0  }
0xb4: {  	v0 =	vld @!p1 [tilespmem:s22+$0x110];
	_ =	sdelay $0x4  }
0xb5: {  	v1 =	vshrl.u32 @!p1 v0, $0x10;
	v0 =	vand.u32 @!p1 $0xFFFF, v0  }
0xb6: {  	[tilespmem:$0x2810] =	vst @!p1 v1  }
0xb7: {  	[tilespmem:$0x2910] =	vst @!p1 v0  }
0xb8: {  	v0 =	vld @!p1 [tilespmem:s22+$0x120];
	_ =	sdelay $0x4  }
0xb9: {  	v1 =	vshrl.u32 @!p1 v0, $0x10;
	v0 =	vand.u32 @!p1 $0xFFFF, v0  }
0xba: {  	[tilespmem:$0x2820] =	vst @!p1 v1  }
0xbb: {  	[tilespmem:$0x2920] =	vst @!p1 v0  }
0xbc: {  	v0 =	vld @!p1 [tilespmem:s22+$0x130];
	_ =	sdelay $0x4  }
0xbd: {  	v1 =	vshrl.u32 @!p1 v0, $0x10;
	v0 =	vand.u32 @!p1 $0xFFFF, v0  }
0xbe: {  	[tilespmem:$0x2830] =	vst @!p1 v1  }
0xbf: {  	[tilespmem:$0x2930] =	vst @!p1 v0  }
0xc0: {  	v0 =	vld @!p1 [tilespmem:s22+$0x140];
	_ =	sdelay $0x4  }
0xc1: {  	v1 =	vshrl.u32 @!p1 v0, $0x10;
	v0 =	vand.u32 @!p1 $0xFFFF, v0  }
0xc2: {  	[tilespmem:$0x2840] =	vst @!p1 v1  }
0xc3: {  	[tilespmem:$0x2940] =	vst @!p1 v0  }
0xc4: {  	v0 =	vld @!p1 [tilespmem:s22+$0x150];
	_ =	sdelay $0x4  }
0xc5: {  	v1 =	vshrl.u32 @!p1 v0, $0x10;
	v0 =	vand.u32 @!p1 $0xFFFF, v0  }
0xc6: {  	[tilespmem:$0x2850] =	vst @!p1 v1  }
0xc7: {  	s23 =	simm.s32 @!p1 $0x2;
	[tilespmem:$0x2950] =	vst @!p1 v0  }
0xc8: {  	v0 =	vld @!p1 [tilespmem:s22+$0x160];
	_ =	sdelay $0x1  }
0xc9: {  	s24 =	simm.s32 @!p1 $0x80;
	s25 =	simm.s32 @!p1 $0x2800;
	s26 =	simm.s32 @!p1 $0x2A00  }
.Ltmp0:
0xca: {  	(pc) =	sbr.rel @p0 .LBB2_2-.Ltmp0, $4  }
0xcb: {  	_ = 	snop  }
0xcc: {  	v1 =	vshrl.u32 @!p1 v0, $0x10;
	v0 =	vand.u32 @!p1 $0xFFFF, v0  }
0xcd: {  	[tilespmem:$0x2860] =	vst @!p1 v1  }
0xce: {  	[tilespmem:$0x2960] =	vst @!p1 v0  }
0xcf: {  	v0 =	vld @!p1 [tilespmem:s22+$0x170];
	_ =	sdelay $0x4  }
0xd0: {  	v1 =	vshrl.u32 @!p1 v0, $0x10  }
0xd1: {  	v0 =	vand.u32 @!p1 $0xFFFF, v0;
	[tilespmem:$0x2870] =	vst @!p1 v1  }
0xd2: {  	[tilespmem:$0x2970] =	vst @!p1 v0  }
0xd3: {  	_ =	swait.ge @!p1 [sflag:s23], $0x4000  }
0xd4: {  	[sflag:s23] =	ssyncset.done @!p1 $0x0  }
0xd5: {  	[sflag:s23] =	ssyncadd.s32 @!p1 $0xFFFFC000  }
0xd6: {  	[tilespmem:s26], [sflag:$0x1] =	stream.indirect.gather @!p1 [hbm4b:s4+s24], $0x80, s25, s24, $0xb8;
	[tilespmem:$0x1EA00] =	vst v63  }
0xd7: {  	_ = 	snop  }
0xd8: {  	[spmem:s2] =	stream.indirect.scatter.add.f32 [tilespmem:s17], [sflag:$0x3], $0x80, s19, s12, $0xb8;
	[tilespmem:$0x1EA00] =	vst v63  }
0xd9: {  	_ =	swait.ge [sflag:s9], $0x4000  }
0xda: {  	s20 =	sadd.s32 $0x1, s20;
	[sflag:s9] =	ssyncset.done $0x0  }
0xdb: {  	p0 =	sne.s32 s20, s8;
	[sflag:s9] =	ssyncadd.s32 $0xFFFFC000  }
.Ltmp1:
0xdc: {  	[bflag:$0x0] =	sbarrier.arrive $0xFFFF;
	(pc) =	sbr.rel @p0 .LBB2_1-.Ltmp1, $4  }
0xdd: {  	[hbm:s7], [sflag:s10] =	dma.local [spmem:s11], $0x2800  }
0xde: {  	_ =	swait.ge [sflag:s9], $0x2800  }
0xdf: {  	[sflag:s9] =	ssyncset.done $0x0  }
0xe0: {  	[sflag:s9] =	ssyncadd.s32 $0xFFFFD800  }
0xe1: {  	_ =	sfence.sel $0x180000  }
0xe2: {  	[bflag:$0x0] =	sbarrier.arrive $0xFFFF  }
0xe3: {  	p0 =	sne.s32 s0, $0x0;
	_ =	strace $0x9000004D  }
0xe4: {  	s0 =	sadd.s32 @!p0 $0x100000, s1;
	[bflag:$0x2] =	sbarrier.arrive $0xFFFF  }
0xe5: {  	[sflag:s0] =	ssyncadd.tile.s32 @!p0 $0x1;
	_ =	shalt  }
.Lfunc_end2:
_tile_overlayer_lowered:
.L_overlay_start_2:
0xe6: {  	(tag) =	ssettag $0x2  }
0xe7: {  	s0 =	rddreg [dreg:$0x0];
	s2 =	stileid.u32  }
0xe8: {  	s1 =	rddreg [dreg:$0x1];
	p0 =	sne.s32 s2, $0x0  }
0xe9: {  	s3 =	rddreg [dreg:$0x2];
	[bflag:$0x3] =	sbarrier.arrive $0xFFFF;
	s2 =	simm.s32 @!p0 $0x1C03  }
0xea: {  	[timem:s3], [sflag:s2] =	dma.local @!p0 [hbm:s0], s1  }
0xeb: {  	s0 =	simm.s32 @!p0 $0x3  }
0xec: {  	_ =	swait.ge @!p0 [sflag:s0], s1  }
0xed: {  	s1 =	ssub.s32 @!p0 $0x0, s1;
	[sflag:s0] =	ssyncset.done @!p0 $0x0  }
0xee: {  	[sflag:s0] =	ssyncadd.s32 @!p0 s1  }
0xef: {  	[bflag:$0x3] =	sbarrier.arrive $0xFFFF  }
0xf0: {  	_ =	shalt  }

// kernel: kernel.9.cloned.1.call-start
scs
__scs_entry_jumppad:
0x0: {  	(pc) =	sbr.rel $0x88, $3  }
0x1: {  	(tag) =	ssettag $0x0;
	lr =	simm.s32 $0x1  }
0x2: {  	[smem:$0x3F93] =	sst lr;
	_ =	strace $0xD0000000  }
0x3: {  	_ = 	snop  }
0x4: {  	_ = 	snop  }
0x5: {  	_ = 	snop  }
0x6: {  	_ = 	snop  }
0x7: {  	_ = 	snop  }
__scs_overlays_trampoline_lowered:
0x8: {  	[smem:$0x3FA2] =	sst s0  }
0x9: {  	[smem:$0x3FA3] =	sst s1  }
0xa: {  	[smem:$0x3FA4] =	sst s2  }
0xb: {  	[smem:$0x3FA5] =	sst s3  }
0xc: {  	[smem:$0x3FA6] =	sst s4  }
0xd: {  	[smem:$0x3FA7] =	sst s5  }
0xe: {  	[smem:$0x3FA8] =	sst s6  }
0xf: {  	[smem:$0x3FA9] =	sst s7  }
0x10: {  	[smem:$0x3FAA] =	sst s8  }
0x11: {  	[smem:$0x3FAB] =	sst s9;
	s0 =	simm.s32 @!p0 $0x0  }
0x12: {  	s1 =	sld [smem:$0x3F91];
	s0 =	simm.s32 @p0 $0x1  }
0x13: {  	[smem:$0x3FAC] =	sst s0;
	s0 =	simm.s32 @!p1 $0x0  }
0x14: {  	s2 =	sld [smem:$0x3F90];
	s0 =	simm.s32 @p1 $0x1  }
0x15: {  	[smem:$0x3FAD] =	sst s0;
	s0 =	simm.s32 @!p2 $0x0  }
0x16: {  	s3 =	sld [smem:$0x3FDB];
	s0 =	simm.s32 @p2 $0x1  }
0x17: {  	s4 =	simm.s32 $0x1BF5;
	[smem:$0x3FAF] =	sst s0  }
0x18: {  	s0 =	sld [smem:$0x3F92];
	_ =	swait.ge [sflag:s4], $0x0  }
0x19: {  	s7 =	sld [smem:$0x3F93]  }
0x1a: {  	s8 =	sadd.s32 $0xFFFFE003, lr  }
0x1b: {  	s9 =	sadd.s32 $0xFFFFFEF7, lr;
	s5 =	simm.s32 $0xFFFFFFFF;
	p2 =	slt.u32 s8, $0xFFFFF086  }
0x1c: {  	p1 =	slt.u32 s9, $0xF7A;
	s5 =	simm.s32 @!p2 $0x0  }
0x1d: {  	s5 =	simm.s32 @p1 $0x1;
	p0 =	seq.s32 s7, s2  }
0x1e: {  	s7 =	smul.u32 @!p0 $0xF7A, s2;
	p2 =	seq.s32 @!p0 s5, $0x0  }
0x1f: {  	s9 =	smul.u32 $0xF7A, s1;
	s8 =	simm.s32 @!p0 $0x1BF5;
	p2 =	por !p2, p0  }
0x20: {  	[sflag:s8] =	ssyncset.s32 @!p0 $0xFFFFF086;
	s6 =	sadd.s32 @!p0 s3, s7;
	s7 =	simm.s32 @!p0 $0x108  }
0x21: {  	s3 =	sadd.s32 s3, s9;
	s6 =	sadd.s32 @!p0 $0x88, s6;
	s7 =	simm.s32 @p2 $0x1082  }
0x22: {  	[simem:s7], [sflag:s8] =	dma.local @!p0 [hbm:s6], $0xF7A  }
0x23: {  	s9 =	sor.u32 $0xD0000000, s2;
	s6 =	simm.s32 $0x108;
	_ =	swait.ge @!p0 [sflag:s8], $0x0  }
0x24: {  	s3 =	sadd.s32 $0x88, s3;
	s6 =	simm.s32 @!p1 $0x1082;
	[sflag:s4] =	ssyncset.s32 $0xFFFFF086  }
0x25: {  	[simem:s6], [sflag:s4] =	dma.local [hbm:s3], $0xF7A  }
0x26: {  	[smem:$0x3F93] =	sst s1;
	(tag) =	ssettag s2;
	_ =	strace s9  }
0x27: {  	s1 =	sld [smem:$0x3FA3]  }
0x28: {  	s2 =	sld [smem:$0x3FA4]  }
0x29: {  	s4 =	sld [smem:$0x3FA6]  }
0x2a: {  	p0 =	seq.s32 s5, $0x0;
	s5 =	sld [smem:$0x3FA7]  }
0x2b: {  	s6 =	sld [smem:$0x3FA8]  }
0x2c: {  	s7 =	sld [smem:$0x3FA9]  }
0x2d: {  	s3 =	simm.s32 $0x108;
	s8 =	sld [smem:$0x3FAA]  }
0x2e: {  	s3 =	simm.s32 @!p0 $0x1082;
	s9 =	sld [smem:$0x3FAB]  }
0x2f: {  	lr =	sadd.s32 s0, s3;
	s0 =	sld [smem:$0x3FA2]  }
0x30: {  	s3 =	sld [smem:$0x3FA5]  }
0x31: {  	[smem:$0x3FAE] =	sst s10  }
0x32: {  	s10 =	sld [smem:$0x3FAC];
	_ =	sdelay $0x3  }
0x33: {  	p0 =	seq.s32 s10, $0x1;
	s10 =	sld [smem:$0x3FAE];
	_ =	sdelay $0x3  }
0x34: {  	[smem:$0x3FAE] =	sst s10  }
0x35: {  	s10 =	sld [smem:$0x3FAD];
	_ =	sdelay $0x3  }
0x36: {  	p1 =	seq.s32 s10, $0x1;
	s10 =	sld [smem:$0x3FAE];
	_ =	sdelay $0x3  }
0x37: {  	[smem:$0x3FAE] =	sst s10  }
0x38: {  	s10 =	sld [smem:$0x3FAF]  }
0x39: {  	_ = 	snop;
	(pc) =	sbr.ind lr, $3  }
0x3a: {  	_ = 	snop  }
0x3b: {  	_ = 	snop  }
0x3c: {  	p2 =	seq.s32 s10, $0x1;
	s10 =	sld [smem:$0x3FAE]  }
0x3d: {  	_ =	shalt  }
0x3e: {  	_ =	shalt  }
0x3f: {  	_ =	shalt  }
0x40: {  	_ =	shalt  }
0x41: {  	_ =	shalt  }
0x42: {  	_ =	shalt  }
0x43: {  	_ =	shalt  }
0x44: {  	_ =	shalt  }
0x45: {  	_ =	shalt  }
0x46: {  	_ =	shalt  }
0x47: {  	_ =	shalt  }
0x48: {  	_ =	shalt  }
0x49: {  	_ =	shalt  }
0x4a: {  	_ =	shalt  }
0x4b: {  	_ =	shalt  }
0x4c: {  	_ =	shalt  }
0x4d: {  	_ =	shalt  }
0x4e: {  	_ =	shalt  }
0x4f: {  	_ =	shalt  }
0x50: {  	_ =	shalt  }
0x51: {  	_ =	shalt  }
0x52: {  	_ =	shalt  }
0x53: {  	_ =	shalt  }
0x54: {  	_ =	shalt  }
0x55: {  	_ =	shalt  }
0x56: {  	_ =	shalt  }
0x57: {  	_ =	shalt  }
0x58: {  	_ =	shalt  }
0x59: {  	_ =	shalt  }
0x5a: {  	_ =	shalt  }
0x5b: {  	_ =	shalt  }
0x5c: {  	_ =	shalt  }
0x5d: {  	_ =	shalt  }
0x5e: {  	_ =	shalt  }
0x5f: {  	_ =	shalt  }
0x60: {  	_ =	shalt  }
0x61: {  	_ =	shalt  }
0x62: {  	_ =	shalt  }
0x63: {  	_ =	shalt  }
0x64: {  	_ =	shalt  }
0x65: {  	_ =	shalt  }
0x66: {  	_ =	shalt  }
0x67: {  	_ =	shalt  }
0x68: {  	_ =	shalt  }
0x69: {  	_ =	shalt  }
0x6a: {  	_ =	shalt  }
0x6b: {  	_ =	shalt  }
0x6c: {  	_ =	shalt  }
0x6d: {  	_ =	shalt  }
0x6e: {  	_ =	shalt  }
0x6f: {  	_ =	shalt  }
0x70: {  	_ =	shalt  }
0x71: {  	_ =	shalt  }
0x72: {  	_ =	shalt  }
0x73: {  	_ =	shalt  }
0x74: {  	_ =	shalt  }
0x75: {  	_ =	shalt  }
0x76: {  	_ =	shalt  }
0x77: {  	_ =	shalt  }
0x78: {  	_ =	shalt  }
0x79: {  	_ =	shalt  }
0x7a: {  	_ =	shalt  }
0x7b: {  	_ =	shalt  }
0x7c: {  	_ =	shalt  }
0x7d: {  	_ =	shalt  }
0x7e: {  	_ =	shalt  }
0x7f: {  	_ =	shalt  }
0x80: {  	_ =	shalt  }
0x81: {  	_ =	shalt  }
0x82: {  	_ =	shalt  }
0x83: {  	_ =	shalt  }
0x84: {  	_ =	shalt  }
0x85: {  	_ =	shalt  }
0x86: {  	_ =	shalt  }
0x87: {  	_ =	shalt  }
.Lfunc_end0:
.L_simem_size_0:
called_computation_lowered:
.L_overlay_start_0:
0x88: {  	s2 =	sld [smem:$0x3FD9]  }
0x89: {  	s3 =	sld [smem:$0x3FFE];
	_ =	sdelay $0x1  }
0x8a: {  	s1 =	srdreg.scid  }
0x8b: {  	s0 =	sand.u32 $0x1, s1  }
0x8c: {  	s17 =	sshll.u32 s0, $0xA;
	s2 =	sadd.s32 s3, s2  }
0x8d: {  	s2 =	sadd.s32 s2, s17  }
0x8e: {  	[smem:$0x3FBA] =	sst s2  }
0x8f: {  	_ = 	snop  }
0x90: {  	s2 =	sld [smem:$0x3FD0];
	(tm) =	ssettm $0x1  }
0x91: {  	s18 =	sld [smem:$0x3FFB];
	_ =	sdelay $0x3  }
0x92: {  	_ =	strace s18  }
0x93: {  	s3 =	sld [smem:$0x3FFC];
	_ =	sdelay $0x3  }
0x94: {  	_ =	strace s3  }
0x95: {  	s3 =	sld [smem:$0x3FFD];
	_ =	sdelay $0x3  }
0x96: {  	_ =	strace s3  }
0x97: {  	_ =	strace $0x8FFFFFFF  }
0x98: {  	s19 =	sld [smem:$0x3FDB];
	_ =	sdelay $0x1  }
0x99: {  	s4 =	simm.s32 $_scs_section_size  }
0x9a: {  	s5 =	simm.s32 $_size__tile_overlayer_lowered;
	s6 =	simm.s32 $_tile_overlayer_lowered  }
0x9b: {  	s22 =	simm.s32 $0x1BFF;
	s21 =	sshll.u32 s6, $0x1;
	s3 =	sadd.s32 s4, s19  }
0x9c: {  	s7 =	simm.s32 $0x0;
	s20 =	sshll.u32 s5, $0x1;
	s5 =	sadd.s32 s21, s3  }
0x9d: {  	[timem:s7], [sflag:s22] =	dma.local [hbm:s5], s20  }
0x9e: {  	_ =	swait.ge [sflag:s22], s20  }
0x9f: {  	s4 =	ssub.s32 $0x0, s20;
	[sflag:s22] =	ssyncset.done $0x0  }
0xa0: {  	[sflag:s22] =	ssyncadd.s32 s4;
	_ =	sdelay $0x1  }
0xa1: {  	s23 =	simm.s32 $0x1B8B  }
0xa2: {  	_ =	swait.ge [sflag:s23], $0x1  }
0xa3: {  	[sflag:s23] =	ssyncset.done $0x0  }
0xa4: {  	s25 =	simm.s32 $0x1B8E;
	s24 =	sld [smem:$0x3FFE];
	[sflag:s23] =	ssyncadd.s32 $0xFFFFFFFF  }
0xa5: {  	s26 =	simm.s32 $execute0_lowered;
	[smem:$0x3FD2] =	sst s25  }
0xa6: {  	s5 =	sshll.u32 s26, $0x1;
	_ =	strace $0x80000046;
	[dreg:$0x1] =	wrdreg $0xFFFFFFFF  }
0xa7: {  	s28 =	simm.s32 $_size_execute0_lowered;
	s3 =	sadd.s32 s3, s5;
	[dreg:$0x0] =	wrdreg $0x0  }
0xa8: {  	s5 =	sshll.u32 s28, $0x1;
	[dreg:$0x2] =	wrdreg s3  }
0xa9: {  	[dreg:$0x3] =	wrdreg s5  }
0xaa: {  	[dreg:$0x4] =	wrdreg $0xC0  }
0xab: {  	_ =	task [dreg:s7], $0x5FFFF  }
0xac: {  	[dreg:$0x1] =	wrdreg $0xFFFFFFFF  }
0xad: {  	[dreg:$0x0] =	wrdreg $0x60  }
0xae: {  	[dreg:$0x2] =	wrdreg s24  }
0xaf: {  	[dreg:$0x3] =	wrdreg s2  }
0xb0: {  	[dreg:$0x4] =	wrdreg $0x50800  }
0xb1: {  	[dreg:$0x5] =	wrdreg $0x53000  }
0xb2: {  	[dreg:$0x6] =	wrdreg $0x9  }
0xb3: {  	_ =	task.clear_ibuf [dreg:s7], $0x7FFFF;
	_ =	strace $0x90000046  }
0xb4: {  	s29 =	simm.s32 $0x9;
	_ =	strace $0x80000048  }
0xb5: {  	_ =	swait.ge [sflag:s29], $0x1  }
0xb6: {  	[sflag:s29] =	ssyncadd.s32 $0xFFFFFFFF  }
0xb7: {  	_ =	strace $0x90000048  }
0xb8: {  	_ =	sfence  }
0xb9: {  	s30 =	sld [smem:$0x0];
	_ =	sdelay $0x2  }
0xba: {  	s31 =	sshll.u32 s1, $0xD;
	s1 =	sshrl.u32 s1, $0x2  }
0xbb: {  	s3 =	sand.u32 $0x4000, s31;
	s1 =	sadd.s32 s1, s30  }
0xbc: {  	s0 =	sor.u32 s3, s0;
	s1 =	sshll.u32 s1, $0x11  }
0xbd: {  	s0 =	sor.u32 s1, s0  }
0xbe: {  	s0 =	sadd.s32 $0x8F2B, s0  }
0xbf: {  	[sflag:s0] =	ssyncadd.remote.s32 $0x1  }
0xc0: {  	_ =	sfence.sel $0xFFFF  }
0xc1: {  	[dreg:$0x0] =	wrdreg $0xFFFFFFFF;
	(pc) =	sbr.abs _section_cstart, $3  }
0xc2: {  	[dreg:$0x1] =	wrdreg $0xFFFFFFFF  }
0xc3: {  	_ =	task.clear_ibuf [dreg:s7], $0x2FFFF;
	_ =	strace $0x9FFFFFFF  }
0xc4: {  	(tm) =	ssettm $0x7FFFFFFF  }
0xc5: {  	_ =	shalt  }
tec
execute0_lowered:
.L_overlay_start_1:
0x0: {  	(tag) =	ssettag $0x1  }
0x1: {  	s6 =	rddreg [dreg:$0x0]  }
0x2: {  	s0 =	srdreg.scid;
	s2 =	rddreg [dreg:$0x2]  }
0x3: {  	s24 =	stileid.u32;
	s3 =	rddreg [dreg:$0x3]  }
0x4: {  	s4 =	simm.s32 $0x0;
	s15 =	simm.s32 $0x1C43;
	s16 =	simm.s32 $0x80  }
0x5: {  	s17 =	simm.s32 $0x1;
	s18 =	simm.s32 $0x2;
	s21 =	simm.s32 $0x20  }
0x6: {  	s22 =	simm.s32 $0x10;
	s7 =	sand.u32 $0x1, s0;
	s0 =	rddreg [dreg:$0x1]  }
0x7: {  	s25 =	simm.s32 $0x0;
	[smem:$0x7FF] =	sst s4;
	s9 =	smul.u32 $0x500, s24  }
0x8: {  	s11 =	smul.u32 $0x280, s24;
	p0 =	seq.s32 s24, $0x1;
	s14 =	sshrl.u32 s3, $0x3  }
0x9: {  	s19 =	sshll.u32 s24, $0x6;
	p1 =	sne.s32 s24, $0x0;
	s1 =	sshll.u32 s7, $0x4  }
0xa: {  	s8 =	smul.u32 $0x5000, s7;
	s7 =	ssub.s32 $0x2, s7;
	s19 =	sor.u32 $0x1C03, s19  }
0xb: {  	s1 =	sor.u32 s24, s1;
	s31 =	sshrl.u32 s7, $0x1;
	s20 =	sadd.s32 s11, s2  }
0xc: {  	s23 =	sadd.s32 s11, s3;
	s11 =	simm.s32 $0x5000;
	s24 =	simm.s32 $0x1C03  }
0xd: {  	s5 =	smul.u32 $0x500, s1;
	s1 =	rddreg [dreg:$0x4];
	_ =	strace $0x80000047  }
0xe: {  	s8 =	sadd.s32 s9, s8;
	s13 =	ssub.s32 s7, s31;
	s20 =	sshrl.u32 s20, $0x3  }
0xf: {  	s23 =	sshrl.u32 s23, $0x3;
	s8 =	sshrl.u32 s8, $0x3;
	s10 =	sadd.s32 s5, s6  }
0x10: {  	s5 =	sadd.s32 $0x21400, s6;
	s12 =	sadd.s32 s8, s6;
	s6 =	sadd.s32 $0xD400, s10  }
0x11: {  	s7 =	sadd.s32 $0x3400, s10;
	s8 =	sadd.s32 $0x21A00, s12;
	s9 =	sadd.s32 $0x21A10, s12  }
0x12: {  	s10 =	smax.u32 s13, $0x1;
	s12 =	simm.s32 $0x3;
	s13 =	simm.s32 $0x2800  }
.LBB2_1:
0x13: {  	[tilespmem:s11], [sflag:$0x3] =	stream.linear.gather [hbm4b:s0+s4], $0x80, $0x38;
	[tilespmem:$0x5580] =	vst v63  }
0x14: {  	_ =	swait.ge [sflag:s12], $0x80  }
0x15: {  	[sflag:s12] =	ssyncset.done $0x0  }
0x16: {  	[sflag:s12] =	ssyncadd.s32 $0xFFFFFF80  }
0x17: {  	[tilespmem:s4], [sflag:$0x3] =	stream.linear.gather [hbm4b:s6+s4], $0x2800, $0x38;
	[tilespmem:$0x5580] =	vst v63  }
0x18: {  	_ =	swait.ge [sflag:s12], $0x2800  }
0x19: {  	[sflag:s12] =	ssyncset.done $0x0  }
.Ltmp0:
0x1a: {  	[sflag:s12] =	ssyncadd.s32 $0xFFFFD800;
	(pc) =	sbr.rel @p0 .LBB2_4-.Ltmp0, $4  }
0x1b: {  	[tilespmem:s13], [sflag:$0x3] =	stream.linear.gather [hbm4b:s7+s4], $0x2800, $0x38;
	[tilespmem:$0x5580] =	vst v63  }
0x1c: {  	_ =	swait.ge [sflag:s12], $0x2800  }
0x1d: {  	[sflag:s12] =	ssyncset.done $0x0  }
0x1e: {  	[sflag:s12] =	ssyncadd.s32 $0xFFFFD800  }
.Ltmp1:
0x1f: {  	(pc) =	sbr.rel @p1 .LBB2_6-.Ltmp1, $1  }
0x20: {  	_ =	sdelay $0x3  }
.Ltmp2:
0x21: {  	(pc) =	sbr.rel .LBB2_5-.Ltmp2, $3  }
0x22: {  	_ =	sdelay $0x1  }
0x23: {  	s26 =	sshrl.u32 s2, $0x3  }
0x24: {  	[spmem:s26], [sflag:s24] =	dma.local [hbm:s5], $0x500  }
.LBB2_4:
0x25: {  	[spmem:s14], [sflag:s15] =	dma.local [hbm:s5], $0x500  }
.LBB2_5:
0x26: {  	_ =	swait.ge [sflag:s12], $0x500  }
0x27: {  	[sflag:s12] =	ssyncset.done $0x0  }
0x28: {  	[sflag:s12] =	ssyncadd.s32 $0xFFFFFB00  }
.LBB2_6:
0x29: {  	[bflag:$0x0] =	sbarrier.arrive $0xFFFF;
	s26 =	simm.s32 $0x0  }
0x2a: {  	[spmem:s2] =	stream.indirect.scatter.add.f32 [tilespmem:s11], [sflag:$0x1], $0x1, s26, s16, $0xb8;
	[tilespmem:$0x5580] =	vst v63  }
0x2b: {  	s28 =	simm.s32 $0x2800  }
0x2c: {  	[spmem:s3] =	stream.indirect.scatter.add.f32 [tilespmem:s11], [sflag:$0x2], $0x1, s28, s16, $0xb8;
	[tilespmem:$0x5580] =	vst v63  }
0x2d: {  	s29 =	simm.s32 $0x80  }
0x2e: {  	[spmem:s2] =	stream.indirect.scatter.add.f32 [tilespmem:s11], [sflag:$0x1], $0x1, s29, s16, $0xb8;
	[tilespmem:$0x5580] =	vst v63  }
0x2f: {  	s31 =	simm.s32 $0x2880  }
0x30: {  	[spmem:s3] =	stream.indirect.scatter.add.f32 [tilespmem:s11], [sflag:$0x2], $0x1, s31, s16, $0xb8;
	[tilespmem:$0x5580] =	vst v63  }
0x31: {  	s28 =	simm.s32 $0x100  }
0x32: {  	[spmem:s2] =	stream.indirect.scatter.add.f32 [tilespmem:s11], [sflag:$0x1], $0x1, s28, s16, $0xb8;
	[tilespmem:$0x5580] =	vst v63  }
0x33: {  	s29 =	simm.s32 $0x2900  }
0x34: {  	[spmem:s3] =	stream.indirect.scatter.add.f32 [tilespmem:s11], [sflag:$0x2], $0x1, s29, s16, $0xb8;
	[tilespmem:$0x5580] =	vst v63  }
0x35: {  	s31 =	simm.s32 $0x180  }
0x36: {  	[spmem:s2] =	stream.indirect.scatter.add.f32 [tilespmem:s11], [sflag:$0x1], $0x1, s31, s16, $0xb8;
	[tilespmem:$0x5580] =	vst v63  }
0x37: {  	s28 =	simm.s32 $0x2980  }
0x38: {  	[spmem:s3] =	stream.indirect.scatter.add.f32 [tilespmem:s11], [sflag:$0x2], $0x1, s28, s16, $0xb8;
	[tilespmem:$0x5580] =	vst v63  }
0x39: {  	s29 =	simm.s32 $0x200  }
0x3a: {  	[spmem:s2] =	stream.indirect.scatter.add.f32 [tilespmem:s11], [sflag:$0x1], $0x1, s29, s16, $0xb8;
	[tilespmem:$0x5580] =	vst v63  }
0x3b: {  	s31 =	simm.s32 $0x2A00  }
0x3c: {  	[spmem:s3] =	stream.indirect.scatter.add.f32 [tilespmem:s11], [sflag:$0x2], $0x1, s31, s16, $0xb8;
	[tilespmem:$0x5580] =	vst v63  }
0x3d: {  	s28 =	simm.s32 $0x280  }
0x3e: {  	[spmem:s2] =	stream.indirect.scatter.add.f32 [tilespmem:s11], [sflag:$0x1], $0x1, s28, s16, $0xb8;
	[tilespmem:$0x5580] =	vst v63  }
0x3f: {  	s29 =	simm.s32 $0x2A80  }
0x40: {  	[spmem:s3] =	stream.indirect.scatter.add.f32 [tilespmem:s11], [sflag:$0x2], $0x1, s29, s16, $0xb8;
	[tilespmem:$0x5580] =	vst v63  }
0x41: {  	s31 =	simm.s32 $0x300  }
0x42: {  	[spmem:s2] =	stream.indirect.scatter.add.f32 [tilespmem:s11], [sflag:$0x1], $0x1, s31, s16, $0xb8;
	[tilespmem:$0x5580] =	vst v63  }
0x43: {  	s28 =	simm.s32 $0x2B00  }
0x44: {  	[spmem:s3] =	stream.indirect.scatter.add.f32 [tilespmem:s11], [sflag:$0x2], $0x1, s28, s16, $0xb8;
	[tilespmem:$0x5580] =	vst v63  }
0x45: {  	s29 =	simm.s32 $0x380  }
0x46: {  	[spmem:s2] =	stream.indirect.scatter.add.f32 [tilespmem:s11], [sflag:$0x1], $0x1, s29, s16, $0xb8;
	[tilespmem:$0x5580] =	vst v63  }
0x47: {  	s31 =	simm.s32 $0x2B80  }
0x48: {  	[spmem:s3] =	stream.indirect.scatter.add.f32 [tilespmem:s11], [sflag:$0x2], $0x1, s31, s16, $0xb8;
	[tilespmem:$0x5580] =	vst v63  }
0x49: {  	_ =	swait.ge [sflag:s17], $0x80  }
0x4a: {  	[sflag:s17] =	ssyncset.done $0x0  }
0x4b: {  	[sflag:s17] =	ssyncadd.s32 $0xFFFFFF80  }
0x4c: {  	_ =	swait.ge [sflag:s18], $0x80  }
0x4d: {  	[sflag:s18] =	ssyncset.done $0x0  }
0x4e: {  	[sflag:s18] =	ssyncadd.s32 $0xFFFFFF80  }
0x4f: {  	_ =	swait.ge [sflag:s17], $0x80  }
0x50: {  	[sflag:s17] =	ssyncset.done $0x0  }
0x51: {  	[sflag:s17] =	ssyncadd.s32 $0xFFFFFF80  }
0x52: {  	_ =	swait.ge [sflag:s18], $0x80  }
0x53: {  	[sflag:s18] =	ssyncset.done $0x0  }
0x54: {  	[sflag:s18] =	ssyncadd.s32 $0xFFFFFF80  }
0x55: {  	_ =	swait.ge [sflag:s17], $0x80  }
0x56: {  	[sflag:s17] =	ssyncset.done $0x0  }
0x57: {  	[sflag:s17] =	ssyncadd.s32 $0xFFFFFF80  }
0x58: {  	_ =	swait.ge [sflag:s18], $0x80  }
0x59: {  	[sflag:s18] =	ssyncset.done $0x0  }
0x5a: {  	[sflag:s18] =	ssyncadd.s32 $0xFFFFFF80  }
0x5b: {  	_ =	swait.ge [sflag:s17], $0x80  }
0x5c: {  	[sflag:s17] =	ssyncset.done $0x0  }
0x5d: {  	[sflag:s17] =	ssyncadd.s32 $0xFFFFFF80  }
0x5e: {  	_ =	swait.ge [sflag:s18], $0x80  }
0x5f: {  	[sflag:s18] =	ssyncset.done $0x0  }
0x60: {  	[sflag:s18] =	ssyncadd.s32 $0xFFFFFF80  }
0x61: {  	_ =	swait.ge [sflag:s17], $0x80  }
0x62: {  	[sflag:s17] =	ssyncset.done $0x0  }
0x63: {  	[sflag:s17] =	ssyncadd.s32 $0xFFFFFF80  }
0x64: {  	_ =	swait.ge [sflag:s18], $0x80  }
0x65: {  	[sflag:s18] =	ssyncset.done $0x0  }
0x66: {  	[sflag:s18] =	ssyncadd.s32 $0xFFFFFF80  }
0x67: {  	_ =	swait.ge [sflag:s17], $0x80  }
0x68: {  	[sflag:s17] =	ssyncset.done $0x0  }
0x69: {  	[sflag:s17] =	ssyncadd.s32 $0xFFFFFF80  }
0x6a: {  	_ =	swait.ge [sflag:s18], $0x80  }
0x6b: {  	[sflag:s18] =	ssyncset.done $0x0  }
0x6c: {  	[sflag:s18] =	ssyncadd.s32 $0xFFFFFF80  }
0x6d: {  	_ =	swait.ge [sflag:s17], $0x80  }
0x6e: {  	[sflag:s17] =	ssyncset.done $0x0  }
0x6f: {  	[sflag:s17] =	ssyncadd.s32 $0xFFFFFF80  }
0x70: {  	_ =	swait.ge [sflag:s18], $0x80  }
0x71: {  	[sflag:s18] =	ssyncset.done $0x0  }
0x72: {  	[sflag:s18] =	ssyncadd.s32 $0xFFFFFF80  }
0x73: {  	_ =	swait.ge [sflag:s17], $0x80  }
0x74: {  	[sflag:s17] =	ssyncset.done $0x0  }
0x75: {  	[sflag:s17] =	ssyncadd.s32 $0xFFFFFF80  }
0x76: {  	_ =	swait.ge [sflag:s18], $0x80  }
0x77: {  	s30 =	simm.s32 $0x2000;
	s26 =	simm.s32 $0x1000;
	[sflag:s18] =	ssyncset.done $0x0  }
.LBB2_7:
0x78: {  	s29 =	sshra.s32 s26, $0x2  }
0x79: {  	[sflag:s18] =	ssyncadd.s32 $0xFFFFFF80;
	s26 =	smov.u32 s30;
	s28 =	sadd.s32 $0x1000, s30  }
0x7a: {  	[spmem:s2] =	stream.indirect.scatter.add.f32 [tilespmem:s11], [sflag:$0x1], $0x1, s29, s16, $0xb8;
	[tilespmem:$0x5580] =	vst v63  }
0x7b: {  	p2 =	sne.s32 s30, $0x9000;
	s30 =	sadd.s32 $0x2800, s29  }
0x7c: {  	[spmem:s3] =	stream.indirect.scatter.add.f32 [tilespmem:s11], [sflag:$0x2], $0x1, s30, s16, $0xb8;
	[tilespmem:$0x5580] =	vst v63  }
0x7d: {  	s30 =	sadd.s32 $0x80, s29  }
0x7e: {  	[spmem:s2] =	stream.indirect.scatter.add.f32 [tilespmem:s11], [sflag:$0x1], $0x1, s30, s16, $0xb8;
	[tilespmem:$0x5580] =	vst v63  }
0x7f: {  	s30 =	sadd.s32 $0x2880, s29  }
0x80: {  	[spmem:s3] =	stream.indirect.scatter.add.f32 [tilespmem:s11], [sflag:$0x2], $0x1, s30, s16, $0xb8;
	[tilespmem:$0x5580] =	vst v63  }
0x81: {  	s30 =	sadd.s32 $0x100, s29  }
0x82: {  	[spmem:s2] =	stream.indirect.scatter.add.f32 [tilespmem:s11], [sflag:$0x1], $0x1, s30, s16, $0xb8;
	[tilespmem:$0x5580] =	vst v63  }
0x83: {  	s30 =	sadd.s32 $0x2900, s29  }
0x84: {  	[spmem:s3] =	stream.indirect.scatter.add.f32 [tilespmem:s11], [sflag:$0x2], $0x1, s30, s16, $0xb8;
	[tilespmem:$0x5580] =	vst v63  }
0x85: {  	s30 =	sadd.s32 $0x180, s29  }
0x86: {  	[spmem:s2] =	stream.indirect.scatter.add.f32 [tilespmem:s11], [sflag:$0x1], $0x1, s30, s16, $0xb8;
	[tilespmem:$0x5580] =	vst v63  }
0x87: {  	s30 =	sadd.s32 $0x2980, s29  }
0x88: {  	[spmem:s3] =	stream.indirect.scatter.add.f32 [tilespmem:s11], [sflag:$0x2], $0x1, s30, s16, $0xb8;
	[tilespmem:$0x5580] =	vst v63  }
0x89: {  	s30 =	sadd.s32 $0x200, s29  }
0x8a: {  	[spmem:s2] =	stream.indirect.scatter.add.f32 [tilespmem:s11], [sflag:$0x1], $0x1, s30, s16, $0xb8;
	[tilespmem:$0x5580] =	vst v63  }
0x8b: {  	s30 =	sadd.s32 $0x2A00, s29  }
0x8c: {  	[spmem:s3] =	stream.indirect.scatter.add.f32 [tilespmem:s11], [sflag:$0x2], $0x1, s30, s16, $0xb8;
	[tilespmem:$0x5580] =	vst v63  }
0x8d: {  	s30 =	sadd.s32 $0x280, s29  }
0x8e: {  	[spmem:s2] =	stream.indirect.scatter.add.f32 [tilespmem:s11], [sflag:$0x1], $0x1, s30, s16, $0xb8;
	[tilespmem:$0x5580] =	vst v63  }
0x8f: {  	s30 =	sadd.s32 $0x2A80, s29  }
0x90: {  	[spmem:s3] =	stream.indirect.scatter.add.f32 [tilespmem:s11], [sflag:$0x2], $0x1, s30, s16, $0xb8;
	[tilespmem:$0x5580] =	vst v63  }
0x91: {  	s30 =	sadd.s32 $0x300, s29  }
0x92: {  	[spmem:s2] =	stream.indirect.scatter.add.f32 [tilespmem:s11], [sflag:$0x1], $0x1, s30, s16, $0xb8;
	[tilespmem:$0x5580] =	vst v63  }
0x93: {  	s30 =	sadd.s32 $0x2B00, s29  }
0x94: {  	[spmem:s3] =	stream.indirect.scatter.add.f32 [tilespmem:s11], [sflag:$0x2], $0x1, s30, s16, $0xb8;
	[tilespmem:$0x5580] =	vst v63  }
0x95: {  	s30 =	sadd.s32 $0x380, s29  }
0x96: {  	[spmem:s2] =	stream.indirect.scatter.add.f32 [tilespmem:s11], [sflag:$0x1], $0x1, s30, s16, $0xb8;
	[tilespmem:$0x5580] =	vst v63  }
0x97: {  	s29 =	sadd.s32 $0x2B80, s29  }
0x98: {  	[spmem:s3] =	stream.indirect.scatter.add.f32 [tilespmem:s11], [sflag:$0x2], $0x1, s29, s16, $0xb8;
	[tilespmem:$0x5580] =	vst v63  }
0x99: {  	_ =	swait.ge [sflag:s17], $0x80  }
0x9a: {  	[sflag:s17] =	ssyncset.done $0x0  }
0x9b: {  	[sflag:s17] =	ssyncadd.s32 $0xFFFFFF80  }
0x9c: {  	_ =	swait.ge [sflag:s18], $0x80  }
0x9d: {  	[sflag:s18] =	ssyncset.done $0x0  }
0x9e: {  	[sflag:s18] =	ssyncadd.s32 $0xFFFFFF80  }
0x9f: {  	_ =	swait.ge [sflag:s17], $0x80  }
0xa0: {  	[sflag:s17] =	ssyncset.done $0x0  }
0xa1: {  	[sflag:s17] =	ssyncadd.s32 $0xFFFFFF80  }
0xa2: {  	_ =	swait.ge [sflag:s18], $0x80  }
0xa3: {  	[sflag:s18] =	ssyncset.done $0x0  }
0xa4: {  	[sflag:s18] =	ssyncadd.s32 $0xFFFFFF80  }
0xa5: {  	_ =	swait.ge [sflag:s17], $0x80  }
0xa6: {  	[sflag:s17] =	ssyncset.done $0x0  }
0xa7: {  	[sflag:s17] =	ssyncadd.s32 $0xFFFFFF80  }
0xa8: {  	_ =	swait.ge [sflag:s18], $0x80  }
0xa9: {  	[sflag:s18] =	ssyncset.done $0x0  }
0xaa: {  	[sflag:s18] =	ssyncadd.s32 $0xFFFFFF80  }
0xab: {  	_ =	swait.ge [sflag:s17], $0x80  }
0xac: {  	[sflag:s17] =	ssyncset.done $0x0  }
0xad: {  	[sflag:s17] =	ssyncadd.s32 $0xFFFFFF80  }
0xae: {  	_ =	swait.ge [sflag:s18], $0x80  }
0xaf: {  	[sflag:s18] =	ssyncset.done $0x0  }
0xb0: {  	[sflag:s18] =	ssyncadd.s32 $0xFFFFFF80  }
0xb1: {  	_ =	swait.ge [sflag:s17], $0x80  }
0xb2: {  	[sflag:s17] =	ssyncset.done $0x0  }
0xb3: {  	[sflag:s17] =	ssyncadd.s32 $0xFFFFFF80  }
0xb4: {  	_ =	swait.ge [sflag:s18], $0x80  }
0xb5: {  	[sflag:s18] =	ssyncset.done $0x0  }
0xb6: {  	[sflag:s18] =	ssyncadd.s32 $0xFFFFFF80  }
0xb7: {  	_ =	swait.ge [sflag:s17], $0x80  }
0xb8: {  	[sflag:s17] =	ssyncset.done $0x0  }
0xb9: {  	[sflag:s17] =	ssyncadd.s32 $0xFFFFFF80  }
0xba: {  	_ =	swait.ge [sflag:s18], $0x80  }
0xbb: {  	[sflag:s18] =	ssyncset.done $0x0  }
0xbc: {  	[sflag:s18] =	ssyncadd.s32 $0xFFFFFF80  }
0xbd: {  	_ =	swait.ge [sflag:s17], $0x80  }
0xbe: {  	[sflag:s17] =	ssyncset.done $0x0  }
0xbf: {  	[sflag:s17] =	ssyncadd.s32 $0xFFFFFF80  }
0xc0: {  	_ =	swait.ge [sflag:s18], $0x80  }
0xc1: {  	[sflag:s18] =	ssyncset.done $0x0  }
0xc2: {  	[sflag:s18] =	ssyncadd.s32 $0xFFFFFF80  }
.Ltmp3:
0xc3: {  	_ =	swait.ge [sflag:s17], $0x80;
	(pc) =	sbr.rel @p2 .LBB2_7-.Ltmp3, $4  }
0xc4: {  	[sflag:s17] =	ssyncset.done $0x0  }
0xc5: {  	[sflag:s17] =	ssyncadd.s32 $0xFFFFFF80  }
0xc6: {  	_ =	swait.ge [sflag:s18], $0x80  }
0xc7: {  	s30 =	smov.u32 s28;
	[sflag:s18] =	ssyncset.done $0x0  }
0xc8: {  	s26 =	sshra.s32 s26, $0x2;
	[sflag:s18] =	ssyncadd.s32 $0xFFFFFF80  }
0xc9: {  	[spmem:s2] =	stream.indirect.scatter.add.f32 [tilespmem:s11], [sflag:$0x1], $0x1, s26, s16, $0xb8;
	[tilespmem:$0x5580] =	vst v63  }
0xca: {  	s28 =	sadd.s32 $0x2800, s26  }
0xcb: {  	[spmem:s3] =	stream.indirect.scatter.add.f32 [tilespmem:s11], [sflag:$0x2], $0x1, s28, s16, $0xb8;
	[tilespmem:$0x5580] =	vst v63  }
0xcc: {  	s31 =	sadd.s32 $0x80, s26  }
0xcd: {  	[spmem:s2] =	stream.indirect.scatter.add.f32 [tilespmem:s11], [sflag:$0x1], $0x1, s31, s16, $0xb8;
	[tilespmem:$0x5580] =	vst v63  }
0xce: {  	s29 =	sadd.s32 $0x2880, s26  }
0xcf: {  	[spmem:s3] =	stream.indirect.scatter.add.f32 [tilespmem:s11], [sflag:$0x2], $0x1, s29, s16, $0xb8;
	[tilespmem:$0x5580] =	vst v63  }
0xd0: {  	s30 =	sadd.s32 $0x100, s26  }
0xd1: {  	[spmem:s2] =	stream.indirect.scatter.add.f32 [tilespmem:s11], [sflag:$0x1], $0x1, s30, s16, $0xb8;
	[tilespmem:$0x5580] =	vst v63  }
0xd2: {  	s31 =	sadd.s32 $0x2900, s26  }
0xd3: {  	[spmem:s3] =	stream.indirect.scatter.add.f32 [tilespmem:s11], [sflag:$0x2], $0x1, s31, s16, $0xb8;
	[tilespmem:$0x5580] =	vst v63  }
0xd4: {  	s29 =	sadd.s32 $0x180, s26  }
0xd5: {  	[spmem:s2] =	stream.indirect.scatter.add.f32 [tilespmem:s11], [sflag:$0x1], $0x1, s29, s16, $0xb8;
	[tilespmem:$0x5580] =	vst v63  }
0xd6: {  	s30 =	sadd.s32 $0x2980, s26  }
0xd7: {  	[spmem:s3] =	stream.indirect.scatter.add.f32 [tilespmem:s11], [sflag:$0x2], $0x1, s30, s16, $0xb8;
	[tilespmem:$0x5580] =	vst v63  }
0xd8: {  	s31 =	sadd.s32 $0x200, s26  }
0xd9: {  	[spmem:s2] =	stream.indirect.scatter.add.f32 [tilespmem:s11], [sflag:$0x1], $0x1, s31, s16, $0xb8;
	[tilespmem:$0x5580] =	vst v63  }
0xda: {  	s29 =	sadd.s32 $0x2A00, s26  }
0xdb: {  	[spmem:s3] =	stream.indirect.scatter.add.f32 [tilespmem:s11], [sflag:$0x2], $0x1, s29, s16, $0xb8;
	[tilespmem:$0x5580] =	vst v63  }
0xdc: {  	s30 =	sadd.s32 $0x280, s26  }
0xdd: {  	[spmem:s2] =	stream.indirect.scatter.add.f32 [tilespmem:s11], [sflag:$0x1], $0x1, s30, s16, $0xb8;
	[tilespmem:$0x5580] =	vst v63  }
0xde: {  	s31 =	sadd.s32 $0x2A80, s26  }
0xdf: {  	[spmem:s3] =	stream.indirect.scatter.add.f32 [tilespmem:s11], [sflag:$0x2], $0x1, s31, s16, $0xb8;
	[tilespmem:$0x5580] =	vst v63  }
0xe0: {  	s29 =	sadd.s32 $0x300, s26  }
0xe1: {  	[spmem:s2] =	stream.indirect.scatter.add.f32 [tilespmem:s11], [sflag:$0x1], $0x1, s29, s16, $0xb8;
	[tilespmem:$0x5580] =	vst v63  }
0xe2: {  	s30 =	sadd.s32 $0x2B00, s26  }
0xe3: {  	[spmem:s3] =	stream.indirect.scatter.add.f32 [tilespmem:s11], [sflag:$0x2], $0x1, s30, s16, $0xb8;
	[tilespmem:$0x5580] =	vst v63  }
0xe4: {  	s31 =	sadd.s32 $0x380, s26  }
0xe5: {  	[spmem:s2] =	stream.indirect.scatter.add.f32 [tilespmem:s11], [sflag:$0x1], $0x1, s31, s16, $0xb8;
	[tilespmem:$0x5580] =	vst v63  }
0xe6: {  	s26 =	sadd.s32 $0x2B80, s26  }
0xe7: {  	[spmem:s3] =	stream.indirect.scatter.add.f32 [tilespmem:s11], [sflag:$0x2], $0x1, s26, s16, $0xb8;
	[tilespmem:$0x5580] =	vst v63  }
0xe8: {  	_ =	swait.ge [sflag:s17], $0x80  }
0xe9: {  	[sflag:s17] =	ssyncset.done $0x0  }
0xea: {  	[sflag:s17] =	ssyncadd.s32 $0xFFFFFF80  }
0xeb: {  	_ =	swait.ge [sflag:s18], $0x80  }
0xec: {  	[sflag:s18] =	ssyncset.done $0x0  }
0xed: {  	[sflag:s18] =	ssyncadd.s32 $0xFFFFFF80  }
0xee: {  	_ =	swait.ge [sflag:s17], $0x80  }
0xef: {  	[sflag:s17] =	ssyncset.done $0x0  }
0xf0: {  	[sflag:s17] =	ssyncadd.s32 $0xFFFFFF80  }
0xf1: {  	_ =	swait.ge [sflag:s18], $0x80  }
0xf2: {  	[sflag:s18] =	ssyncset.done $0x0  }
0xf3: {  	[sflag:s18] =	ssyncadd.s32 $0xFFFFFF80  }
0xf4: {  	_ =	swait.ge [sflag:s17], $0x80  }
0xf5: {  	[sflag:s17] =	ssyncset.done $0x0  }
0xf6: {  	[sflag:s17] =	ssyncadd.s32 $0xFFFFFF80  }
0xf7: {  	_ =	swait.ge [sflag:s18], $0x80  }
0xf8: {  	[sflag:s18] =	ssyncset.done $0x0  }
0xf9: {  	[sflag:s18] =	ssyncadd.s32 $0xFFFFFF80  }
0xfa: {  	_ =	swait.ge [sflag:s17], $0x80  }
0xfb: {  	[sflag:s17] =	ssyncset.done $0x0  }
0xfc: {  	[sflag:s17] =	ssyncadd.s32 $0xFFFFFF80  }
0xfd: {  	_ =	swait.ge [sflag:s18], $0x80  }
0xfe: {  	[sflag:s18] =	ssyncset.done $0x0  }
0xff: {  	[sflag:s18] =	ssyncadd.s32 $0xFFFFFF80  }
0x100: {  	_ =	swait.ge [sflag:s17], $0x80  }
0x101: {  	[sflag:s17] =	ssyncset.done $0x0  }
0x102: {  	[sflag:s17] =	ssyncadd.s32 $0xFFFFFF80  }
0x103: {  	_ =	swait.ge [sflag:s18], $0x80  }
0x104: {  	[sflag:s18] =	ssyncset.done $0x0  }
0x105: {  	[sflag:s18] =	ssyncadd.s32 $0xFFFFFF80  }
0x106: {  	_ =	swait.ge [sflag:s17], $0x80  }
0x107: {  	[sflag:s17] =	ssyncset.done $0x0  }
0x108: {  	[sflag:s17] =	ssyncadd.s32 $0xFFFFFF80  }
0x109: {  	_ =	swait.ge [sflag:s18], $0x80  }
0x10a: {  	[sflag:s18] =	ssyncset.done $0x0  }
0x10b: {  	[sflag:s18] =	ssyncadd.s32 $0xFFFFFF80  }
0x10c: {  	_ =	swait.ge [sflag:s17], $0x80  }
0x10d: {  	[sflag:s17] =	ssyncset.done $0x0  }
0x10e: {  	[sflag:s17] =	ssyncadd.s32 $0xFFFFFF80  }
0x10f: {  	_ =	swait.ge [sflag:s18], $0x80  }
0x110: {  	[sflag:s18] =	ssyncset.done $0x0  }
0x111: {  	[sflag:s18] =	ssyncadd.s32 $0xFFFFFF80  }
0x112: {  	_ =	swait.ge [sflag:s17], $0x80  }
0x113: {  	[sflag:s17] =	ssyncset.done $0x0  }
0x114: {  	[sflag:s17] =	ssyncadd.s32 $0xFFFFFF80  }
0x115: {  	_ =	swait.ge [sflag:s18], $0x80  }
0x116: {  	[sflag:s18] =	ssyncset.done $0x0  }
0x117: {  	[sflag:s18] =	ssyncadd.s32 $0xFFFFFF80  }
0x118: {  	[bflag:$0x0] =	sbarrier.arrive $0xFFFF  }
0x119: {  	[hbm:s8@s21], [sflag:s19] =	dma.strided [spmem:s20@s22], $0x50, s17, $0x10   }
0x11a: {  	s25 =	sadd.s32 $0x1, s25;
	_ =	swait.ge [sflag:s12], $0x50  }
0x11b: {  	p2 =	sne.s32 s25, s10;
	[sflag:s12] =	ssyncset.done $0x0  }
.Ltmp4:
0x11c: {  	[sflag:s12] =	ssyncadd.s32 $0xFFFFFFB0;
	(pc) =	sbr.rel @p2 .LBB2_1-.Ltmp4, $4  }
0x11d: {  	[hbm:s9@s21], [sflag:s19] =	dma.strided [spmem:s23@s22], $0x50, s17, $0x10   }
0x11e: {  	_ =	swait.ge [sflag:s12], $0x50  }
0x11f: {  	[sflag:s12] =	ssyncset.done $0x0  }
0x120: {  	[sflag:s12] =	ssyncadd.s32 $0xFFFFFFB0  }
0x121: {  	_ =	sfence.sel $0x180000  }
0x122: {  	[bflag:$0x0] =	sbarrier.arrive $0xFFFF  }
0x123: {  	_ =	strace $0x90000047  }
0x124: {  	s0 =	sadd.s32 @!p1 $0x100000, s1;
	[bflag:$0x2] =	sbarrier.arrive $0xFFFF  }
0x125: {  	[sflag:s0] =	ssyncadd.tile.s32 @!p1 $0x1;
	_ =	shalt  }
.Lfunc_end2:
_tile_overlayer_lowered:
.L_overlay_start_2:
0x126: {  	(tag) =	ssettag $0x2  }
0x127: {  	s0 =	rddreg [dreg:$0x0];
	s2 =	stileid.u32  }
0x128: {  	s1 =	rddreg [dreg:$0x1];
	p0 =	sne.s32 s2, $0x0  }
0x129: {  	s3 =	rddreg [dreg:$0x2];
	[bflag:$0x3] =	sbarrier.arrive $0xFFFF;
	s2 =	simm.s32 @!p0 $0x1C03  }
0x12a: {  	[timem:s3], [sflag:s2] =	dma.local @!p0 [hbm:s0], s1  }
0x12b: {  	s0 =	simm.s32 @!p0 $0x3  }
0x12c: {  	_ =	swait.ge @!p0 [sflag:s0], s1  }
0x12d: {  	s1 =	ssub.s32 @!p0 $0x0, s1;
	[sflag:s0] =	ssyncset.done @!p0 $0x0  }
0x12e: {  	[sflag:s0] =	ssyncadd.s32 @!p0 s1  }
0x12f: {  	[bflag:$0x3] =	sbarrier.arrive $0xFFFF  }
0x130: {  	_ =	shalt  }

</sc_bundles>
